<compile_context>
chip_gen: v7x
topology: tpu7x:2x2x1
jax: 0.10.2.dev20260603
libtpu: 0.0.44.dev20260713+nightly
codegen_flags: <defaults>
</compile_context>

<pallas_src>
import functools

import jax
import jax.numpy as jnp
from jax import lax
from jax.experimental import pallas as pl
from jax.experimental.pallas import tpu as pltpu
from jax.experimental.pallas import tpu_sc as plsc

NUM_VOCAB = 100000
NUM_CLASS = 100
EMBED_DIM = 256
HIDDEN_DIM = 128
B, L = 4096, 200

NC, NS, LANES = 2, 16, 16
NW = NC * NS
ROWS_PER_W = B // NW
NCHUNK = 5
CHUNK = L // NCHUNK
NDREG = EMBED_DIM // LANES


def _make_sc_pool():
    mesh = plsc.VectorSubcoreMesh(core_axis_name="c", subcore_axis_name="s")

    @functools.partial(
        pl.kernel,
        mesh=mesh,
        out_type=jax.ShapeDtypeStruct((NW, ROWS_PER_W, EMBED_DIM), jnp.float32),
        scratch_types=(
            [pltpu.VMEM((ROWS_PER_W * L,), jnp.int32)]
            + [pltpu.VMEM((CHUNK, EMBED_DIM), jnp.float32)
               for _ in range(NCHUNK)]
            + [pltpu.VMEM((ROWS_PER_W, EMBED_DIM), jnp.float32)]
            + [pltpu.SemaphoreType.DMA for _ in range(NCHUNK)]
        ),
    )
    def sc_pool(x_hbm, emb_hbm, h0_hbm, idx_v, *rest):
        bufs = rest[:NCHUNK]
        out_v = rest[NCHUNK]
        sems = rest[NCHUNK + 1:]
        wid = lax.axis_index("s") * NC + lax.axis_index("c")
        pltpu.sync_copy(x_hbm.at[wid], idx_v)
        for j in range(NCHUNK):
            pltpu.async_copy(emb_hbm.at[idx_v.at[pl.ds(j * CHUNK, CHUNK)]],
                             bufs[j], sems[j])

        zero = jnp.zeros((LANES,), jnp.float32)

        def accum(buf, carry):
            def tok_body(t, c):
                ss, zc = c
                ss, zc = list(ss), list(zc)
                for d in range(NDREG):
                    v = buf[t, pl.ds(d * LANES, LANES)]
                    ss[d] = ss[d] + v
                    zc[d] = zc[d] + jnp.where(v == 0.0, 1.0, 0.0)
                return tuple(ss), tuple(zc)

            return plsc.parallel_loop(0, CHUNK, carry=carry)(tok_body)

        def row_body(b, _):
            carry = (tuple(zero for _ in range(NDREG)),) * 2
            for j in range(NCHUNK):
                pltpu.make_async_copy(
                    emb_hbm.at[idx_v.at[pl.ds(j * CHUNK, CHUNK)]],
                    bufs[j], sems[j]).wait()
                carry = accum(bufs[j], carry)

                @pl.when(b + 1 < ROWS_PER_W)
                def _(j=j):
                    pltpu.async_copy(
                        emb_hbm.at[idx_v.at[pl.ds((b + 1) * L + j * CHUNK, CHUNK)]],
                        bufs[j], sems[j])

            ss, zcs = carry
            for d in range(NDREG):
                cnt = float(L) - zcs[d]
                out_v[b, pl.ds(d * LANES, LANES)] = ss[d] / jnp.maximum(cnt, 1.0)
            return 0

        lax.fori_loop(0, ROWS_PER_W, row_body, 0)
        pltpu.sync_copy(out_v, h0_hbm.at[wid])

    return sc_pool


_sc_pool = _make_sc_pool()


def _mlp_body(h0_ref, w1_ref, b1_ref, w2_ref, b2_ref, out_ref):
    h1 = jnp.dot(h0_ref[...], w1_ref[...], preferred_element_type=jnp.float32)
    h1 = jnp.maximum(h1 + b1_ref[...], 0.0)
    h2 = jnp.dot(h1, w2_ref[...], preferred_element_type=jnp.float32)
    out_ref[...] = jnp.maximum(h2 + b2_ref[...], 0.0)


def _mlp(h0, W1, b1, W2p, b2p):
    return pl.pallas_call(
        _mlp_body,
        out_shape=jax.ShapeDtypeStruct((B, 128), jnp.float32),
    )(h0, W1, b1.reshape(1, HIDDEN_DIM), W2p, b2p.reshape(1, 128))


def kernel(x, emb, W1, b1, W2, b2):
    x3 = x.astype(jnp.int32).reshape(NW, ROWS_PER_W * L)
    h0 = _sc_pool(x3, emb).reshape(B, EMBED_DIM)
    W2p = jnp.pad(W2, ((0, 0), (0, 128 - NUM_CLASS)))
    b2p = jnp.pad(b2, (0, 128 - NUM_CLASS))
    out = _mlp(h0, W1, b1, W2p, b2p)
    return out[:, :NUM_CLASS]

# --- scband reference (transcript-rebuilt; emitter-appended) ---
"""Pipeline reference for scband-model-15135464751178 (READ-ONLY COPY).

The authoritative reference and input builder live on the scoring server;
editing this copy changes nothing except your own understanding.
"""

import jax, jax.numpy as jnp
import numpy as np

NUM_VOCAB = 100000
NUM_CLASS = 100
EMBED_DIM = 256
HIDDEN_DIM = 128
B, L = 4096, 200


def setup_inputs(seed: int = 0) -> dict:
    key = jax.random.key(seed)
    k0, k1, k2, k3, k4, k5 = jax.random.split(key, 6)
    x = jax.random.randint(k0, (B, L), 0, NUM_VOCAB + 1, dtype=jnp.int64 if jax.config.jax_enable_x64 else jnp.int32)
    emb = jax.random.normal(k1, (NUM_VOCAB + 1, EMBED_DIM), dtype=jnp.float32) * 0.02
    emb = emb.at[0].set(0.0)  # padding_idx=0
    W1 = jax.random.normal(k2, (EMBED_DIM, HIDDEN_DIM), dtype=jnp.float32) * (1.0 / np.sqrt(EMBED_DIM))
    b1 = jax.random.normal(k3, (HIDDEN_DIM,), dtype=jnp.float32) * 0.01
    W2 = jax.random.normal(k4, (HIDDEN_DIM, NUM_CLASS), dtype=jnp.float32) * (1.0 / np.sqrt(HIDDEN_DIM))
    b2 = jax.random.normal(k5, (NUM_CLASS,), dtype=jnp.float32) * 0.01
    return {"x": x, "emb": emb, "W1": W1, "b1": b1, "W2": W2, "b2": b2}


def reference(x, emb, W1, b1, W2, b2):
    # x -> embedded: [B, L, EMBED_DIM]
    e = jnp.take(emb, x, axis=0)
    # NOTE: faithful to the torch module, which counts nonzero EMBEDDING values
    # (x was reassigned to the embedded tensor before the mask is computed).
    denom = jnp.clip(jnp.sum(e != 0, axis=1).astype(jnp.float32), 1.0, None)
    h0 = jnp.sum(e, axis=1) / denom
    h1 = jax.nn.relu(h0 @ W1 + b1)
    # dropout is identity in eval mode
    out = jax.nn.relu(h1 @ W2 + b2)
    return out

if __name__ == "__main__":
    import jax
    _d = setup_inputs()
    print(jax.jit(kernel)(*tuple(_d.values())))

</pallas_src>

<mosaic_0001>
#map = affine_map<(d0, d1) -> (0, 0)>
#map1 = affine_map<(d0, d1) -> (0, 0, 0)>
module attributes {stable_mosaic.version = 14 : i64} {
  func.func @sc_pool(%arg0: i32, %arg1: i32, %arg2: memref<32x25600xi32, #tpu.memory_space<hbm>>, %arg3: memref<100001x256xf32, #tpu.memory_space<hbm>>, %arg4: memref<32x128x256xf32, #tpu.memory_space<hbm>>, %arg5: memref<25600xi32, #tpu.memory_space<vmem>>, %arg6: memref<40x256xf32, #tpu.memory_space<vmem>>, %arg7: memref<40x256xf32, #tpu.memory_space<vmem>>, %arg8: memref<40x256xf32, #tpu.memory_space<vmem>>, %arg9: memref<40x256xf32, #tpu.memory_space<vmem>>, %arg10: memref<40x256xf32, #tpu.memory_space<vmem>>, %arg11: memref<128x256xf32, #tpu.memory_space<vmem>>, %arg12: memref<!tpu.dma_semaphore, #tpu.memory_space<semaphore_mem>>, %arg13: memref<!tpu.dma_semaphore, #tpu.memory_space<semaphore_mem>>, %arg14: memref<!tpu.dma_semaphore, #tpu.memory_space<semaphore_mem>>, %arg15: memref<!tpu.dma_semaphore, #tpu.memory_space<semaphore_mem>>, %arg16: memref<!tpu.dma_semaphore, #tpu.memory_space<semaphore_mem>>) attributes {dimension_semantics = [#tpu.dimension_semantics<core_parallel>, #tpu.dimension_semantics<subcore_parallel>], iteration_bounds = array<i64: 2, 16>, scalar_prefetch = 0 : i64, scratch_operands = 12 : i64, tpu.core_type = #tpu.core_type<sc_vector_subcore>, window_params = [{transform_indices = #map}, {transform_indices = #map}, {transform_indices = #map1}]} {
    %mul3A = arith.constant 2 : i32
    %mul3A_0 = arith.muli %arg1, %mul3A : i32
    %add3A = arith.addi %mul3A_0, %arg0 : i32
    "tpu.region"() ({
      %run_scoped3A = tpu.sem_alloc : memref<!tpu.dma_semaphore, #tpu.memory_space<semaphore_mem>>
      %dma_start3A_32 = arith.constant 0 : i32
      %dma_start3A_33 = tpu.memref_slice %arg2[%add3A, %dma_start3A_32] : memref<32x25600xi32, #tpu.memory_space<hbm>> -> memref<1x25600xi32, #tpu.memory_space<hbm>>
      %dma_start3A_34 = tpu.memref_squeeze %dma_start3A_33 : memref<1x25600xi32, #tpu.memory_space<hbm>> -> memref<25600xi32, #tpu.memory_space<hbm>>
      %dma_start3A_35 = arith.constant 0 : i32
      %dma_start3A_36 = tpu.memref_slice %arg2[%add3A, %dma_start3A_35] : memref<32x25600xi32, #tpu.memory_space<hbm>> -> memref<1x25600xi32, #tpu.memory_space<hbm>>
      %dma_start3A_37 = tpu.memref_squeeze %dma_start3A_36 : memref<1x25600xi32, #tpu.memory_space<hbm>> -> memref<25600xi32, #tpu.memory_space<hbm>>
      tpu.enqueue_dma source(%dma_start3A_37 : memref<25600xi32, #tpu.memory_space<hbm>>) target(%arg5 : memref<25600xi32, #tpu.memory_space<vmem>>) target_semaphore(%run_scoped3A : memref<!tpu.dma_semaphore, #tpu.memory_space<semaphore_mem>>)
      %dma_wait3A = arith.constant 0 : i32
      %dma_wait3A_38 = tpu.memref_slice %arg2[%add3A, %dma_wait3A] : memref<32x25600xi32, #tpu.memory_space<hbm>> -> memref<1x25600xi32, #tpu.memory_space<hbm>>
      %dma_wait3A_39 = tpu.memref_squeeze %dma_wait3A_38 : memref<1x25600xi32, #tpu.memory_space<hbm>> -> memref<25600xi32, #tpu.memory_space<hbm>>
      %dma_wait3A_40 = arith.constant 0 : i32
      %dma_wait3A_41 = tpu.memref_slice %arg2[%add3A, %dma_wait3A_40] : memref<32x25600xi32, #tpu.memory_space<hbm>> -> memref<1x25600xi32, #tpu.memory_space<hbm>>
      %dma_wait3A_42 = tpu.memref_squeeze %dma_wait3A_41 : memref<1x25600xi32, #tpu.memory_space<hbm>> -> memref<25600xi32, #tpu.memory_space<hbm>>
      tpu.wait_dma2 semaphore(%run_scoped3A : memref<!tpu.dma_semaphore, #tpu.memory_space<semaphore_mem>>) src(%dma_wait3A_42 : memref<25600xi32, #tpu.memory_space<hbm>>) dst(%arg5 : memref<25600xi32, #tpu.memory_space<vmem>>)
      tpu.yield
    }) : () -> ()
    %dma_start3A = arith.constant 0 : i32
    %dma_start3A_1 = tpu.memref_slice %arg5[%dma_start3A] : memref<25600xi32, #tpu.memory_space<vmem>> -> memref<40xi32, #tpu.memory_space<vmem>>
    %dma_start3A_2 = arith.constant 0 : i32
    %dma_start3A_3 = arith.constant 0 : i32
    %dma_start3A_4 = tpu.memref_slice %arg3[%dma_start3A_2, %dma_start3A_3] : memref<100001x256xf32, #tpu.memory_space<hbm>> -> memref<100001x256xf32, #tpu.memory_space<hbm>>
    tpu.enqueue_indirect_dma source(%dma_start3A_4 : memref<100001x256xf32, #tpu.memory_space<hbm>>) target(%arg6 : memref<40x256xf32, #tpu.memory_space<vmem>>) offsets(%dma_start3A_1 : memref<40xi32, #tpu.memory_space<vmem>>) semaphore(%arg12 : memref<!tpu.dma_semaphore, #tpu.memory_space<semaphore_mem>>)
    %dma_start3A_5 = arith.constant 40 : i32
    %dma_start3A_6 = tpu.memref_slice %arg5[%dma_start3A_5] : memref<25600xi32, #tpu.memory_space<vmem>> -> memref<40xi32, #tpu.memory_space<vmem>>
    %dma_start3A_7 = arith.constant 0 : i32
    %dma_start3A_8 = arith.constant 0 : i32
    %dma_start3A_9 = tpu.memref_slice %arg3[%dma_start3A_7, %dma_start3A_8] : memref<100001x256xf32, #tpu.memory_space<hbm>> -> memref<100001x256xf32, #tpu.memory_space<hbm>>
    tpu.enqueue_indirect_dma source(%dma_start3A_9 : memref<100001x256xf32, #tpu.memory_space<hbm>>) target(%arg7 : memref<40x256xf32, #tpu.memory_space<vmem>>) offsets(%dma_start3A_6 : memref<40xi32, #tpu.memory_space<vmem>>) semaphore(%arg13 : memref<!tpu.dma_semaphore, #tpu.memory_space<semaphore_mem>>)
    %dma_start3A_10 = arith.constant 80 : i32
    %dma_start3A_11 = tpu.memref_slice %arg5[%dma_start3A_10] : memref<25600xi32, #tpu.memory_space<vmem>> -> memref<40xi32, #tpu.memory_space<vmem>>
    %dma_start3A_12 = arith.constant 0 : i32
    %dma_start3A_13 = arith.constant 0 : i32
    %dma_start3A_14 = tpu.memref_slice %arg3[%dma_start3A_12, %dma_start3A_13] : memref<100001x256xf32, #tpu.memory_space<hbm>> -> memref<100001x256xf32, #tpu.memory_space<hbm>>
    tpu.enqueue_indirect_dma source(%dma_start3A_14 : memref<100001x256xf32, #tpu.memory_space<hbm>>) target(%arg8 : memref<40x256xf32, #tpu.memory_space<vmem>>) offsets(%dma_start3A_11 : memref<40xi32, #tpu.memory_space<vmem>>) semaphore(%arg14 : memref<!tpu.dma_semaphore, #tpu.memory_space<semaphore_mem>>)
    %dma_start3A_15 = arith.constant 120 : i32
    %dma_start3A_16 = tpu.memref_slice %arg5[%dma_start3A_15] : memref<25600xi32, #tpu.memory_space<vmem>> -> memref<40xi32, #tpu.memory_space<vmem>>
    %dma_start3A_17 = arith.constant 0 : i32
    %dma_start3A_18 = arith.constant 0 : i32
    %dma_start3A_19 = tpu.memref_slice %arg3[%dma_start3A_17, %dma_start3A_18] : memref<100001x256xf32, #tpu.memory_space<hbm>> -> memref<100001x256xf32, #tpu.memory_space<hbm>>
    tpu.enqueue_indirect_dma source(%dma_start3A_19 : memref<100001x256xf32, #tpu.memory_space<hbm>>) target(%arg9 : memref<40x256xf32, #tpu.memory_space<vmem>>) offsets(%dma_start3A_16 : memref<40xi32, #tpu.memory_space<vmem>>) semaphore(%arg15 : memref<!tpu.dma_semaphore, #tpu.memory_space<semaphore_mem>>)
    %dma_start3A_20 = arith.constant 160 : i32
    %dma_start3A_21 = tpu.memref_slice %arg5[%dma_start3A_20] : memref<25600xi32, #tpu.memory_space<vmem>> -> memref<40xi32, #tpu.memory_space<vmem>>
    %dma_start3A_22 = arith.constant 0 : i32
    %dma_start3A_23 = arith.constant 0 : i32
    %dma_start3A_24 = tpu.memref_slice %arg3[%dma_start3A_22, %dma_start3A_23] : memref<100001x256xf32, #tpu.memory_space<hbm>> -> memref<100001x256xf32, #tpu.memory_space<hbm>>
    tpu.enqueue_indirect_dma source(%dma_start3A_24 : memref<100001x256xf32, #tpu.memory_space<hbm>>) target(%arg10 : memref<40x256xf32, #tpu.memory_space<vmem>>) offsets(%dma_start3A_21 : memref<40xi32, #tpu.memory_space<vmem>>) semaphore(%arg16 : memref<!tpu.dma_semaphore, #tpu.memory_space<semaphore_mem>>)
    %broadcast_in_dim3A = arith.constant 0.000000e+00 : f32
    %broadcast_in_dim3A_25 = vector.broadcast %broadcast_in_dim3A : f32 to vector<16xf32>
    %scan3A = arith.constant 0 : i32
    %scan3A_26 = arith.constant 0 : i32
    %scan3A_27 = arith.constant 128 : i32
    %scan3A_28 = arith.addi %scan3A_26, %scan3A_27 : i32
    %scan3A_29 = arith.constant 1 : i32
    %scan3A_30 = scf.for %scan3A_32 = %scan3A_26 to %scan3A_28 step %scan3A_29 iter_args(%scan3A_33 = %scan3A) -> (i32)  : i32 {
      %dma_wait3A = arith.constant 0 : i32
      %dma_wait3A_34 = tpu.memref_slice %arg5[%dma_wait3A] : memref<25600xi32, #tpu.memory_space<vmem>> -> memref<40xi32, #tpu.memory_space<vmem>>
      %dma_wait3A_35 = arith.constant 0 : i32
      %dma_wait3A_36 = arith.constant 0 : i32
      %dma_wait3A_37 = tpu.memref_slice %arg3[%dma_wait3A_35, %dma_wait3A_36] : memref<100001x256xf32, #tpu.memory_space<hbm>> -> memref<100001x256xf32, #tpu.memory_space<hbm>>
      tpu.wait_indirect_dma semaphore(%arg12 : memref<!tpu.dma_semaphore, #tpu.memory_space<semaphore_mem>>) src(%dma_wait3A_37 : memref<100001x256xf32, #tpu.memory_space<hbm>>) dst(%arg6 : memref<40x256xf32, #tpu.memory_space<vmem>>)
      %parallel_loop3A = arith.constant 0 : i32
      %parallel_loop3A_38 = arith.constant 40 : i32
      %parallel_loop3A_39 = arith.constant 1 : i32
      %parallel_loop3A_40:32 = scf.for %parallel_loop3A_298 = %parallel_loop3A to %parallel_loop3A_38 step %parallel_loop3A_39 iter_args(%parallel_loop3A_299 = %broadcast_in_dim3A_25, %parallel_loop3A_300 = %broadcast_in_dim3A_25, %parallel_loop3A_301 = %broadcast_in_dim3A_25, %parallel_loop3A_302 = %broadcast_in_dim3A_25, %parallel_loop3A_303 = %broadcast_in_dim3A_25, %parallel_loop3A_304 = %broadcast_in_dim3A_25, %parallel_loop3A_305 = %broadcast_in_dim3A_25, %parallel_loop3A_306 = %broadcast_in_dim3A_25, %parallel_loop3A_307 = %broadcast_in_dim3A_25, %parallel_loop3A_308 = %broadcast_in_dim3A_25, %parallel_loop3A_309 = %broadcast_in_dim3A_25, %parallel_loop3A_310 = %broadcast_in_dim3A_25, %parallel_loop3A_311 = %broadcast_in_dim3A_25, %parallel_loop3A_312 = %broadcast_in_dim3A_25, %parallel_loop3A_313 = %broadcast_in_dim3A_25, %parallel_loop3A_314 = %broadcast_in_dim3A_25, %parallel_loop3A_315 = %broadcast_in_dim3A_25, %parallel_loop3A_316 = %broadcast_in_dim3A_25, %parallel_loop3A_317 = %broadcast_in_dim3A_25, %parallel_loop3A_318 = %broadcast_in_dim3A_25, %parallel_loop3A_319 = %broadcast_in_dim3A_25, %parallel_loop3A_320 = %broadcast_in_dim3A_25, %parallel_loop3A_321 = %broadcast_in_dim3A_25, %parallel_loop3A_322 = %broadcast_in_dim3A_25, %parallel_loop3A_323 = %broadcast_in_dim3A_25, %parallel_loop3A_324 = %broadcast_in_dim3A_25, %parallel_loop3A_325 = %broadcast_in_dim3A_25, %parallel_loop3A_326 = %broadcast_in_dim3A_25, %parallel_loop3A_327 = %broadcast_in_dim3A_25, %parallel_loop3A_328 = %broadcast_in_dim3A_25, %parallel_loop3A_329 = %broadcast_in_dim3A_25, %parallel_loop3A_330 = %broadcast_in_dim3A_25) -> (vector<16xf32>, vector<16xf32>, vector<16xf32>, vector<16xf32>, vector<16xf32>, vector<16xf32>, vector<16xf32>, vector<16xf32>, vector<16xf32>, vector<16xf32>, vector<16xf32>, vector<16xf32>, vector<16xf32>, vector<16xf32>, vector<16xf32>, vector<16xf32>, vector<16xf32>, vector<16xf32>, vector<16xf32>, vector<16xf32>, vector<16xf32>, vector<16xf32>, vector<16xf32>, vector<16xf32>, vector<16xf32>, vector<16xf32>, vector<16xf32>, vector<16xf32>, vector<16xf32>, vector<16xf32>, vector<16xf32>, vector<16xf32>)  : i32 {
        %parallel_loop3A_331 = arith.index_cast %parallel_loop3A_298 : i32 to index
        %parallel_loop3A_332 = arith.constant 0 : index
        %parallel_loop3A_333 = tpu.vector_load %arg6[%parallel_loop3A_331, %parallel_loop3A_332] {strides = array<i32>} : memref<40x256xf32, #tpu.memory_space<vmem>>, vector<1x16xf32>,
        %parallel_loop3A_334 = vector.shape_cast %parallel_loop3A_333 : vector<1x16xf32> to vector<16xf32>
        %parallel_loop3A_335 = arith.addf %parallel_loop3A_299, %parallel_loop3A_334 : vector<16xf32>
        %parallel_loop3A_336 = arith.constant 0.000000e+00 : f32
        %parallel_loop3A_337 = vector.broadcast %parallel_loop3A_336 : f32 to vector<16xf32>
        %parallel_loop3A_338 = arith.cmpf oeq, %parallel_loop3A_334, %parallel_loop3A_337 : vector<16xf32>
        %parallel_loop3A_339 = arith.constant 1.000000e+00 : f32
        %parallel_loop3A_340 = arith.constant 0.000000e+00 : f32
        %parallel_loop3A_341 = vector.broadcast %parallel_loop3A_339 : f32 to vector<16xf32>
        %parallel_loop3A_342 = vector.broadcast %parallel_loop3A_340 : f32 to vector<16xf32>
        %parallel_loop3A_343 = arith.select %parallel_loop3A_338, %parallel_loop3A_341, %parallel_loop3A_342 : vector<16xi1>, vector<16xf32>
        %parallel_loop3A_344 = arith.addf %parallel_loop3A_315, %parallel_loop3A_343 : vector<16xf32>
        %parallel_loop3A_345 = arith.index_cast %parallel_loop3A_298 : i32 to index
        %parallel_loop3A_346 = arith.constant 16 : index
        %parallel_loop3A_347 = tpu.vector_load %arg6[%parallel_loop3A_345, %parallel_loop3A_346] {strides = array<i32>} : memref<40x256xf32, #tpu.memory_space<vmem>>, vector<1x16xf32>,
        %parallel_loop3A_348 = vector.shape_cast %parallel_loop3A_347 : vector<1x16xf32> to vector<16xf32>
        %parallel_loop3A_349 = arith.addf %parallel_loop3A_300, %parallel_loop3A_348 : vector<16xf32>
        %parallel_loop3A_350 = arith.constant 0.000000e+00 : f32
        %parallel_loop3A_351 = vector.broadcast %parallel_loop3A_350 : f32 to vector<16xf32>
        %parallel_loop3A_352 = arith.cmpf oeq, %parallel_loop3A_348, %parallel_loop3A_351 : vector<16xf32>
        %parallel_loop3A_353 = arith.constant 1.000000e+00 : f32
        %parallel_loop3A_354 = arith.constant 0.000000e+00 : f32
        %parallel_loop3A_355 = vector.broadcast %parallel_loop3A_353 : f32 to vector<16xf32>
        %parallel_loop3A_356 = vector.broadcast %parallel_loop3A_354 : f32 to vector<16xf32>
        %parallel_loop3A_357 = arith.select %parallel_loop3A_352, %parallel_loop3A_355, %parallel_loop3A_356 : vector<16xi1>, vector<16xf32>
        %parallel_loop3A_358 = arith.addf %parallel_loop3A_316, %parallel_loop3A_357 : vector<16xf32>
        %parallel_loop3A_359 = arith.index_cast %parallel_loop3A_298 : i32 to index
        %parallel_loop3A_360 = arith.constant 32 : index
        %parallel_loop3A_361 = tpu.vector_load %arg6[%parallel_loop3A_359, %parallel_loop3A_360] {strides = array<i32>} : memref<40x256xf32, #tpu.memory_space<vmem>>, vector<1x16xf32>,
        %parallel_loop3A_362 = vector.shape_cast %parallel_loop3A_361 : vector<1x16xf32> to vector<16xf32>
        %parallel_loop3A_363 = arith.addf %parallel_loop3A_301, %parallel_loop3A_362 : vector<16xf32>
        %parallel_loop3A_364 = arith.constant 0.000000e+00 : f32
        %parallel_loop3A_365 = vector.broadcast %parallel_loop3A_364 : f32 to vector<16xf32>
        %parallel_loop3A_366 = arith.cmpf oeq, %parallel_loop3A_362, %parallel_loop3A_365 : vector<16xf32>
        %parallel_loop3A_367 = arith.constant 1.000000e+00 : f32
        %parallel_loop3A_368 = arith.constant 0.000000e+00 : f32
        %parallel_loop3A_369 = vector.broadcast %parallel_loop3A_367 : f32 to vector<16xf32>
        %parallel_loop3A_370 = vector.broadcast %parallel_loop3A_368 : f32 to vector<16xf32>
        %parallel_loop3A_371 = arith.select %parallel_loop3A_366, %parallel_loop3A_369, %parallel_loop3A_370 : vector<16xi1>, vector<16xf32>
        %parallel_loop3A_372 = arith.addf %parallel_loop3A_317, %parallel_loop3A_371 : vector<16xf32>
        %parallel_loop3A_373 = arith.index_cast %parallel_loop3A_298 : i32 to index
        %parallel_loop3A_374 = arith.constant 48 : index
        %parallel_loop3A_375 = tpu.vector_load %arg6[%parallel_loop3A_373, %parallel_loop3A_374] {strides = array<i32>} : memref<40x256xf32, #tpu.memory_space<vmem>>, vector<1x16xf32>,
        %parallel_loop3A_376 = vector.shape_cast %parallel_loop3A_375 : vector<1x16xf32> to vector<16xf32>
        %parallel_loop3A_377 = arith.addf %parallel_loop3A_302, %parallel_loop3A_376 : vector<16xf32>
        %parallel_loop3A_378 = arith.constant 0.000000e+00 : f32
        %parallel_loop3A_379 = vector.broadcast %parallel_loop3A_378 : f32 to vector<16xf32>
        %parallel_loop3A_380 = arith.cmpf oeq, %parallel_loop3A_376, %parallel_loop3A_379 : vector<16xf32>
        %parallel_loop3A_381 = arith.constant 1.000000e+00 : f32
        %parallel_loop3A_382 = arith.constant 0.000000e+00 : f32
        %parallel_loop3A_383 = vector.broadcast %parallel_loop3A_381 : f32 to vector<16xf32>
        %parallel_loop3A_384 = vector.broadcast %parallel_loop3A_382 : f32 to vector<16xf32>
        %parallel_loop3A_385 = arith.select %parallel_loop3A_380, %parallel_loop3A_383, %parallel_loop3A_384 : vector<16xi1>, vector<16xf32>
        %parallel_loop3A_386 = arith.addf %parallel_loop3A_318, %parallel_loop3A_385 : vector<16xf32>
        %parallel_loop3A_387 = arith.index_cast %parallel_loop3A_298 : i32 to index
        %parallel_loop3A_388 = arith.constant 64 : index
        %parallel_loop3A_389 = tpu.vector_load %arg6[%parallel_loop3A_387, %parallel_loop3A_388] {strides = array<i32>} : memref<40x256xf32, #tpu.memory_space<vmem>>, vector<1x16xf32>,
        %parallel_loop3A_390 = vector.shape_cast %parallel_loop3A_389 : vector<1x16xf32> to vector<16xf32>
        %parallel_loop3A_391 = arith.addf %parallel_loop3A_303, %parallel_loop3A_390 : vector<16xf32>
        %parallel_loop3A_392 = arith.constant 0.000000e+00 : f32
        %parallel_loop3A_393 = vector.broadcast %parallel_loop3A_392 : f32 to vector<16xf32>
        %parallel_loop3A_394 = arith.cmpf oeq, %parallel_loop3A_390, %parallel_loop3A_393 : vector<16xf32>
        %parallel_loop3A_395 = arith.constant 1.000000e+00 : f32
        %parallel_loop3A_396 = arith.constant 0.000000e+00 : f32
        %parallel_loop3A_397 = vector.broadcast %parallel_loop3A_395 : f32 to vector<16xf32>
        %parallel_loop3A_398 = vector.broadcast %parallel_loop3A_396 : f32 to vector<16xf32>
        %parallel_loop3A_399 = arith.select %parallel_loop3A_394, %parallel_loop3A_397, %parallel_loop3A_398 : vector<16xi1>, vector<16xf32>
        %parallel_loop3A_400 = arith.addf %parallel_loop3A_319, %parallel_loop3A_399 : vector<16xf32>
        %parallel_loop3A_401 = arith.index_cast %parallel_loop3A_298 : i32 to index
        %parallel_loop3A_402 = arith.constant 80 : index
        %parallel_loop3A_403 = tpu.vector_load %arg6[%parallel_loop3A_401, %parallel_loop3A_402] {strides = array<i32>} : memref<40x256xf32, #tpu.memory_space<vmem>>, vector<1x16xf32>,
        %parallel_loop3A_404 = vector.shape_cast %parallel_loop3A_403 : vector<1x16xf32> to vector<16xf32>
        %parallel_loop3A_405 = arith.addf %parallel_loop3A_304, %parallel_loop3A_404 : vector<16xf32>
        %parallel_loop3A_406 = arith.constant 0.000000e+00 : f32
        %parallel_loop3A_407 = vector.broadcast %parallel_loop3A_406 : f32 to vector<16xf32>
        %parallel_loop3A_408 = arith.cmpf oeq, %parallel_loop3A_404, %parallel_loop3A_407 : vector<16xf32>
        %parallel_loop3A_409 = arith.constant 1.000000e+00 : f32
        %parallel_loop3A_410 = arith.constant 0.000000e+00 : f32
        %parallel_loop3A_411 = vector.broadcast %parallel_loop3A_409 : f32 to vector<16xf32>
        %parallel_loop3A_412 = vector.broadcast %parallel_loop3A_410 : f32 to vector<16xf32>
        %parallel_loop3A_413 = arith.select %parallel_loop3A_408, %parallel_loop3A_411, %parallel_loop3A_412 : vector<16xi1>, vector<16xf32>
        %parallel_loop3A_414 = arith.addf %parallel_loop3A_320, %parallel_loop3A_413 : vector<16xf32>
        %parallel_loop3A_415 = arith.index_cast %parallel_loop3A_298 : i32 to index
        %parallel_loop3A_416 = arith.constant 96 : index
        %parallel_loop3A_417 = tpu.vector_load %arg6[%parallel_loop3A_415, %parallel_loop3A_416] {strides = array<i32>} : memref<40x256xf32, #tpu.memory_space<vmem>>, vector<1x16xf32>,
        %parallel_loop3A_418 = vector.shape_cast %parallel_loop3A_417 : vector<1x16xf32> to vector<16xf32>
        %parallel_loop3A_419 = arith.addf %parallel_loop3A_305, %parallel_loop3A_418 : vector<16xf32>
        %parallel_loop3A_420 = arith.constant 0.000000e+00 : f32
        %parallel_loop3A_421 = vector.broadcast %parallel_loop3A_420 : f32 to vector<16xf32>
        %parallel_loop3A_422 = arith.cmpf oeq, %parallel_loop3A_418, %parallel_loop3A_421 : vector<16xf32>
        %parallel_loop3A_423 = arith.constant 1.000000e+00 : f32
        %parallel_loop3A_424 = arith.constant 0.000000e+00 : f32
        %parallel_loop3A_425 = vector.broadcast %parallel_loop3A_423 : f32 to vector<16xf32>
        %parallel_loop3A_426 = vector.broadcast %parallel_loop3A_424 : f32 to vector<16xf32>
        %parallel_loop3A_427 = arith.select %parallel_loop3A_422, %parallel_loop3A_425, %parallel_loop3A_426 : vector<16xi1>, vector<16xf32>
        %parallel_loop3A_428 = arith.addf %parallel_loop3A_321, %parallel_loop3A_427 : vector<16xf32>
        %parallel_loop3A_429 = arith.index_cast %parallel_loop3A_298 : i32 to index
        %parallel_loop3A_430 = arith.constant 112 : index
        %parallel_loop3A_431 = tpu.vector_load %arg6[%parallel_loop3A_429, %parallel_loop3A_430] {strides = array<i32>} : memref<40x256xf32, #tpu.memory_space<vmem>>, vector<1x16xf32>,
        %parallel_loop3A_432 = vector.shape_cast %parallel_loop3A_431 : vector<1x16xf32> to vector<16xf32>
        %parallel_loop3A_433 = arith.addf %parallel_loop3A_306, %parallel_loop3A_432 : vector<16xf32>
        %parallel_loop3A_434 = arith.constant 0.000000e+00 : f32
        %parallel_loop3A_435 = vector.broadcast %parallel_loop3A_434 : f32 to vector<16xf32>
        %parallel_loop3A_436 = arith.cmpf oeq, %parallel_loop3A_432, %parallel_loop3A_435 : vector<16xf32>
        %parallel_loop3A_437 = arith.constant 1.000000e+00 : f32
        %parallel_loop3A_438 = arith.constant 0.000000e+00 : f32
        %parallel_loop3A_439 = vector.broadcast %parallel_loop3A_437 : f32 to vector<16xf32>
        %parallel_loop3A_440 = vector.broadcast %parallel_loop3A_438 : f32 to vector<16xf32>
        %parallel_loop3A_441 = arith.select %parallel_loop3A_436, %parallel_loop3A_439, %parallel_loop3A_440 : vector<16xi1>, vector<16xf32>
        %parallel_loop3A_442 = arith.addf %parallel_loop3A_322, %parallel_loop3A_441 : vector<16xf32>
        %parallel_loop3A_443 = arith.index_cast %parallel_loop3A_298 : i32 to index
        %parallel_loop3A_444 = arith.constant 128 : index
        %parallel_loop3A_445 = tpu.vector_load %arg6[%parallel_loop3A_443, %parallel_loop3A_444] {strides = array<i32>} : memref<40x256xf32, #tpu.memory_space<vmem>>, vector<1x16xf32>,
        %parallel_loop3A_446 = vector.shape_cast %parallel_loop3A_445 : vector<1x16xf32> to vector<16xf32>
        %parallel_loop3A_447 = arith.addf %parallel_loop3A_307, %parallel_loop3A_446 : vector<16xf32>
        %parallel_loop3A_448 = arith.constant 0.000000e+00 : f32
        %parallel_loop3A_449 = vector.broadcast %parallel_loop3A_448 : f32 to vector<16xf32>
        %parallel_loop3A_450 = arith.cmpf oeq, %parallel_loop3A_446, %parallel_loop3A_449 : vector<16xf32>
        %parallel_loop3A_451 = arith.constant 1.000000e+00 : f32
        %parallel_loop3A_452 = arith.constant 0.000000e+00 : f32
        %parallel_loop3A_453 = vector.broadcast %parallel_loop3A_451 : f32 to vector<16xf32>
        %parallel_loop3A_454 = vector.broadcast %parallel_loop3A_452 : f32 to vector<16xf32>
        %parallel_loop3A_455 = arith.select %parallel_loop3A_450, %parallel_loop3A_453, %parallel_loop3A_454 : vector<16xi1>, vector<16xf32>
        %parallel_loop3A_456 = arith.addf %parallel_loop3A_323, %parallel_loop3A_455 : vector<16xf32>
        %parallel_loop3A_457 = arith.index_cast %parallel_loop3A_298 : i32 to index
        %parallel_loop3A_458 = arith.constant 144 : index
        %parallel_loop3A_459 = tpu.vector_load %arg6[%parallel_loop3A_457, %parallel_loop3A_458] {strides = array<i32>} : memref<40x256xf32, #tpu.memory_space<vmem>>, vector<1x16xf32>,
        %parallel_loop3A_460 = vector.shape_cast %parallel_loop3A_459 : vector<1x16xf32> to vector<16xf32>
        %parallel_loop3A_461 = arith.addf %parallel_loop3A_308, %parallel_loop3A_460 : vector<16xf32>
        %parallel_loop3A_462 = arith.constant 0.000000e+00 : f32
        %parallel_loop3A_463 = vector.broadcast %parallel_loop3A_462 : f32 to vector<16xf32>
        %parallel_loop3A_464 = arith.cmpf oeq, %parallel_loop3A_460, %parallel_loop3A_463 : vector<16xf32>
        %parallel_loop3A_465 = arith.constant 1.000000e+00 : f32
        %parallel_loop3A_466 = arith.constant 0.000000e+00 : f32
        %parallel_loop3A_467 = vector.broadcast %parallel_loop3A_465 : f32 to vector<16xf32>
        %parallel_loop3A_468 = vector.broadcast %parallel_loop3A_466 : f32 to vector<16xf32>
        %parallel_loop3A_469 = arith.select %parallel_loop3A_464, %parallel_loop3A_467, %parallel_loop3A_468 : vector<16xi1>, vector<16xf32>
        %parallel_loop3A_470 = arith.addf %parallel_loop3A_324, %parallel_loop3A_469 : vector<16xf32>
        %parallel_loop3A_471 = arith.index_cast %parallel_loop3A_298 : i32 to index
        %parallel_loop3A_472 = arith.constant 160 : index
        %parallel_loop3A_473 = tpu.vector_load %arg6[%parallel_loop3A_471, %parallel_loop3A_472] {strides = array<i32>} : memref<40x256xf32, #tpu.memory_space<vmem>>, vector<1x16xf32>,
        %parallel_loop3A_474 = vector.shape_cast %parallel_loop3A_473 : vector<1x16xf32> to vector<16xf32>
        %parallel_loop3A_475 = arith.addf %parallel_loop3A_309, %parallel_loop3A_474 : vector<16xf32>
        %parallel_loop3A_476 = arith.constant 0.000000e+00 : f32
        %parallel_loop3A_477 = vector.broadcast %parallel_loop3A_476 : f32 to vector<16xf32>
        %parallel_loop3A_478 = arith.cmpf oeq, %parallel_loop3A_474, %parallel_loop3A_477 : vector<16xf32>
        %parallel_loop3A_479 = arith.constant 1.000000e+00 : f32
        %parallel_loop3A_480 = arith.constant 0.000000e+00 : f32
        %parallel_loop3A_481 = vector.broadcast %parallel_loop3A_479 : f32 to vector<16xf32>
        %parallel_loop3A_482 = vector.broadcast %parallel_loop3A_480 : f32 to vector<16xf32>
        %parallel_loop3A_483 = arith.select %parallel_loop3A_478, %parallel_loop3A_481, %parallel_loop3A_482 : vector<16xi1>, vector<16xf32>
        %parallel_loop3A_484 = arith.addf %parallel_loop3A_325, %parallel_loop3A_483 : vector<16xf32>
        %parallel_loop3A_485 = arith.index_cast %parallel_loop3A_298 : i32 to index
        %parallel_loop3A_486 = arith.constant 176 : index
        %parallel_loop3A_487 = tpu.vector_load %arg6[%parallel_loop3A_485, %parallel_loop3A_486] {strides = array<i32>} : memref<40x256xf32, #tpu.memory_space<vmem>>, vector<1x16xf32>,
        %parallel_loop3A_488 = vector.shape_cast %parallel_loop3A_487 : vector<1x16xf32> to vector<16xf32>
        %parallel_loop3A_489 = arith.addf %parallel_loop3A_310, %parallel_loop3A_488 : vector<16xf32>
        %parallel_loop3A_490 = arith.constant 0.000000e+00 : f32
        %parallel_loop3A_491 = vector.broadcast %parallel_loop3A_490 : f32 to vector<16xf32>
        %parallel_loop3A_492 = arith.cmpf oeq, %parallel_loop3A_488, %parallel_loop3A_491 : vector<16xf32>
        %parallel_loop3A_493 = arith.constant 1.000000e+00 : f32
        %parallel_loop3A_494 = arith.constant 0.000000e+00 : f32
        %parallel_loop3A_495 = vector.broadcast %parallel_loop3A_493 : f32 to vector<16xf32>
        %parallel_loop3A_496 = vector.broadcast %parallel_loop3A_494 : f32 to vector<16xf32>
        %parallel_loop3A_497 = arith.select %parallel_loop3A_492, %parallel_loop3A_495, %parallel_loop3A_496 : vector<16xi1>, vector<16xf32>
        %parallel_loop3A_498 = arith.addf %parallel_loop3A_326, %parallel_loop3A_497 : vector<16xf32>
        %parallel_loop3A_499 = arith.index_cast %parallel_loop3A_298 : i32 to index
        %parallel_loop3A_500 = arith.constant 192 : index
        %parallel_loop3A_501 = tpu.vector_load %arg6[%parallel_loop3A_499, %parallel_loop3A_500] {strides = array<i32>} : memref<40x256xf32, #tpu.memory_space<vmem>>, vector<1x16xf32>,
        %parallel_loop3A_502 = vector.shape_cast %parallel_loop3A_501 : vector<1x16xf32> to vector<16xf32>
        %parallel_loop3A_503 = arith.addf %parallel_loop3A_311, %parallel_loop3A_502 : vector<16xf32>
        %parallel_loop3A_504 = arith.constant 0.000000e+00 : f32
        %parallel_loop3A_505 = vector.broadcast %parallel_loop3A_504 : f32 to vector<16xf32>
        %parallel_loop3A_506 = arith.cmpf oeq, %parallel_loop3A_502, %parallel_loop3A_505 : vector<16xf32>
        %parallel_loop3A_507 = arith.constant 1.000000e+00 : f32
        %parallel_loop3A_508 = arith.constant 0.000000e+00 : f32
        %parallel_loop3A_509 = vector.broadcast %parallel_loop3A_507 : f32 to vector<16xf32>
        %parallel_loop3A_510 = vector.broadcast %parallel_loop3A_508 : f32 to vector<16xf32>
        %parallel_loop3A_511 = arith.select %parallel_loop3A_506, %parallel_loop3A_509, %parallel_loop3A_510 : vector<16xi1>, vector<16xf32>
        %parallel_loop3A_512 = arith.addf %parallel_loop3A_327, %parallel_loop3A_511 : vector<16xf32>
        %parallel_loop3A_513 = arith.index_cast %parallel_loop3A_298 : i32 to index
        %parallel_loop3A_514 = arith.constant 208 : index
        %parallel_loop3A_515 = tpu.vector_load %arg6[%parallel_loop3A_513, %parallel_loop3A_514] {strides = array<i32>} : memref<40x256xf32, #tpu.memory_space<vmem>>, vector<1x16xf32>,
        %parallel_loop3A_516 = vector.shape_cast %parallel_loop3A_515 : vector<1x16xf32> to vector<16xf32>
        %parallel_loop3A_517 = arith.addf %parallel_loop3A_312, %parallel_loop3A_516 : vector<16xf32>
        %parallel_loop3A_518 = arith.constant 0.000000e+00 : f32
        %parallel_loop3A_519 = vector.broadcast %parallel_loop3A_518 : f32 to vector<16xf32>
        %parallel_loop3A_520 = arith.cmpf oeq, %parallel_loop3A_516, %parallel_loop3A_519 : vector<16xf32>
        %parallel_loop3A_521 = arith.constant 1.000000e+00 : f32
        %parallel_loop3A_522 = arith.constant 0.000000e+00 : f32
        %parallel_loop3A_523 = vector.broadcast %parallel_loop3A_521 : f32 to vector<16xf32>
        %parallel_loop3A_524 = vector.broadcast %parallel_loop3A_522 : f32 to vector<16xf32>
        %parallel_loop3A_525 = arith.select %parallel_loop3A_520, %parallel_loop3A_523, %parallel_loop3A_524 : vector<16xi1>, vector<16xf32>
        %parallel_loop3A_526 = arith.addf %parallel_loop3A_328, %parallel_loop3A_525 : vector<16xf32>
        %parallel_loop3A_527 = arith.index_cast %parallel_loop3A_298 : i32 to index
        %parallel_loop3A_528 = arith.constant 224 : index
        %parallel_loop3A_529 = tpu.vector_load %arg6[%parallel_loop3A_527, %parallel_loop3A_528] {strides = array<i32>} : memref<40x256xf32, #tpu.memory_space<vmem>>, vector<1x16xf32>,
        %parallel_loop3A_530 = vector.shape_cast %parallel_loop3A_529 : vector<1x16xf32> to vector<16xf32>
        %parallel_loop3A_531 = arith.addf %parallel_loop3A_313, %parallel_loop3A_530 : vector<16xf32>
        %parallel_loop3A_532 = arith.constant 0.000000e+00 : f32
        %parallel_loop3A_533 = vector.broadcast %parallel_loop3A_532 : f32 to vector<16xf32>
        %parallel_loop3A_534 = arith.cmpf oeq, %parallel_loop3A_530, %parallel_loop3A_533 : vector<16xf32>
        %parallel_loop3A_535 = arith.constant 1.000000e+00 : f32
        %parallel_loop3A_536 = arith.constant 0.000000e+00 : f32
        %parallel_loop3A_537 = vector.broadcast %parallel_loop3A_535 : f32 to vector<16xf32>
        %parallel_loop3A_538 = vector.broadcast %parallel_loop3A_536 : f32 to vector<16xf32>
        %parallel_loop3A_539 = arith.select %parallel_loop3A_534, %parallel_loop3A_537, %parallel_loop3A_538 : vector<16xi1>, vector<16xf32>
        %parallel_loop3A_540 = arith.addf %parallel_loop3A_329, %parallel_loop3A_539 : vector<16xf32>
        %parallel_loop3A_541 = arith.index_cast %parallel_loop3A_298 : i32 to index
        %parallel_loop3A_542 = arith.constant 240 : index
        %parallel_loop3A_543 = tpu.vector_load %arg6[%parallel_loop3A_541, %parallel_loop3A_542] {strides = array<i32>} : memref<40x256xf32, #tpu.memory_space<vmem>>, vector<1x16xf32>,
        %parallel_loop3A_544 = vector.shape_cast %parallel_loop3A_543 : vector<1x16xf32> to vector<16xf32>
        %parallel_loop3A_545 = arith.addf %parallel_loop3A_314, %parallel_loop3A_544 : vector<16xf32>
        %parallel_loop3A_546 = arith.constant 0.000000e+00 : f32
        %parallel_loop3A_547 = vector.broadcast %parallel_loop3A_546 : f32 to vector<16xf32>
        %parallel_loop3A_548 = arith.cmpf oeq, %parallel_loop3A_544, %parallel_loop3A_547 : vector<16xf32>
        %parallel_loop3A_549 = arith.constant 1.000000e+00 : f32
        %parallel_loop3A_550 = arith.constant 0.000000e+00 : f32
        %parallel_loop3A_551 = vector.broadcast %parallel_loop3A_549 : f32 to vector<16xf32>
        %parallel_loop3A_552 = vector.broadcast %parallel_loop3A_550 : f32 to vector<16xf32>
        %parallel_loop3A_553 = arith.select %parallel_loop3A_548, %parallel_loop3A_551, %parallel_loop3A_552 : vector<16xi1>, vector<16xf32>
        %parallel_loop3A_554 = arith.addf %parallel_loop3A_330, %parallel_loop3A_553 : vector<16xf32>
        scf.yield %parallel_loop3A_335, %parallel_loop3A_349, %parallel_loop3A_363, %parallel_loop3A_377, %parallel_loop3A_391, %parallel_loop3A_405, %parallel_loop3A_419, %parallel_loop3A_433, %parallel_loop3A_447, %parallel_loop3A_461, %parallel_loop3A_475, %parallel_loop3A_489, %parallel_loop3A_503, %parallel_loop3A_517, %parallel_loop3A_531, %parallel_loop3A_545, %parallel_loop3A_344, %parallel_loop3A_358, %parallel_loop3A_372, %parallel_loop3A_386, %parallel_loop3A_400, %parallel_loop3A_414, %parallel_loop3A_428, %parallel_loop3A_442, %parallel_loop3A_456, %parallel_loop3A_470, %parallel_loop3A_484, %parallel_loop3A_498, %parallel_loop3A_512, %parallel_loop3A_526, %parallel_loop3A_540, %parallel_loop3A_554 : vector<16xf32>, vector<16xf32>, vector<16xf32>, vector<16xf32>, vector<16xf32>, vector<16xf32>, vector<16xf32>, vector<16xf32>, vector<16xf32>, vector<16xf32>, vector<16xf32>, vector<16xf32>, vector<16xf32>, vector<16xf32>, vector<16xf32>, vector<16xf32>, vector<16xf32>, vector<16xf32>, vector<16xf32>, vector<16xf32>, vector<16xf32>, vector<16xf32>, vector<16xf32>, vector<16xf32>, vector<16xf32>, vector<16xf32>, vector<16xf32>, vector<16xf32>, vector<16xf32>, vector<16xf32>, vector<16xf32>, vector<16xf32>
      } {sc.loop_unroll_factor = 1 : i64, sc.parallel_access}
      %add3A_41 = arith.constant 1 : i32
      %add3A_42 = arith.addi %scan3A_32, %add3A_41 : i32
      %lt3A = arith.constant 128 : i32
      %lt3A_43 = arith.cmpi slt, %add3A_42, %lt3A : i32
      %convert_element_type3A = arith.extui %lt3A_43 : i1 to i32
      %cond3A = arith.constant 0 : i32
      %cond3A_44 = arith.cmpi ne, %convert_element_type3A, %cond3A : i32
      scf.if %cond3A_44 {
        %add3A_298 = arith.constant 1 : i32
        %add3A_299 = arith.addi %scan3A_32, %add3A_298 : i32
        %mul3A_300 = arith.constant 200 : i32
        %mul3A_301 = arith.muli %add3A_299, %mul3A_300 : i32
        %add3A_302 = arith.constant 0 : i32
        %add3A_303 = arith.addi %mul3A_301, %add3A_302 : i32
        %dma_start3A_304 = tpu.memref_slice %arg5[%add3A_303] : memref<25600xi32, #tpu.memory_space<vmem>> -> memref<40xi32, #tpu.memory_space<vmem>>
        %dma_start3A_305 = arith.constant 0 : i32
        %dma_start3A_306 = arith.constant 0 : i32
        %dma_start3A_307 = tpu.memref_slice %arg3[%dma_start3A_305, %dma_start3A_306] : memref<100001x256xf32, #tpu.memory_space<hbm>> -> memref<100001x256xf32, #tpu.memory_space<hbm>>
        tpu.enqueue_indirect_dma source(%dma_start3A_307 : memref<100001x256xf32, #tpu.memory_space<hbm>>) target(%arg6 : memref<40x256xf32, #tpu.memory_space<vmem>>) offsets(%dma_start3A_304 : memref<40xi32, #tpu.memory_space<vmem>>) semaphore(%arg12 : memref<!tpu.dma_semaphore, #tpu.memory_space<semaphore_mem>>)
      } else {
      }
      %dma_wait3A_45 = arith.constant 40 : i32
      %dma_wait3A_46 = tpu.memref_slice %arg5[%dma_wait3A_45] : memref<25600xi32, #tpu.memory_space<vmem>> -> memref<40xi32, #tpu.memory_space<vmem>>
      %dma_wait3A_47 = arith.constant 0 : i32
      %dma_wait3A_48 = arith.constant 0 : i32
      %dma_wait3A_49 = tpu.memref_slice %arg3[%dma_wait3A_47, %dma_wait3A_48] : memref<100001x256xf32, #tpu.memory_space<hbm>> -> memref<100001x256xf32, #tpu.memory_space<hbm>>
      tpu.wait_indirect_dma semaphore(%arg13 : memref<!tpu.dma_semaphore, #tpu.memory_space<semaphore_mem>>) src(%dma_wait3A_49 : memref<100001x256xf32, #tpu.memory_space<hbm>>) dst(%arg7 : memref<40x256xf32, #tpu.memory_space<vmem>>)
      %parallel_loop3A_50 = arith.constant 0 : i32
      %parallel_loop3A_51 = arith.constant 40 : i32
      %parallel_loop3A_52 = arith.constant 1 : i32
      %parallel_loop3A_53:32 = scf.for %parallel_loop3A_298 = %parallel_loop3A_50 to %parallel_loop3A_51 step %parallel_loop3A_52 iter_args(%parallel_loop3A_299 = %parallel_loop3A_40#0, %parallel_loop3A_300 = %parallel_loop3A_40#1, %parallel_loop3A_301 = %parallel_loop3A_40#2, %parallel_loop3A_302 = %parallel_loop3A_40#3, %parallel_loop3A_303 = %parallel_loop3A_40#4, %parallel_loop3A_304 = %parallel_loop3A_40#5, %parallel_loop3A_305 = %parallel_loop3A_40#6, %parallel_loop3A_306 = %parallel_loop3A_40#7, %parallel_loop3A_307 = %parallel_loop3A_40#8, %parallel_loop3A_308 = %parallel_loop3A_40#9, %parallel_loop3A_309 = %parallel_loop3A_40#10, %parallel_loop3A_310 = %parallel_loop3A_40#11, %parallel_loop3A_311 = %parallel_loop3A_40#12, %parallel_loop3A_312 = %parallel_loop3A_40#13, %parallel_loop3A_313 = %parallel_loop3A_40#14, %parallel_loop3A_314 = %parallel_loop3A_40#15, %parallel_loop3A_315 = %parallel_loop3A_40#16, %parallel_loop3A_316 = %parallel_loop3A_40#17, %parallel_loop3A_317 = %parallel_loop3A_40#18, %parallel_loop3A_318 = %parallel_loop3A_40#19, %parallel_loop3A_319 = %parallel_loop3A_40#20, %parallel_loop3A_320 = %parallel_loop3A_40#21, %parallel_loop3A_321 = %parallel_loop3A_40#22, %parallel_loop3A_322 = %parallel_loop3A_40#23, %parallel_loop3A_323 = %parallel_loop3A_40#24, %parallel_loop3A_324 = %parallel_loop3A_40#25, %parallel_loop3A_325 = %parallel_loop3A_40#26, %parallel_loop3A_326 = %parallel_loop3A_40#27, %parallel_loop3A_327 = %parallel_loop3A_40#28, %parallel_loop3A_328 = %parallel_loop3A_40#29, %parallel_loop3A_329 = %parallel_loop3A_40#30, %parallel_loop3A_330 = %parallel_loop3A_40#31) -> (vector<16xf32>, vector<16xf32>, vector<16xf32>, vector<16xf32>, vector<16xf32>, vector<16xf32>, vector<16xf32>, vector<16xf32>, vector<16xf32>, vector<16xf32>, vector<16xf32>, vector<16xf32>, vector<16xf32>, vector<16xf32>, vector<16xf32>, vector<16xf32>, vector<16xf32>, vector<16xf32>, vector<16xf32>, vector<16xf32>, vector<16xf32>, vector<16xf32>, vector<16xf32>, vector<16xf32>, vector<16xf32>, vector<16xf32>, vector<16xf32>, vector<16xf32>, vector<16xf32>, vector<16xf32>, vector<16xf32>, vector<16xf32>)  : i32 {
        %parallel_loop3A_331 = arith.index_cast %parallel_loop3A_298 : i32 to index
        %parallel_loop3A_332 = arith.constant 0 : index
        %parallel_loop3A_333 = tpu.vector_load %arg7[%parallel_loop3A_331, %parallel_loop3A_332] {strides = array<i32>} : memref<40x256xf32, #tpu.memory_space<vmem>>, vector<1x16xf32>,
        %parallel_loop3A_334 = vector.shape_cast %parallel_loop3A_333 : vector<1x16xf32> to vector<16xf32>
        %parallel_loop3A_335 = arith.addf %parallel_loop3A_299, %parallel_loop3A_334 : vector<16xf32>
        %parallel_loop3A_336 = arith.constant 0.000000e+00 : f32
        %parallel_loop3A_337 = vector.broadcast %parallel_loop3A_336 : f32 to vector<16xf32>
        %parallel_loop3A_338 = arith.cmpf oeq, %parallel_loop3A_334, %parallel_loop3A_337 : vector<16xf32>
        %parallel_loop3A_339 = arith.constant 1.000000e+00 : f32
        %parallel_loop3A_340 = arith.constant 0.000000e+00 : f32
        %parallel_loop3A_341 = vector.broadcast %parallel_loop3A_339 : f32 to vector<16xf32>
        %parallel_loop3A_342 = vector.broadcast %parallel_loop3A_340 : f32 to vector<16xf32>
        %parallel_loop3A_343 = arith.select %parallel_loop3A_338, %parallel_loop3A_341, %parallel_loop3A_342 : vector<16xi1>, vector<16xf32>
        %parallel_loop3A_344 = arith.addf %parallel_loop3A_315, %parallel_loop3A_343 : vector<16xf32>
        %parallel_loop3A_345 = arith.index_cast %parallel_loop3A_298 : i32 to index
        %parallel_loop3A_346 = arith.constant 16 : index
        %parallel_loop3A_347 = tpu.vector_load %arg7[%parallel_loop3A_345, %parallel_loop3A_346] {strides = array<i32>} : memref<40x256xf32, #tpu.memory_space<vmem>>, vector<1x16xf32>,
        %parallel_loop3A_348 = vector.shape_cast %parallel_loop3A_347 : vector<1x16xf32> to vector<16xf32>
        %parallel_loop3A_349 = arith.addf %parallel_loop3A_300, %parallel_loop3A_348 : vector<16xf32>
        %parallel_loop3A_350 = arith.constant 0.000000e+00 : f32
        %parallel_loop3A_351 = vector.broadcast %parallel_loop3A_350 : f32 to vector<16xf32>
        %parallel_loop3A_352 = arith.cmpf oeq, %parallel_loop3A_348, %parallel_loop3A_351 : vector<16xf32>
        %parallel_loop3A_353 = arith.constant 1.000000e+00 : f32
        %parallel_loop3A_354 = arith.constant 0.000000e+00 : f32
        %parallel_loop3A_355 = vector.broadcast %parallel_loop3A_353 : f32 to vector<16xf32>
        %parallel_loop3A_356 = vector.broadcast %parallel_loop3A_354 : f32 to vector<16xf32>
        %parallel_loop3A_357 = arith.select %parallel_loop3A_352, %parallel_loop3A_355, %parallel_loop3A_356 : vector<16xi1>, vector<16xf32>
        %parallel_loop3A_358 = arith.addf %parallel_loop3A_316, %parallel_loop3A_357 : vector<16xf32>
        %parallel_loop3A_359 = arith.index_cast %parallel_loop3A_298 : i32 to index
        %parallel_loop3A_360 = arith.constant 32 : index
        %parallel_loop3A_361 = tpu.vector_load %arg7[%parallel_loop3A_359, %parallel_loop3A_360] {strides = array<i32>} : memref<40x256xf32, #tpu.memory_space<vmem>>, vector<1x16xf32>,
        %parallel_loop3A_362 = vector.shape_cast %parallel_loop3A_361 : vector<1x16xf32> to vector<16xf32>
        %parallel_loop3A_363 = arith.addf %parallel_loop3A_301, %parallel_loop3A_362 : vector<16xf32>
        %parallel_loop3A_364 = arith.constant 0.000000e+00 : f32
        %parallel_loop3A_365 = vector.broadcast %parallel_loop3A_364 : f32 to vector<16xf32>
        %parallel_loop3A_366 = arith.cmpf oeq, %parallel_loop3A_362, %parallel_loop3A_365 : vector<16xf32>
        %parallel_loop3A_367 = arith.constant 1.000000e+00 : f32
        %parallel_loop3A_368 = arith.constant 0.000000e+00 : f32
        %parallel_loop3A_369 = vector.broadcast %parallel_loop3A_367 : f32 to vector<16xf32>
        %parallel_loop3A_370 = vector.broadcast %parallel_loop3A_368 : f32 to vector<16xf32>
        %parallel_loop3A_371 = arith.select %parallel_loop3A_366, %parallel_loop3A_369, %parallel_loop3A_370 : vector<16xi1>, vector<16xf32>
        %parallel_loop3A_372 = arith.addf %parallel_loop3A_317, %parallel_loop3A_371 : vector<16xf32>
        %parallel_loop3A_373 = arith.index_cast %parallel_loop3A_298 : i32 to index
        %parallel_loop3A_374 = arith.constant 48 : index
        %parallel_loop3A_375 = tpu.vector_load %arg7[%parallel_loop3A_373, %parallel_loop3A_374] {strides = array<i32>} : memref<40x256xf32, #tpu.memory_space<vmem>>, vector<1x16xf32>,
        %parallel_loop3A_376 = vector.shape_cast %parallel_loop3A_375 : vector<1x16xf32> to vector<16xf32>
        %parallel_loop3A_377 = arith.addf %parallel_loop3A_302, %parallel_loop3A_376 : vector<16xf32>
        %parallel_loop3A_378 = arith.constant 0.000000e+00 : f32
        %parallel_loop3A_379 = vector.broadcast %parallel_loop3A_378 : f32 to vector<16xf32>
        %parallel_loop3A_380 = arith.cmpf oeq, %parallel_loop3A_376, %parallel_loop3A_379 : vector<16xf32>
        %parallel_loop3A_381 = arith.constant 1.000000e+00 : f32
        %parallel_loop3A_382 = arith.constant 0.000000e+00 : f32
        %parallel_loop3A_383 = vector.broadcast %parallel_loop3A_381 : f32 to vector<16xf32>
        %parallel_loop3A_384 = vector.broadcast %parallel_loop3A_382 : f32 to vector<16xf32>
        %parallel_loop3A_385 = arith.select %parallel_loop3A_380, %parallel_loop3A_383, %parallel_loop3A_384 : vector<16xi1>, vector<16xf32>
        %parallel_loop3A_386 = arith.addf %parallel_loop3A_318, %parallel_loop3A_385 : vector<16xf32>
        %parallel_loop3A_387 = arith.index_cast %parallel_loop3A_298 : i32 to index
        %parallel_loop3A_388 = arith.constant 64 : index
        %parallel_loop3A_389 = tpu.vector_load %arg7[%parallel_loop3A_387, %parallel_loop3A_388] {strides = array<i32>} : memref<40x256xf32, #tpu.memory_space<vmem>>, vector<1x16xf32>,
        %parallel_loop3A_390 = vector.shape_cast %parallel_loop3A_389 : vector<1x16xf32> to vector<16xf32>
        %parallel_loop3A_391 = arith.addf %parallel_loop3A_303, %parallel_loop3A_390 : vector<16xf32>
        %parallel_loop3A_392 = arith.constant 0.000000e+00 : f32
        %parallel_loop3A_393 = vector.broadcast %parallel_loop3A_392 : f32 to vector<16xf32>
        %parallel_loop3A_394 = arith.cmpf oeq, %parallel_loop3A_390, %parallel_loop3A_393 : vector<16xf32>
        %parallel_loop3A_395 = arith.constant 1.000000e+00 : f32
        %parallel_loop3A_396 = arith.constant 0.000000e+00 : f32
        %parallel_loop3A_397 = vector.broadcast %parallel_loop3A_395 : f32 to vector<16xf32>
        %parallel_loop3A_398 = vector.broadcast %parallel_loop3A_396 : f32 to vector<16xf32>
        %parallel_loop3A_399 = arith.select %parallel_loop3A_394, %parallel_loop3A_397, %parallel_loop3A_398 : vector<16xi1>, vector<16xf32>
        %parallel_loop3A_400 = arith.addf %parallel_loop3A_319, %parallel_loop3A_399 : vector<16xf32>
        %parallel_loop3A_401 = arith.index_cast %parallel_loop3A_298 : i32 to index
        %parallel_loop3A_402 = arith.constant 80 : index
        %parallel_loop3A_403 = tpu.vector_load %arg7[%parallel_loop3A_401, %parallel_loop3A_402] {strides = array<i32>} : memref<40x256xf32, #tpu.memory_space<vmem>>, vector<1x16xf32>,
        %parallel_loop3A_404 = vector.shape_cast %parallel_loop3A_403 : vector<1x16xf32> to vector<16xf32>
        %parallel_loop3A_405 = arith.addf %parallel_loop3A_304, %parallel_loop3A_404 : vector<16xf32>
        %parallel_loop3A_406 = arith.constant 0.000000e+00 : f32
        %parallel_loop3A_407 = vector.broadcast %parallel_loop3A_406 : f32 to vector<16xf32>
        %parallel_loop3A_408 = arith.cmpf oeq, %parallel_loop3A_404, %parallel_loop3A_407 : vector<16xf32>
        %parallel_loop3A_409 = arith.constant 1.000000e+00 : f32
        %parallel_loop3A_410 = arith.constant 0.000000e+00 : f32
        %parallel_loop3A_411 = vector.broadcast %parallel_loop3A_409 : f32 to vector<16xf32>
        %parallel_loop3A_412 = vector.broadcast %parallel_loop3A_410 : f32 to vector<16xf32>
        %parallel_loop3A_413 = arith.select %parallel_loop3A_408, %parallel_loop3A_411, %parallel_loop3A_412 : vector<16xi1>, vector<16xf32>
        %parallel_loop3A_414 = arith.addf %parallel_loop3A_320, %parallel_loop3A_413 : vector<16xf32>
        %parallel_loop3A_415 = arith.index_cast %parallel_loop3A_298 : i32 to index
        %parallel_loop3A_416 = arith.constant 96 : index
        %parallel_loop3A_417 = tpu.vector_load %arg7[%parallel_loop3A_415, %parallel_loop3A_416] {strides = array<i32>} : memref<40x256xf32, #tpu.memory_space<vmem>>, vector<1x16xf32>,
        %parallel_loop3A_418 = vector.shape_cast %parallel_loop3A_417 : vector<1x16xf32> to vector<16xf32>
        %parallel_loop3A_419 = arith.addf %parallel_loop3A_305, %parallel_loop3A_418 : vector<16xf32>
        %parallel_loop3A_420 = arith.constant 0.000000e+00 : f32
        %parallel_loop3A_421 = vector.broadcast %parallel_loop3A_420 : f32 to vector<16xf32>
        %parallel_loop3A_422 = arith.cmpf oeq, %parallel_loop3A_418, %parallel_loop3A_421 : vector<16xf32>
        %parallel_loop3A_423 = arith.constant 1.000000e+00 : f32
        %parallel_loop3A_424 = arith.constant 0.000000e+00 : f32
        %parallel_loop3A_425 = vector.broadcast %parallel_loop3A_423 : f32 to vector<16xf32>
        %parallel_loop3A_426 = vector.broadcast %parallel_loop3A_424 : f32 to vector<16xf32>
        %parallel_loop3A_427 = arith.select %parallel_loop3A_422, %parallel_loop3A_425, %parallel_loop3A_426 : vector<16xi1>, vector<16xf32>
        %parallel_loop3A_428 = arith.addf %parallel_loop3A_321, %parallel_loop3A_427 : vector<16xf32>
        %parallel_loop3A_429 = arith.index_cast %parallel_loop3A_298 : i32 to index
        %parallel_loop3A_430 = arith.constant 112 : index
        %parallel_loop3A_431 = tpu.vector_load %arg7[%parallel_loop3A_429, %parallel_loop3A_430] {strides = array<i32>} : memref<40x256xf32, #tpu.memory_space<vmem>>, vector<1x16xf32>,
        %parallel_loop3A_432 = vector.shape_cast %parallel_loop3A_431 : vector<1x16xf32> to vector<16xf32>
        %parallel_loop3A_433 = arith.addf %parallel_loop3A_306, %parallel_loop3A_432 : vector<16xf32>
        %parallel_loop3A_434 = arith.constant 0.000000e+00 : f32
        %parallel_loop3A_435 = vector.broadcast %parallel_loop3A_434 : f32 to vector<16xf32>
        %parallel_loop3A_436 = arith.cmpf oeq, %parallel_loop3A_432, %parallel_loop3A_435 : vector<16xf32>
        %parallel_loop3A_437 = arith.constant 1.000000e+00 : f32
        %parallel_loop3A_438 = arith.constant 0.000000e+00 : f32
        %parallel_loop3A_439 = vector.broadcast %parallel_loop3A_437 : f32 to vector<16xf32>
        %parallel_loop3A_440 = vector.broadcast %parallel_loop3A_438 : f32 to vector<16xf32>
        %parallel_loop3A_441 = arith.select %parallel_loop3A_436, %parallel_loop3A_439, %parallel_loop3A_440 : vector<16xi1>, vector<16xf32>
        %parallel_loop3A_442 = arith.addf %parallel_loop3A_322, %parallel_loop3A_441 : vector<16xf32>
        %parallel_loop3A_443 = arith.index_cast %parallel_loop3A_298 : i32 to index
        %parallel_loop3A_444 = arith.constant 128 : index
        %parallel_loop3A_445 = tpu.vector_load %arg7[%parallel_loop3A_443, %parallel_loop3A_444] {strides = array<i32>} : memref<40x256xf32, #tpu.memory_space<vmem>>, vector<1x16xf32>,
        %parallel_loop3A_446 = vector.shape_cast %parallel_loop3A_445 : vector<1x16xf32> to vector<16xf32>
        %parallel_loop3A_447 = arith.addf %parallel_loop3A_307, %parallel_loop3A_446 : vector<16xf32>
        %parallel_loop3A_448 = arith.constant 0.000000e+00 : f32
        %parallel_loop3A_449 = vector.broadcast %parallel_loop3A_448 : f32 to vector<16xf32>
        %parallel_loop3A_450 = arith.cmpf oeq, %parallel_loop3A_446, %parallel_loop3A_449 : vector<16xf32>
        %parallel_loop3A_451 = arith.constant 1.000000e+00 : f32
        %parallel_loop3A_452 = arith.constant 0.000000e+00 : f32
        %parallel_loop3A_453 = vector.broadcast %parallel_loop3A_451 : f32 to vector<16xf32>
        %parallel_loop3A_454 = vector.broadcast %parallel_loop3A_452 : f32 to vector<16xf32>
        %parallel_loop3A_455 = arith.select %parallel_loop3A_450, %parallel_loop3A_453, %parallel_loop3A_454 : vector<16xi1>, vector<16xf32>
        %parallel_loop3A_456 = arith.addf %parallel_loop3A_323, %parallel_loop3A_455 : vector<16xf32>
        %parallel_loop3A_457 = arith.index_cast %parallel_loop3A_298 : i32 to index
        %parallel_loop3A_458 = arith.constant 144 : index
        %parallel_loop3A_459 = tpu.vector_load %arg7[%parallel_loop3A_457, %parallel_loop3A_458] {strides = array<i32>} : memref<40x256xf32, #tpu.memory_space<vmem>>, vector<1x16xf32>,
        %parallel_loop3A_460 = vector.shape_cast %parallel_loop3A_459 : vector<1x16xf32> to vector<16xf32>
        %parallel_loop3A_461 = arith.addf %parallel_loop3A_308, %parallel_loop3A_460 : vector<16xf32>
        %parallel_loop3A_462 = arith.constant 0.000000e+00 : f32
        %parallel_loop3A_463 = vector.broadcast %parallel_loop3A_462 : f32 to vector<16xf32>
        %parallel_loop3A_464 = arith.cmpf oeq, %parallel_loop3A_460, %parallel_loop3A_463 : vector<16xf32>
        %parallel_loop3A_465 = arith.constant 1.000000e+00 : f32
        %parallel_loop3A_466 = arith.constant 0.000000e+00 : f32
        %parallel_loop3A_467 = vector.broadcast %parallel_loop3A_465 : f32 to vector<16xf32>
        %parallel_loop3A_468 = vector.broadcast %parallel_loop3A_466 : f32 to vector<16xf32>
        %parallel_loop3A_469 = arith.select %parallel_loop3A_464, %parallel_loop3A_467, %parallel_loop3A_468 : vector<16xi1>, vector<16xf32>
        %parallel_loop3A_470 = arith.addf %parallel_loop3A_324, %parallel_loop3A_469 : vector<16xf32>
        %parallel_loop3A_471 = arith.index_cast %parallel_loop3A_298 : i32 to index
        %parallel_loop3A_472 = arith.constant 160 : index
        %parallel_loop3A_473 = tpu.vector_load %arg7[%parallel_loop3A_471, %parallel_loop3A_472] {strides = array<i32>} : memref<40x256xf32, #tpu.memory_space<vmem>>, vector<1x16xf32>,
        %parallel_loop3A_474 = vector.shape_cast %parallel_loop3A_473 : vector<1x16xf32> to vector<16xf32>
        %parallel_loop3A_475 = arith.addf %parallel_loop3A_309, %parallel_loop3A_474 : vector<16xf32>
        %parallel_loop3A_476 = arith.constant 0.000000e+00 : f32
        %parallel_loop3A_477 = vector.broadcast %parallel_loop3A_476 : f32 to vector<16xf32>
        %parallel_loop3A_478 = arith.cmpf oeq, %parallel_loop3A_474, %parallel_loop3A_477 : vector<16xf32>
        %parallel_loop3A_479 = arith.constant 1.000000e+00 : f32
        %parallel_loop3A_480 = arith.constant 0.000000e+00 : f32
        %parallel_loop3A_481 = vector.broadcast %parallel_loop3A_479 : f32 to vector<16xf32>
        %parallel_loop3A_482 = vector.broadcast %parallel_loop3A_480 : f32 to vector<16xf32>
        %parallel_loop3A_483 = arith.select %parallel_loop3A_478, %parallel_loop3A_481, %parallel_loop3A_482 : vector<16xi1>, vector<16xf32>
        %parallel_loop3A_484 = arith.addf %parallel_loop3A_325, %parallel_loop3A_483 : vector<16xf32>
        %parallel_loop3A_485 = arith.index_cast %parallel_loop3A_298 : i32 to index
        %parallel_loop3A_486 = arith.constant 176 : index
        %parallel_loop3A_487 = tpu.vector_load %arg7[%parallel_loop3A_485, %parallel_loop3A_486] {strides = array<i32>} : memref<40x256xf32, #tpu.memory_space<vmem>>, vector<1x16xf32>,
        %parallel_loop3A_488 = vector.shape_cast %parallel_loop3A_487 : vector<1x16xf32> to vector<16xf32>
        %parallel_loop3A_489 = arith.addf %parallel_loop3A_310, %parallel_loop3A_488 : vector<16xf32>
        %parallel_loop3A_490 = arith.constant 0.000000e+00 : f32
        %parallel_loop3A_491 = vector.broadcast %parallel_loop3A_490 : f32 to vector<16xf32>
        %parallel_loop3A_492 = arith.cmpf oeq, %parallel_loop3A_488, %parallel_loop3A_491 : vector<16xf32>
        %parallel_loop3A_493 = arith.constant 1.000000e+00 : f32
        %parallel_loop3A_494 = arith.constant 0.000000e+00 : f32
        %parallel_loop3A_495 = vector.broadcast %parallel_loop3A_493 : f32 to vector<16xf32>
        %parallel_loop3A_496 = vector.broadcast %parallel_loop3A_494 : f32 to vector<16xf32>
        %parallel_loop3A_497 = arith.select %parallel_loop3A_492, %parallel_loop3A_495, %parallel_loop3A_496 : vector<16xi1>, vector<16xf32>
        %parallel_loop3A_498 = arith.addf %parallel_loop3A_326, %parallel_loop3A_497 : vector<16xf32>
        %parallel_loop3A_499 = arith.index_cast %parallel_loop3A_298 : i32 to index
        %parallel_loop3A_500 = arith.constant 192 : index
        %parallel_loop3A_501 = tpu.vector_load %arg7[%parallel_loop3A_499, %parallel_loop3A_500] {strides = array<i32>} : memref<40x256xf32, #tpu.memory_space<vmem>>, vector<1x16xf32>,
        %parallel_loop3A_502 = vector.shape_cast %parallel_loop3A_501 : vector<1x16xf32> to vector<16xf32>
        %parallel_loop3A_503 = arith.addf %parallel_loop3A_311, %parallel_loop3A_502 : vector<16xf32>
        %parallel_loop3A_504 = arith.constant 0.000000e+00 : f32
        %parallel_loop3A_505 = vector.broadcast %parallel_loop3A_504 : f32 to vector<16xf32>
        %parallel_loop3A_506 = arith.cmpf oeq, %parallel_loop3A_502, %parallel_loop3A_505 : vector<16xf32>
        %parallel_loop3A_507 = arith.constant 1.000000e+00 : f32
        %parallel_loop3A_508 = arith.constant 0.000000e+00 : f32
        %parallel_loop3A_509 = vector.broadcast %parallel_loop3A_507 : f32 to vector<16xf32>
        %parallel_loop3A_510 = vector.broadcast %parallel_loop3A_508 : f32 to vector<16xf32>
        %parallel_loop3A_511 = arith.select %parallel_loop3A_506, %parallel_loop3A_509, %parallel_loop3A_510 : vector<16xi1>, vector<16xf32>
        %parallel_loop3A_512 = arith.addf %parallel_loop3A_327, %parallel_loop3A_511 : vector<16xf32>
        %parallel_loop3A_513 = arith.index_cast %parallel_loop3A_298 : i32 to index
        %parallel_loop3A_514 = arith.constant 208 : index
        %parallel_loop3A_515 = tpu.vector_load %arg7[%parallel_loop3A_513, %parallel_loop3A_514] {strides = array<i32>} : memref<40x256xf32, #tpu.memory_space<vmem>>, vector<1x16xf32>,
        %parallel_loop3A_516 = vector.shape_cast %parallel_loop3A_515 : vector<1x16xf32> to vector<16xf32>
        %parallel_loop3A_517 = arith.addf %parallel_loop3A_312, %parallel_loop3A_516 : vector<16xf32>
        %parallel_loop3A_518 = arith.constant 0.000000e+00 : f32
        %parallel_loop3A_519 = vector.broadcast %parallel_loop3A_518 : f32 to vector<16xf32>
        %parallel_loop3A_520 = arith.cmpf oeq, %parallel_loop3A_516, %parallel_loop3A_519 : vector<16xf32>
        %parallel_loop3A_521 = arith.constant 1.000000e+00 : f32
        %parallel_loop3A_522 = arith.constant 0.000000e+00 : f32
        %parallel_loop3A_523 = vector.broadcast %parallel_loop3A_521 : f32 to vector<16xf32>
        %parallel_loop3A_524 = vector.broadcast %parallel_loop3A_522 : f32 to vector<16xf32>
        %parallel_loop3A_525 = arith.select %parallel_loop3A_520, %parallel_loop3A_523, %parallel_loop3A_524 : vector<16xi1>, vector<16xf32>
        %parallel_loop3A_526 = arith.addf %parallel_loop3A_328, %parallel_loop3A_525 : vector<16xf32>
        %parallel_loop3A_527 = arith.index_cast %parallel_loop3A_298 : i32 to index
        %parallel_loop3A_528 = arith.constant 224 : index
        %parallel_loop3A_529 = tpu.vector_load %arg7[%parallel_loop3A_527, %parallel_loop3A_528] {strides = array<i32>} : memref<40x256xf32, #tpu.memory_space<vmem>>, vector<1x16xf32>,
        %parallel_loop3A_530 = vector.shape_cast %parallel_loop3A_529 : vector<1x16xf32> to vector<16xf32>
        %parallel_loop3A_531 = arith.addf %parallel_loop3A_313, %parallel_loop3A_530 : vector<16xf32>
        %parallel_loop3A_532 = arith.constant 0.000000e+00 : f32
        %parallel_loop3A_533 = vector.broadcast %parallel_loop3A_532 : f32 to vector<16xf32>
        %parallel_loop3A_534 = arith.cmpf oeq, %parallel_loop3A_530, %parallel_loop3A_533 : vector<16xf32>
        %parallel_loop3A_535 = arith.constant 1.000000e+00 : f32
        %parallel_loop3A_536 = arith.constant 0.000000e+00 : f32
        %parallel_loop3A_537 = vector.broadcast %parallel_loop3A_535 : f32 to vector<16xf32>
        %parallel_loop3A_538 = vector.broadcast %parallel_loop3A_536 : f32 to vector<16xf32>
        %parallel_loop3A_539 = arith.select %parallel_loop3A_534, %parallel_loop3A_537, %parallel_loop3A_538 : vector<16xi1>, vector<16xf32>
        %parallel_loop3A_540 = arith.addf %parallel_loop3A_329, %parallel_loop3A_539 : vector<16xf32>
        %parallel_loop3A_541 = arith.index_cast %parallel_loop3A_298 : i32 to index
        %parallel_loop3A_542 = arith.constant 240 : index
        %parallel_loop3A_543 = tpu.vector_load %arg7[%parallel_loop3A_541, %parallel_loop3A_542] {strides = array<i32>} : memref<40x256xf32, #tpu.memory_space<vmem>>, vector<1x16xf32>,
        %parallel_loop3A_544 = vector.shape_cast %parallel_loop3A_543 : vector<1x16xf32> to vector<16xf32>
        %parallel_loop3A_545 = arith.addf %parallel_loop3A_314, %parallel_loop3A_544 : vector<16xf32>
        %parallel_loop3A_546 = arith.constant 0.000000e+00 : f32
        %parallel_loop3A_547 = vector.broadcast %parallel_loop3A_546 : f32 to vector<16xf32>
        %parallel_loop3A_548 = arith.cmpf oeq, %parallel_loop3A_544, %parallel_loop3A_547 : vector<16xf32>
        %parallel_loop3A_549 = arith.constant 1.000000e+00 : f32
        %parallel_loop3A_550 = arith.constant 0.000000e+00 : f32
        %parallel_loop3A_551 = vector.broadcast %parallel_loop3A_549 : f32 to vector<16xf32>
        %parallel_loop3A_552 = vector.broadcast %parallel_loop3A_550 : f32 to vector<16xf32>
        %parallel_loop3A_553 = arith.select %parallel_loop3A_548, %parallel_loop3A_551, %parallel_loop3A_552 : vector<16xi1>, vector<16xf32>
        %parallel_loop3A_554 = arith.addf %parallel_loop3A_330, %parallel_loop3A_553 : vector<16xf32>
        scf.yield %parallel_loop3A_335, %parallel_loop3A_349, %parallel_loop3A_363, %parallel_loop3A_377, %parallel_loop3A_391, %parallel_loop3A_405, %parallel_loop3A_419, %parallel_loop3A_433, %parallel_loop3A_447, %parallel_loop3A_461, %parallel_loop3A_475, %parallel_loop3A_489, %parallel_loop3A_503, %parallel_loop3A_517, %parallel_loop3A_531, %parallel_loop3A_545, %parallel_loop3A_344, %parallel_loop3A_358, %parallel_loop3A_372, %parallel_loop3A_386, %parallel_loop3A_400, %parallel_loop3A_414, %parallel_loop3A_428, %parallel_loop3A_442, %parallel_loop3A_456, %parallel_loop3A_470, %parallel_loop3A_484, %parallel_loop3A_498, %parallel_loop3A_512, %parallel_loop3A_526, %parallel_loop3A_540, %parallel_loop3A_554 : vector<16xf32>, vector<16xf32>, vector<16xf32>, vector<16xf32>, vector<16xf32>, vector<16xf32>, vector<16xf32>, vector<16xf32>, vector<16xf32>, vector<16xf32>, vector<16xf32>, vector<16xf32>, vector<16xf32>, vector<16xf32>, vector<16xf32>, vector<16xf32>, vector<16xf32>, vector<16xf32>, vector<16xf32>, vector<16xf32>, vector<16xf32>, vector<16xf32>, vector<16xf32>, vector<16xf32>, vector<16xf32>, vector<16xf32>, vector<16xf32>, vector<16xf32>, vector<16xf32>, vector<16xf32>, vector<16xf32>, vector<16xf32>
      } {sc.loop_unroll_factor = 1 : i64, sc.parallel_access}
      %add3A_54 = arith.constant 1 : i32
      %add3A_55 = arith.addi %scan3A_32, %add3A_54 : i32
      %lt3A_56 = arith.constant 128 : i32
      %lt3A_57 = arith.cmpi slt, %add3A_55, %lt3A_56 : i32
      %convert_element_type3A_58 = arith.extui %lt3A_57 : i1 to i32
      %cond3A_59 = arith.constant 0 : i32
      %cond3A_60 = arith.cmpi ne, %convert_element_type3A_58, %cond3A_59 : i32
      scf.if %cond3A_60 {
        %add3A_298 = arith.constant 1 : i32
        %add3A_299 = arith.addi %scan3A_32, %add3A_298 : i32
        %mul3A_300 = arith.constant 200 : i32
        %mul3A_301 = arith.muli %add3A_299, %mul3A_300 : i32
        %add3A_302 = arith.constant 40 : i32
        %add3A_303 = arith.addi %mul3A_301, %add3A_302 : i32
        %dma_start3A_304 = tpu.memref_slice %arg5[%add3A_303] : memref<25600xi32, #tpu.memory_space<vmem>> -> memref<40xi32, #tpu.memory_space<vmem>>
        %dma_start3A_305 = arith.constant 0 : i32
        %dma_start3A_306 = arith.constant 0 : i32
        %dma_start3A_307 = tpu.memref_slice %arg3[%dma_start3A_305, %dma_start3A_306] : memref<100001x256xf32, #tpu.memory_space<hbm>> -> memref<100001x256xf32, #tpu.memory_space<hbm>>
        tpu.enqueue_indirect_dma source(%dma_start3A_307 : memref<100001x256xf32, #tpu.memory_space<hbm>>) target(%arg7 : memref<40x256xf32, #tpu.memory_space<vmem>>) offsets(%dma_start3A_304 : memref<40xi32, #tpu.memory_space<vmem>>) semaphore(%arg13 : memref<!tpu.dma_semaphore, #tpu.memory_space<semaphore_mem>>)
      } else {
      }
      %dma_wait3A_61 = arith.constant 80 : i32
      %dma_wait3A_62 = tpu.memref_slice %arg5[%dma_wait3A_61] : memref<25600xi32, #tpu.memory_space<vmem>> -> memref<40xi32, #tpu.memory_space<vmem>>
      %dma_wait3A_63 = arith.constant 0 : i32
      %dma_wait3A_64 = arith.constant 0 : i32
      %dma_wait3A_65 = tpu.memref_slice %arg3[%dma_wait3A_63, %dma_wait3A_64] : memref<100001x256xf32, #tpu.memory_space<hbm>> -> memref<100001x256xf32, #tpu.memory_space<hbm>>
      tpu.wait_indirect_dma semaphore(%arg14 : memref<!tpu.dma_semaphore, #tpu.memory_space<semaphore_mem>>) src(%dma_wait3A_65 : memref<100001x256xf32, #tpu.memory_space<hbm>>) dst(%arg8 : memref<40x256xf32, #tpu.memory_space<vmem>>)
      %parallel_loop3A_66 = arith.constant 0 : i32
      %parallel_loop3A_67 = arith.constant 40 : i32
      %parallel_loop3A_68 = arith.constant 1 : i32
      %parallel_loop3A_69:32 = scf.for %parallel_loop3A_298 = %parallel_loop3A_66 to %parallel_loop3A_67 step %parallel_loop3A_68 iter_args(%parallel_loop3A_299 = %parallel_loop3A_53#0, %parallel_loop3A_300 = %parallel_loop3A_53#1, %parallel_loop3A_301 = %parallel_loop3A_53#2, %parallel_loop3A_302 = %parallel_loop3A_53#3, %parallel_loop3A_303 = %parallel_loop3A_53#4, %parallel_loop3A_304 = %parallel_loop3A_53#5, %parallel_loop3A_305 = %parallel_loop3A_53#6, %parallel_loop3A_306 = %parallel_loop3A_53#7, %parallel_loop3A_307 = %parallel_loop3A_53#8, %parallel_loop3A_308 = %parallel_loop3A_53#9, %parallel_loop3A_309 = %parallel_loop3A_53#10, %parallel_loop3A_310 = %parallel_loop3A_53#11, %parallel_loop3A_311 = %parallel_loop3A_53#12, %parallel_loop3A_312 = %parallel_loop3A_53#13, %parallel_loop3A_313 = %parallel_loop3A_53#14, %parallel_loop3A_314 = %parallel_loop3A_53#15, %parallel_loop3A_315 = %parallel_loop3A_53#16, %parallel_loop3A_316 = %parallel_loop3A_53#17, %parallel_loop3A_317 = %parallel_loop3A_53#18, %parallel_loop3A_318 = %parallel_loop3A_53#19, %parallel_loop3A_319 = %parallel_loop3A_53#20, %parallel_loop3A_320 = %parallel_loop3A_53#21, %parallel_loop3A_321 = %parallel_loop3A_53#22, %parallel_loop3A_322 = %parallel_loop3A_53#23, %parallel_loop3A_323 = %parallel_loop3A_53#24, %parallel_loop3A_324 = %parallel_loop3A_53#25, %parallel_loop3A_325 = %parallel_loop3A_53#26, %parallel_loop3A_326 = %parallel_loop3A_53#27, %parallel_loop3A_327 = %parallel_loop3A_53#28, %parallel_loop3A_328 = %parallel_loop3A_53#29, %parallel_loop3A_329 = %parallel_loop3A_53#30, %parallel_loop3A_330 = %parallel_loop3A_53#31) -> (vector<16xf32>, vector<16xf32>, vector<16xf32>, vector<16xf32>, vector<16xf32>, vector<16xf32>, vector<16xf32>, vector<16xf32>, vector<16xf32>, vector<16xf32>, vector<16xf32>, vector<16xf32>, vector<16xf32>, vector<16xf32>, vector<16xf32>, vector<16xf32>, vector<16xf32>, vector<16xf32>, vector<16xf32>, vector<16xf32>, vector<16xf32>, vector<16xf32>, vector<16xf32>, vector<16xf32>, vector<16xf32>, vector<16xf32>, vector<16xf32>, vector<16xf32>, vector<16xf32>, vector<16xf32>, vector<16xf32>, vector<16xf32>)  : i32 {
        %parallel_loop3A_331 = arith.index_cast %parallel_loop3A_298 : i32 to index
        %parallel_loop3A_332 = arith.constant 0 : index
        %parallel_loop3A_333 = tpu.vector_load %arg8[%parallel_loop3A_331, %parallel_loop3A_332] {strides = array<i32>} : memref<40x256xf32, #tpu.memory_space<vmem>>, vector<1x16xf32>,
        %parallel_loop3A_334 = vector.shape_cast %parallel_loop3A_333 : vector<1x16xf32> to vector<16xf32>
        %parallel_loop3A_335 = arith.addf %parallel_loop3A_299, %parallel_loop3A_334 : vector<16xf32>
        %parallel_loop3A_336 = arith.constant 0.000000e+00 : f32
        %parallel_loop3A_337 = vector.broadcast %parallel_loop3A_336 : f32 to vector<16xf32>
        %parallel_loop3A_338 = arith.cmpf oeq, %parallel_loop3A_334, %parallel_loop3A_337 : vector<16xf32>
        %parallel_loop3A_339 = arith.constant 1.000000e+00 : f32
        %parallel_loop3A_340 = arith.constant 0.000000e+00 : f32
        %parallel_loop3A_341 = vector.broadcast %parallel_loop3A_339 : f32 to vector<16xf32>
        %parallel_loop3A_342 = vector.broadcast %parallel_loop3A_340 : f32 to vector<16xf32>
        %parallel_loop3A_343 = arith.select %parallel_loop3A_338, %parallel_loop3A_341, %parallel_loop3A_342 : vector<16xi1>, vector<16xf32>
        %parallel_loop3A_344 = arith.addf %parallel_loop3A_315, %parallel_loop3A_343 : vector<16xf32>
        %parallel_loop3A_345 = arith.index_cast %parallel_loop3A_298 : i32 to index
        %parallel_loop3A_346 = arith.constant 16 : index
        %parallel_loop3A_347 = tpu.vector_load %arg8[%parallel_loop3A_345, %parallel_loop3A_346] {strides = array<i32>} : memref<40x256xf32, #tpu.memory_space<vmem>>, vector<1x16xf32>,
        %parallel_loop3A_348 = vector.shape_cast %parallel_loop3A_347 : vector<1x16xf32> to vector<16xf32>
        %parallel_loop3A_349 = arith.addf %parallel_loop3A_300, %parallel_loop3A_348 : vector<16xf32>
        %parallel_loop3A_350 = arith.constant 0.000000e+00 : f32
        %parallel_loop3A_351 = vector.broadcast %parallel_loop3A_350 : f32 to vector<16xf32>
        %parallel_loop3A_352 = arith.cmpf oeq, %parallel_loop3A_348, %parallel_loop3A_351 : vector<16xf32>
        %parallel_loop3A_353 = arith.constant 1.000000e+00 : f32
        %parallel_loop3A_354 = arith.constant 0.000000e+00 : f32
        %parallel_loop3A_355 = vector.broadcast %parallel_loop3A_353 : f32 to vector<16xf32>
        %parallel_loop3A_356 = vector.broadcast %parallel_loop3A_354 : f32 to vector<16xf32>
        %parallel_loop3A_357 = arith.select %parallel_loop3A_352, %parallel_loop3A_355, %parallel_loop3A_356 : vector<16xi1>, vector<16xf32>
        %parallel_loop3A_358 = arith.addf %parallel_loop3A_316, %parallel_loop3A_357 : vector<16xf32>
        %parallel_loop3A_359 = arith.index_cast %parallel_loop3A_298 : i32 to index
        %parallel_loop3A_360 = arith.constant 32 : index
        %parallel_loop3A_361 = tpu.vector_load %arg8[%parallel_loop3A_359, %parallel_loop3A_360] {strides = array<i32>} : memref<40x256xf32, #tpu.memory_space<vmem>>, vector<1x16xf32>,
        %parallel_loop3A_362 = vector.shape_cast %parallel_loop3A_361 : vector<1x16xf32> to vector<16xf32>
        %parallel_loop3A_363 = arith.addf %parallel_loop3A_301, %parallel_loop3A_362 : vector<16xf32>
        %parallel_loop3A_364 = arith.constant 0.000000e+00 : f32
        %parallel_loop3A_365 = vector.broadcast %parallel_loop3A_364 : f32 to vector<16xf32>
        %parallel_loop3A_366 = arith.cmpf oeq, %parallel_loop3A_362, %parallel_loop3A_365 : vector<16xf32>
        %parallel_loop3A_367 = arith.constant 1.000000e+00 : f32
        %parallel_loop3A_368 = arith.constant 0.000000e+00 : f32
        %parallel_loop3A_369 = vector.broadcast %parallel_loop3A_367 : f32 to vector<16xf32>
        %parallel_loop3A_370 = vector.broadcast %parallel_loop3A_368 : f32 to vector<16xf32>
        %parallel_loop3A_371 = arith.select %parallel_loop3A_366, %parallel_loop3A_369, %parallel_loop3A_370 : vector<16xi1>, vector<16xf32>
        %parallel_loop3A_372 = arith.addf %parallel_loop3A_317, %parallel_loop3A_371 : vector<16xf32>
        %parallel_loop3A_373 = arith.index_cast %parallel_loop3A_298 : i32 to index
        %parallel_loop3A_374 = arith.constant 48 : index
        %parallel_loop3A_375 = tpu.vector_load %arg8[%parallel_loop3A_373, %parallel_loop3A_374] {strides = array<i32>} : memref<40x256xf32, #tpu.memory_space<vmem>>, vector<1x16xf32>,
        %parallel_loop3A_376 = vector.shape_cast %parallel_loop3A_375 : vector<1x16xf32> to vector<16xf32>
        %parallel_loop3A_377 = arith.addf %parallel_loop3A_302, %parallel_loop3A_376 : vector<16xf32>
        %parallel_loop3A_378 = arith.constant 0.000000e+00 : f32
        %parallel_loop3A_379 = vector.broadcast %parallel_loop3A_378 : f32 to vector<16xf32>
        %parallel_loop3A_380 = arith.cmpf oeq, %parallel_loop3A_376, %parallel_loop3A_379 : vector<16xf32>
        %parallel_loop3A_381 = arith.constant 1.000000e+00 : f32
        %parallel_loop3A_382 = arith.constant 0.000000e+00 : f32
        %parallel_loop3A_383 = vector.broadcast %parallel_loop3A_381 : f32 to vector<16xf32>
        %parallel_loop3A_384 = vector.broadcast %parallel_loop3A_382 : f32 to vector<16xf32>
        %parallel_loop3A_385 = arith.select %parallel_loop3A_380, %parallel_loop3A_383, %parallel_loop3A_384 : vector<16xi1>, vector<16xf32>
        %parallel_loop3A_386 = arith.addf %parallel_loop3A_318, %parallel_loop3A_385 : vector<16xf32>
        %parallel_loop3A_387 = arith.index_cast %parallel_loop3A_298 : i32 to index
        %parallel_loop3A_388 = arith.constant 64 : index
        %parallel_loop3A_389 = tpu.vector_load %arg8[%parallel_loop3A_387, %parallel_loop3A_388] {strides = array<i32>} : memref<40x256xf32, #tpu.memory_space<vmem>>, vector<1x16xf32>,
        %parallel_loop3A_390 = vector.shape_cast %parallel_loop3A_389 : vector<1x16xf32> to vector<16xf32>
        %parallel_loop3A_391 = arith.addf %parallel_loop3A_303, %parallel_loop3A_390 : vector<16xf32>
        %parallel_loop3A_392 = arith.constant 0.000000e+00 : f32
        %parallel_loop3A_393 = vector.broadcast %parallel_loop3A_392 : f32 to vector<16xf32>
        %parallel_loop3A_394 = arith.cmpf oeq, %parallel_loop3A_390, %parallel_loop3A_393 : vector<16xf32>
        %parallel_loop3A_395 = arith.constant 1.000000e+00 : f32
        %parallel_loop3A_396 = arith.constant 0.000000e+00 : f32
        %parallel_loop3A_397 = vector.broadcast %parallel_loop3A_395 : f32 to vector<16xf32>
        %parallel_loop3A_398 = vector.broadcast %parallel_loop3A_396 : f32 to vector<16xf32>
        %parallel_loop3A_399 = arith.select %parallel_loop3A_394, %parallel_loop3A_397, %parallel_loop3A_398 : vector<16xi1>, vector<16xf32>
        %parallel_loop3A_400 = arith.addf %parallel_loop3A_319, %parallel_loop3A_399 : vector<16xf32>
        %parallel_loop3A_401 = arith.index_cast %parallel_loop3A_298 : i32 to index
        %parallel_loop3A_402 = arith.constant 80 : index
        %parallel_loop3A_403 = tpu.vector_load %arg8[%parallel_loop3A_401, %parallel_loop3A_402] {strides = array<i32>} : memref<40x256xf32, #tpu.memory_space<vmem>>, vector<1x16xf32>,
        %parallel_loop3A_404 = vector.shape_cast %parallel_loop3A_403 : vector<1x16xf32> to vector<16xf32>
        %parallel_loop3A_405 = arith.addf %parallel_loop3A_304, %parallel_loop3A_404 : vector<16xf32>
        %parallel_loop3A_406 = arith.constant 0.000000e+00 : f32
        %parallel_loop3A_407 = vector.broadcast %parallel_loop3A_406 : f32 to vector<16xf32>
        %parallel_loop3A_408 = arith.cmpf oeq, %parallel_loop3A_404, %parallel_loop3A_407 : vector<16xf32>
        %parallel_loop3A_409 = arith.constant 1.000000e+00 : f32
        %parallel_loop3A_410 = arith.constant 0.000000e+00 : f32
        %parallel_loop3A_411 = vector.broadcast %parallel_loop3A_409 : f32 to vector<16xf32>
        %parallel_loop3A_412 = vector.broadcast %parallel_loop3A_410 : f32 to vector<16xf32>
        %parallel_loop3A_413 = arith.select %parallel_loop3A_408, %parallel_loop3A_411, %parallel_loop3A_412 : vector<16xi1>, vector<16xf32>
        %parallel_loop3A_414 = arith.addf %parallel_loop3A_320, %parallel_loop3A_413 : vector<16xf32>
        %parallel_loop3A_415 = arith.index_cast %parallel_loop3A_298 : i32 to index
        %parallel_loop3A_416 = arith.constant 96 : index
        %parallel_loop3A_417 = tpu.vector_load %arg8[%parallel_loop3A_415, %parallel_loop3A_416] {strides = array<i32>} : memref<40x256xf32, #tpu.memory_space<vmem>>, vector<1x16xf32>,
        %parallel_loop3A_418 = vector.shape_cast %parallel_loop3A_417 : vector<1x16xf32> to vector<16xf32>
        %parallel_loop3A_419 = arith.addf %parallel_loop3A_305, %parallel_loop3A_418 : vector<16xf32>
        %parallel_loop3A_420 = arith.constant 0.000000e+00 : f32
        %parallel_loop3A_421 = vector.broadcast %parallel_loop3A_420 : f32 to vector<16xf32>
        %parallel_loop3A_422 = arith.cmpf oeq, %parallel_loop3A_418, %parallel_loop3A_421 : vector<16xf32>
        %parallel_loop3A_423 = arith.constant 1.000000e+00 : f32
        %parallel_loop3A_424 = arith.constant 0.000000e+00 : f32
        %parallel_loop3A_425 = vector.broadcast %parallel_loop3A_423 : f32 to vector<16xf32>
        %parallel_loop3A_426 = vector.broadcast %parallel_loop3A_424 : f32 to vector<16xf32>
        %parallel_loop3A_427 = arith.select %parallel_loop3A_422, %parallel_loop3A_425, %parallel_loop3A_426 : vector<16xi1>, vector<16xf32>
        %parallel_loop3A_428 = arith.addf %parallel_loop3A_321, %parallel_loop3A_427 : vector<16xf32>
        %parallel_loop3A_429 = arith.index_cast %parallel_loop3A_298 : i32 to index
        %parallel_loop3A_430 = arith.constant 112 : index
        %parallel_loop3A_431 = tpu.vector_load %arg8[%parallel_loop3A_429, %parallel_loop3A_430] {strides = array<i32>} : memref<40x256xf32, #tpu.memory_space<vmem>>, vector<1x16xf32>,
        %parallel_loop3A_432 = vector.shape_cast %parallel_loop3A_431 : vector<1x16xf32> to vector<16xf32>
        %parallel_loop3A_433 = arith.addf %parallel_loop3A_306, %parallel_loop3A_432 : vector<16xf32>
        %parallel_loop3A_434 = arith.constant 0.000000e+00 : f32
        %parallel_loop3A_435 = vector.broadcast %parallel_loop3A_434 : f32 to vector<16xf32>
        %parallel_loop3A_436 = arith.cmpf oeq, %parallel_loop3A_432, %parallel_loop3A_435 : vector<16xf32>
        %parallel_loop3A_437 = arith.constant 1.000000e+00 : f32
        %parallel_loop3A_438 = arith.constant 0.000000e+00 : f32
        %parallel_loop3A_439 = vector.broadcast %parallel_loop3A_437 : f32 to vector<16xf32>
        %parallel_loop3A_440 = vector.broadcast %parallel_loop3A_438 : f32 to vector<16xf32>
        %parallel_loop3A_441 = arith.select %parallel_loop3A_436, %parallel_loop3A_439, %parallel_loop3A_440 : vector<16xi1>, vector<16xf32>
        %parallel_loop3A_442 = arith.addf %parallel_loop3A_322, %parallel_loop3A_441 : vector<16xf32>
        %parallel_loop3A_443 = arith.index_cast %parallel_loop3A_298 : i32 to index
        %parallel_loop3A_444 = arith.constant 128 : index
        %parallel_loop3A_445 = tpu.vector_load %arg8[%parallel_loop3A_443, %parallel_loop3A_444] {strides = array<i32>} : memref<40x256xf32, #tpu.memory_space<vmem>>, vector<1x16xf32>,
        %parallel_loop3A_446 = vector.shape_cast %parallel_loop3A_445 : vector<1x16xf32> to vector<16xf32>
        %parallel_loop3A_447 = arith.addf %parallel_loop3A_307, %parallel_loop3A_446 : vector<16xf32>
        %parallel_loop3A_448 = arith.constant 0.000000e+00 : f32
        %parallel_loop3A_449 = vector.broadcast %parallel_loop3A_448 : f32 to vector<16xf32>
        %parallel_loop3A_450 = arith.cmpf oeq, %parallel_loop3A_446, %parallel_loop3A_449 : vector<16xf32>
        %parallel_loop3A_451 = arith.constant 1.000000e+00 : f32
        %parallel_loop3A_452 = arith.constant 0.000000e+00 : f32
        %parallel_loop3A_453 = vector.broadcast %parallel_loop3A_451 : f32 to vector<16xf32>
        %parallel_loop3A_454 = vector.broadcast %parallel_loop3A_452 : f32 to vector<16xf32>
        %parallel_loop3A_455 = arith.select %parallel_loop3A_450, %parallel_loop3A_453, %parallel_loop3A_454 : vector<16xi1>, vector<16xf32>
        %parallel_loop3A_456 = arith.addf %parallel_loop3A_323, %parallel_loop3A_455 : vector<16xf32>
        %parallel_loop3A_457 = arith.index_cast %parallel_loop3A_298 : i32 to index
        %parallel_loop3A_458 = arith.constant 144 : index
        %parallel_loop3A_459 = tpu.vector_load %arg8[%parallel_loop3A_457, %parallel_loop3A_458] {strides = array<i32>} : memref<40x256xf32, #tpu.memory_space<vmem>>, vector<1x16xf32>,
        %parallel_loop3A_460 = vector.shape_cast %parallel_loop3A_459 : vector<1x16xf32> to vector<16xf32>
        %parallel_loop3A_461 = arith.addf %parallel_loop3A_308, %parallel_loop3A_460 : vector<16xf32>
        %parallel_loop3A_462 = arith.constant 0.000000e+00 : f32
        %parallel_loop3A_463 = vector.broadcast %parallel_loop3A_462 : f32 to vector<16xf32>
        %parallel_loop3A_464 = arith.cmpf oeq, %parallel_loop3A_460, %parallel_loop3A_463 : vector<16xf32>
        %parallel_loop3A_465 = arith.constant 1.000000e+00 : f32
        %parallel_loop3A_466 = arith.constant 0.000000e+00 : f32
        %parallel_loop3A_467 = vector.broadcast %parallel_loop3A_465 : f32 to vector<16xf32>
        %parallel_loop3A_468 = vector.broadcast %parallel_loop3A_466 : f32 to vector<16xf32>
        %parallel_loop3A_469 = arith.select %parallel_loop3A_464, %parallel_loop3A_467, %parallel_loop3A_468 : vector<16xi1>, vector<16xf32>
        %parallel_loop3A_470 = arith.addf %parallel_loop3A_324, %parallel_loop3A_469 : vector<16xf32>
        %parallel_loop3A_471 = arith.index_cast %parallel_loop3A_298 : i32 to index
        %parallel_loop3A_472 = arith.constant 160 : index
        %parallel_loop3A_473 = tpu.vector_load %arg8[%parallel_loop3A_471, %parallel_loop3A_472] {strides = array<i32>} : memref<40x256xf32, #tpu.memory_space<vmem>>, vector<1x16xf32>,
        %parallel_loop3A_474 = vector.shape_cast %parallel_loop3A_473 : vector<1x16xf32> to vector<16xf32>
        %parallel_loop3A_475 = arith.addf %parallel_loop3A_309, %parallel_loop3A_474 : vector<16xf32>
        %parallel_loop3A_476 = arith.constant 0.000000e+00 : f32
        %parallel_loop3A_477 = vector.broadcast %parallel_loop3A_476 : f32 to vector<16xf32>
        %parallel_loop3A_478 = arith.cmpf oeq, %parallel_loop3A_474, %parallel_loop3A_477 : vector<16xf32>
        %parallel_loop3A_479 = arith.constant 1.000000e+00 : f32
        %parallel_loop3A_480 = arith.constant 0.000000e+00 : f32
        %parallel_loop3A_481 = vector.broadcast %parallel_loop3A_479 : f32 to vector<16xf32>
        %parallel_loop3A_482 = vector.broadcast %parallel_loop3A_480 : f32 to vector<16xf32>
        %parallel_loop3A_483 = arith.select %parallel_loop3A_478, %parallel_loop3A_481, %parallel_loop3A_482 : vector<16xi1>, vector<16xf32>
        %parallel_loop3A_484 = arith.addf %parallel_loop3A_325, %parallel_loop3A_483 : vector<16xf32>
        %parallel_loop3A_485 = arith.index_cast %parallel_loop3A_298 : i32 to index
        %parallel_loop3A_486 = arith.constant 176 : index
        %parallel_loop3A_487 = tpu.vector_load %arg8[%parallel_loop3A_485, %parallel_loop3A_486] {strides = array<i32>} : memref<40x256xf32, #tpu.memory_space<vmem>>, vector<1x16xf32>,
        %parallel_loop3A_488 = vector.shape_cast %parallel_loop3A_487 : vector<1x16xf32> to vector<16xf32>
        %parallel_loop3A_489 = arith.addf %parallel_loop3A_310, %parallel_loop3A_488 : vector<16xf32>
        %parallel_loop3A_490 = arith.constant 0.000000e+00 : f32
        %parallel_loop3A_491 = vector.broadcast %parallel_loop3A_490 : f32 to vector<16xf32>
        %parallel_loop3A_492 = arith.cmpf oeq, %parallel_loop3A_488, %parallel_loop3A_491 : vector<16xf32>
        %parallel_loop3A_493 = arith.constant 1.000000e+00 : f32
        %parallel_loop3A_494 = arith.constant 0.000000e+00 : f32
        %parallel_loop3A_495 = vector.broadcast %parallel_loop3A_493 : f32 to vector<16xf32>
        %parallel_loop3A_496 = vector.broadcast %parallel_loop3A_494 : f32 to vector<16xf32>
        %parallel_loop3A_497 = arith.select %parallel_loop3A_492, %parallel_loop3A_495, %parallel_loop3A_496 : vector<16xi1>, vector<16xf32>
        %parallel_loop3A_498 = arith.addf %parallel_loop3A_326, %parallel_loop3A_497 : vector<16xf32>
        %parallel_loop3A_499 = arith.index_cast %parallel_loop3A_298 : i32 to index
        %parallel_loop3A_500 = arith.constant 192 : index
        %parallel_loop3A_501 = tpu.vector_load %arg8[%parallel_loop3A_499, %parallel_loop3A_500] {strides = array<i32>} : memref<40x256xf32, #tpu.memory_space<vmem>>, vector<1x16xf32>,
        %parallel_loop3A_502 = vector.shape_cast %parallel_loop3A_501 : vector<1x16xf32> to vector<16xf32>
        %parallel_loop3A_503 = arith.addf %parallel_loop3A_311, %parallel_loop3A_502 : vector<16xf32>
        %parallel_loop3A_504 = arith.constant 0.000000e+00 : f32
        %parallel_loop3A_505 = vector.broadcast %parallel_loop3A_504 : f32 to vector<16xf32>
        %parallel_loop3A_506 = arith.cmpf oeq, %parallel_loop3A_502, %parallel_loop3A_505 : vector<16xf32>
        %parallel_loop3A_507 = arith.constant 1.000000e+00 : f32
        %parallel_loop3A_508 = arith.constant 0.000000e+00 : f32
        %parallel_loop3A_509 = vector.broadcast %parallel_loop3A_507 : f32 to vector<16xf32>
        %parallel_loop3A_510 = vector.broadcast %parallel_loop3A_508 : f32 to vector<16xf32>
        %parallel_loop3A_511 = arith.select %parallel_loop3A_506, %parallel_loop3A_509, %parallel_loop3A_510 : vector<16xi1>, vector<16xf32>
        %parallel_loop3A_512 = arith.addf %parallel_loop3A_327, %parallel_loop3A_511 : vector<16xf32>
        %parallel_loop3A_513 = arith.index_cast %parallel_loop3A_298 : i32 to index
        %parallel_loop3A_514 = arith.constant 208 : index
        %parallel_loop3A_515 = tpu.vector_load %arg8[%parallel_loop3A_513, %parallel_loop3A_514] {strides = array<i32>} : memref<40x256xf32, #tpu.memory_space<vmem>>, vector<1x16xf32>,
        %parallel_loop3A_516 = vector.shape_cast %parallel_loop3A_515 : vector<1x16xf32> to vector<16xf32>
        %parallel_loop3A_517 = arith.addf %parallel_loop3A_312, %parallel_loop3A_516 : vector<16xf32>
        %parallel_loop3A_518 = arith.constant 0.000000e+00 : f32
        %parallel_loop3A_519 = vector.broadcast %parallel_loop3A_518 : f32 to vector<16xf32>
        %parallel_loop3A_520 = arith.cmpf oeq, %parallel_loop3A_516, %parallel_loop3A_519 : vector<16xf32>
        %parallel_loop3A_521 = arith.constant 1.000000e+00 : f32
        %parallel_loop3A_522 = arith.constant 0.000000e+00 : f32
        %parallel_loop3A_523 = vector.broadcast %parallel_loop3A_521 : f32 to vector<16xf32>
        %parallel_loop3A_524 = vector.broadcast %parallel_loop3A_522 : f32 to vector<16xf32>
        %parallel_loop3A_525 = arith.select %parallel_loop3A_520, %parallel_loop3A_523, %parallel_loop3A_524 : vector<16xi1>, vector<16xf32>
        %parallel_loop3A_526 = arith.addf %parallel_loop3A_328, %parallel_loop3A_525 : vector<16xf32>
        %parallel_loop3A_527 = arith.index_cast %parallel_loop3A_298 : i32 to index
        %parallel_loop3A_528 = arith.constant 224 : index
        %parallel_loop3A_529 = tpu.vector_load %arg8[%parallel_loop3A_527, %parallel_loop3A_528] {strides = array<i32>} : memref<40x256xf32, #tpu.memory_space<vmem>>, vector<1x16xf32>,
        %parallel_loop3A_530 = vector.shape_cast %parallel_loop3A_529 : vector<1x16xf32> to vector<16xf32>
        %parallel_loop3A_531 = arith.addf %parallel_loop3A_313, %parallel_loop3A_530 : vector<16xf32>
        %parallel_loop3A_532 = arith.constant 0.000000e+00 : f32
        %parallel_loop3A_533 = vector.broadcast %parallel_loop3A_532 : f32 to vector<16xf32>
        %parallel_loop3A_534 = arith.cmpf oeq, %parallel_loop3A_530, %parallel_loop3A_533 : vector<16xf32>
        %parallel_loop3A_535 = arith.constant 1.000000e+00 : f32
        %parallel_loop3A_536 = arith.constant 0.000000e+00 : f32
        %parallel_loop3A_537 = vector.broadcast %parallel_loop3A_535 : f32 to vector<16xf32>
        %parallel_loop3A_538 = vector.broadcast %parallel_loop3A_536 : f32 to vector<16xf32>
        %parallel_loop3A_539 = arith.select %parallel_loop3A_534, %parallel_loop3A_537, %parallel_loop3A_538 : vector<16xi1>, vector<16xf32>
        %parallel_loop3A_540 = arith.addf %parallel_loop3A_329, %parallel_loop3A_539 : vector<16xf32>
        %parallel_loop3A_541 = arith.index_cast %parallel_loop3A_298 : i32 to index
        %parallel_loop3A_542 = arith.constant 240 : index
        %parallel_loop3A_543 = tpu.vector_load %arg8[%parallel_loop3A_541, %parallel_loop3A_542] {strides = array<i32>} : memref<40x256xf32, #tpu.memory_space<vmem>>, vector<1x16xf32>,
        %parallel_loop3A_544 = vector.shape_cast %parallel_loop3A_543 : vector<1x16xf32> to vector<16xf32>
        %parallel_loop3A_545 = arith.addf %parallel_loop3A_314, %parallel_loop3A_544 : vector<16xf32>
        %parallel_loop3A_546 = arith.constant 0.000000e+00 : f32
        %parallel_loop3A_547 = vector.broadcast %parallel_loop3A_546 : f32 to vector<16xf32>
        %parallel_loop3A_548 = arith.cmpf oeq, %parallel_loop3A_544, %parallel_loop3A_547 : vector<16xf32>
        %parallel_loop3A_549 = arith.constant 1.000000e+00 : f32
        %parallel_loop3A_550 = arith.constant 0.000000e+00 : f32
        %parallel_loop3A_551 = vector.broadcast %parallel_loop3A_549 : f32 to vector<16xf32>
        %parallel_loop3A_552 = vector.broadcast %parallel_loop3A_550 : f32 to vector<16xf32>
        %parallel_loop3A_553 = arith.select %parallel_loop3A_548, %parallel_loop3A_551, %parallel_loop3A_552 : vector<16xi1>, vector<16xf32>
        %parallel_loop3A_554 = arith.addf %parallel_loop3A_330, %parallel_loop3A_553 : vector<16xf32>
        scf.yield %parallel_loop3A_335, %parallel_loop3A_349, %parallel_loop3A_363, %parallel_loop3A_377, %parallel_loop3A_391, %parallel_loop3A_405, %parallel_loop3A_419, %parallel_loop3A_433, %parallel_loop3A_447, %parallel_loop3A_461, %parallel_loop3A_475, %parallel_loop3A_489, %parallel_loop3A_503, %parallel_loop3A_517, %parallel_loop3A_531, %parallel_loop3A_545, %parallel_loop3A_344, %parallel_loop3A_358, %parallel_loop3A_372, %parallel_loop3A_386, %parallel_loop3A_400, %parallel_loop3A_414, %parallel_loop3A_428, %parallel_loop3A_442, %parallel_loop3A_456, %parallel_loop3A_470, %parallel_loop3A_484, %parallel_loop3A_498, %parallel_loop3A_512, %parallel_loop3A_526, %parallel_loop3A_540, %parallel_loop3A_554 : vector<16xf32>, vector<16xf32>, vector<16xf32>, vector<16xf32>, vector<16xf32>, vector<16xf32>, vector<16xf32>, vector<16xf32>, vector<16xf32>, vector<16xf32>, vector<16xf32>, vector<16xf32>, vector<16xf32>, vector<16xf32>, vector<16xf32>, vector<16xf32>, vector<16xf32>, vector<16xf32>, vector<16xf32>, vector<16xf32>, vector<16xf32>, vector<16xf32>, vector<16xf32>, vector<16xf32>, vector<16xf32>, vector<16xf32>, vector<16xf32>, vector<16xf32>, vector<16xf32>, vector<16xf32>, vector<16xf32>, vector<16xf32>
      } {sc.loop_unroll_factor = 1 : i64, sc.parallel_access}
      %add3A_70 = arith.constant 1 : i32
      %add3A_71 = arith.addi %scan3A_32, %add3A_70 : i32
      %lt3A_72 = arith.constant 128 : i32
      %lt3A_73 = arith.cmpi slt, %add3A_71, %lt3A_72 : i32
      %convert_element_type3A_74 = arith.extui %lt3A_73 : i1 to i32
      %cond3A_75 = arith.constant 0 : i32
      %cond3A_76 = arith.cmpi ne, %convert_element_type3A_74, %cond3A_75 : i32
      scf.if %cond3A_76 {
        %add3A_298 = arith.constant 1 : i32
        %add3A_299 = arith.addi %scan3A_32, %add3A_298 : i32
        %mul3A_300 = arith.constant 200 : i32
        %mul3A_301 = arith.muli %add3A_299, %mul3A_300 : i32
        %add3A_302 = arith.constant 80 : i32
        %add3A_303 = arith.addi %mul3A_301, %add3A_302 : i32
        %dma_start3A_304 = tpu.memref_slice %arg5[%add3A_303] : memref<25600xi32, #tpu.memory_space<vmem>> -> memref<40xi32, #tpu.memory_space<vmem>>
        %dma_start3A_305 = arith.constant 0 : i32
        %dma_start3A_306 = arith.constant 0 : i32
        %dma_start3A_307 = tpu.memref_slice %arg3[%dma_start3A_305, %dma_start3A_306] : memref<100001x256xf32, #tpu.memory_space<hbm>> -> memref<100001x256xf32, #tpu.memory_space<hbm>>
        tpu.enqueue_indirect_dma source(%dma_start3A_307 : memref<100001x256xf32, #tpu.memory_space<hbm>>) target(%arg8 : memref<40x256xf32, #tpu.memory_space<vmem>>) offsets(%dma_start3A_304 : memref<40xi32, #tpu.memory_space<vmem>>) semaphore(%arg14 : memref<!tpu.dma_semaphore, #tpu.memory_space<semaphore_mem>>)
      } else {
      }
      %dma_wait3A_77 = arith.constant 120 : i32
      %dma_wait3A_78 = tpu.memref_slice %arg5[%dma_wait3A_77] : memref<25600xi32, #tpu.memory_space<vmem>> -> memref<40xi32, #tpu.memory_space<vmem>>
      %dma_wait3A_79 = arith.constant 0 : i32
      %dma_wait3A_80 = arith.constant 0 : i32
      %dma_wait3A_81 = tpu.memref_slice %arg3[%dma_wait3A_79, %dma_wait3A_80] : memref<100001x256xf32, #tpu.memory_space<hbm>> -> memref<100001x256xf32, #tpu.memory_space<hbm>>
      tpu.wait_indirect_dma semaphore(%arg15 : memref<!tpu.dma_semaphore, #tpu.memory_space<semaphore_mem>>) src(%dma_wait3A_81 : memref<100001x256xf32, #tpu.memory_space<hbm>>) dst(%arg9 : memref<40x256xf32, #tpu.memory_space<vmem>>)
      %parallel_loop3A_82 = arith.constant 0 : i32
      %parallel_loop3A_83 = arith.constant 40 : i32
      %parallel_loop3A_84 = arith.constant 1 : i32
      %parallel_loop3A_85:32 = scf.for %parallel_loop3A_298 = %parallel_loop3A_82 to %parallel_loop3A_83 step %parallel_loop3A_84 iter_args(%parallel_loop3A_299 = %parallel_loop3A_69#0, %parallel_loop3A_300 = %parallel_loop3A_69#1, %parallel_loop3A_301 = %parallel_loop3A_69#2, %parallel_loop3A_302 = %parallel_loop3A_69#3, %parallel_loop3A_303 = %parallel_loop3A_69#4, %parallel_loop3A_304 = %parallel_loop3A_69#5, %parallel_loop3A_305 = %parallel_loop3A_69#6, %parallel_loop3A_306 = %parallel_loop3A_69#7, %parallel_loop3A_307 = %parallel_loop3A_69#8, %parallel_loop3A_308 = %parallel_loop3A_69#9, %parallel_loop3A_309 = %parallel_loop3A_69#10, %parallel_loop3A_310 = %parallel_loop3A_69#11, %parallel_loop3A_311 = %parallel_loop3A_69#12, %parallel_loop3A_312 = %parallel_loop3A_69#13, %parallel_loop3A_313 = %parallel_loop3A_69#14, %parallel_loop3A_314 = %parallel_loop3A_69#15, %parallel_loop3A_315 = %parallel_loop3A_69#16, %parallel_loop3A_316 = %parallel_loop3A_69#17, %parallel_loop3A_317 = %parallel_loop3A_69#18, %parallel_loop3A_318 = %parallel_loop3A_69#19, %parallel_loop3A_319 = %parallel_loop3A_69#20, %parallel_loop3A_320 = %parallel_loop3A_69#21, %parallel_loop3A_321 = %parallel_loop3A_69#22, %parallel_loop3A_322 = %parallel_loop3A_69#23, %parallel_loop3A_323 = %parallel_loop3A_69#24, %parallel_loop3A_324 = %parallel_loop3A_69#25, %parallel_loop3A_325 = %parallel_loop3A_69#26, %parallel_loop3A_326 = %parallel_loop3A_69#27, %parallel_loop3A_327 = %parallel_loop3A_69#28, %parallel_loop3A_328 = %parallel_loop3A_69#29, %parallel_loop3A_329 = %parallel_loop3A_69#30, %parallel_loop3A_330 = %parallel_loop3A_69#31) -> (vector<16xf32>, vector<16xf32>, vector<16xf32>, vector<16xf32>, vector<16xf32>, vector<16xf32>, vector<16xf32>, vector<16xf32>, vector<16xf32>, vector<16xf32>, vector<16xf32>, vector<16xf32>, vector<16xf32>, vector<16xf32>, vector<16xf32>, vector<16xf32>, vector<16xf32>, vector<16xf32>, vector<16xf32>, vector<16xf32>, vector<16xf32>, vector<16xf32>, vector<16xf32>, vector<16xf32>, vector<16xf32>, vector<16xf32>, vector<16xf32>, vector<16xf32>, vector<16xf32>, vector<16xf32>, vector<16xf32>, vector<16xf32>)  : i32 {
        %parallel_loop3A_331 = arith.index_cast %parallel_loop3A_298 : i32 to index
        %parallel_loop3A_332 = arith.constant 0 : index
        %parallel_loop3A_333 = tpu.vector_load %arg9[%parallel_loop3A_331, %parallel_loop3A_332] {strides = array<i32>} : memref<40x256xf32, #tpu.memory_space<vmem>>, vector<1x16xf32>,
        %parallel_loop3A_334 = vector.shape_cast %parallel_loop3A_333 : vector<1x16xf32> to vector<16xf32>
        %parallel_loop3A_335 = arith.addf %parallel_loop3A_299, %parallel_loop3A_334 : vector<16xf32>
        %parallel_loop3A_336 = arith.constant 0.000000e+00 : f32
        %parallel_loop3A_337 = vector.broadcast %parallel_loop3A_336 : f32 to vector<16xf32>
        %parallel_loop3A_338 = arith.cmpf oeq, %parallel_loop3A_334, %parallel_loop3A_337 : vector<16xf32>
        %parallel_loop3A_339 = arith.constant 1.000000e+00 : f32
        %parallel_loop3A_340 = arith.constant 0.000000e+00 : f32
        %parallel_loop3A_341 = vector.broadcast %parallel_loop3A_339 : f32 to vector<16xf32>
        %parallel_loop3A_342 = vector.broadcast %parallel_loop3A_340 : f32 to vector<16xf32>
        %parallel_loop3A_343 = arith.select %parallel_loop3A_338, %parallel_loop3A_341, %parallel_loop3A_342 : vector<16xi1>, vector<16xf32>
        %parallel_loop3A_344 = arith.addf %parallel_loop3A_315, %parallel_loop3A_343 : vector<16xf32>
        %parallel_loop3A_345 = arith.index_cast %parallel_loop3A_298 : i32 to index
        %parallel_loop3A_346 = arith.constant 16 : index
        %parallel_loop3A_347 = tpu.vector_load %arg9[%parallel_loop3A_345, %parallel_loop3A_346] {strides = array<i32>} : memref<40x256xf32, #tpu.memory_space<vmem>>, vector<1x16xf32>,
        %parallel_loop3A_348 = vector.shape_cast %parallel_loop3A_347 : vector<1x16xf32> to vector<16xf32>
        %parallel_loop3A_349 = arith.addf %parallel_loop3A_300, %parallel_loop3A_348 : vector<16xf32>
        %parallel_loop3A_350 = arith.constant 0.000000e+00 : f32
        %parallel_loop3A_351 = vector.broadcast %parallel_loop3A_350 : f32 to vector<16xf32>
        %parallel_loop3A_352 = arith.cmpf oeq, %parallel_loop3A_348, %parallel_loop3A_351 : vector<16xf32>
        %parallel_loop3A_353 = arith.constant 1.000000e+00 : f32
        %parallel_loop3A_354 = arith.constant 0.000000e+00 : f32
        %parallel_loop3A_355 = vector.broadcast %parallel_loop3A_353 : f32 to vector<16xf32>
        %parallel_loop3A_356 = vector.broadcast %parallel_loop3A_354 : f32 to vector<16xf32>
        %parallel_loop3A_357 = arith.select %parallel_loop3A_352, %parallel_loop3A_355, %parallel_loop3A_356 : vector<16xi1>, vector<16xf32>
        %parallel_loop3A_358 = arith.addf %parallel_loop3A_316, %parallel_loop3A_357 : vector<16xf32>
        %parallel_loop3A_359 = arith.index_cast %parallel_loop3A_298 : i32 to index
        %parallel_loop3A_360 = arith.constant 32 : index
        %parallel_loop3A_361 = tpu.vector_load %arg9[%parallel_loop3A_359, %parallel_loop3A_360] {strides = array<i32>} : memref<40x256xf32, #tpu.memory_space<vmem>>, vector<1x16xf32>,
        %parallel_loop3A_362 = vector.shape_cast %parallel_loop3A_361 : vector<1x16xf32> to vector<16xf32>
        %parallel_loop3A_363 = arith.addf %parallel_loop3A_301, %parallel_loop3A_362 : vector<16xf32>
        %parallel_loop3A_364 = arith.constant 0.000000e+00 : f32
        %parallel_loop3A_365 = vector.broadcast %parallel_loop3A_364 : f32 to vector<16xf32>
        %parallel_loop3A_366 = arith.cmpf oeq, %parallel_loop3A_362, %parallel_loop3A_365 : vector<16xf32>
        %parallel_loop3A_367 = arith.constant 1.000000e+00 : f32
        %parallel_loop3A_368 = arith.constant 0.000000e+00 : f32
        %parallel_loop3A_369 = vector.broadcast %parallel_loop3A_367 : f32 to vector<16xf32>
        %parallel_loop3A_370 = vector.broadcast %parallel_loop3A_368 : f32 to vector<16xf32>
        %parallel_loop3A_371 = arith.select %parallel_loop3A_366, %parallel_loop3A_369, %parallel_loop3A_370 : vector<16xi1>, vector<16xf32>
        %parallel_loop3A_372 = arith.addf %parallel_loop3A_317, %parallel_loop3A_371 : vector<16xf32>
        %parallel_loop3A_373 = arith.index_cast %parallel_loop3A_298 : i32 to index
        %parallel_loop3A_374 = arith.constant 48 : index
        %parallel_loop3A_375 = tpu.vector_load %arg9[%parallel_loop3A_373, %parallel_loop3A_374] {strides = array<i32>} : memref<40x256xf32, #tpu.memory_space<vmem>>, vector<1x16xf32>,
        %parallel_loop3A_376 = vector.shape_cast %parallel_loop3A_375 : vector<1x16xf32> to vector<16xf32>
        %parallel_loop3A_377 = arith.addf %parallel_loop3A_302, %parallel_loop3A_376 : vector<16xf32>
        %parallel_loop3A_378 = arith.constant 0.000000e+00 : f32
        %parallel_loop3A_379 = vector.broadcast %parallel_loop3A_378 : f32 to vector<16xf32>
        %parallel_loop3A_380 = arith.cmpf oeq, %parallel_loop3A_376, %parallel_loop3A_379 : vector<16xf32>
        %parallel_loop3A_381 = arith.constant 1.000000e+00 : f32
        %parallel_loop3A_382 = arith.constant 0.000000e+00 : f32
        %parallel_loop3A_383 = vector.broadcast %parallel_loop3A_381 : f32 to vector<16xf32>
        %parallel_loop3A_384 = vector.broadcast %parallel_loop3A_382 : f32 to vector<16xf32>
        %parallel_loop3A_385 = arith.select %parallel_loop3A_380, %parallel_loop3A_383, %parallel_loop3A_384 : vector<16xi1>, vector<16xf32>
        %parallel_loop3A_386 = arith.addf %parallel_loop3A_318, %parallel_loop3A_385 : vector<16xf32>
        %parallel_loop3A_387 = arith.index_cast %parallel_loop3A_298 : i32 to index
        %parallel_loop3A_388 = arith.constant 64 : index
        %parallel_loop3A_389 = tpu.vector_load %arg9[%parallel_loop3A_387, %parallel_loop3A_388] {strides = array<i32>} : memref<40x256xf32, #tpu.memory_space<vmem>>, vector<1x16xf32>,
        %parallel_loop3A_390 = vector.shape_cast %parallel_loop3A_389 : vector<1x16xf32> to vector<16xf32>
        %parallel_loop3A_391 = arith.addf %parallel_loop3A_303, %parallel_loop3A_390 : vector<16xf32>
        %parallel_loop3A_392 = arith.constant 0.000000e+00 : f32
        %parallel_loop3A_393 = vector.broadcast %parallel_loop3A_392 : f32 to vector<16xf32>
        %parallel_loop3A_394 = arith.cmpf oeq, %parallel_loop3A_390, %parallel_loop3A_393 : vector<16xf32>
        %parallel_loop3A_395 = arith.constant 1.000000e+00 : f32
        %parallel_loop3A_396 = arith.constant 0.000000e+00 : f32
        %parallel_loop3A_397 = vector.broadcast %parallel_loop3A_395 : f32 to vector<16xf32>
        %parallel_loop3A_398 = vector.broadcast %parallel_loop3A_396 : f32 to vector<16xf32>
        %parallel_loop3A_399 = arith.select %parallel_loop3A_394, %parallel_loop3A_397, %parallel_loop3A_398 : vector<16xi1>, vector<16xf32>
        %parallel_loop3A_400 = arith.addf %parallel_loop3A_319, %parallel_loop3A_399 : vector<16xf32>
        %parallel_loop3A_401 = arith.index_cast %parallel_loop3A_298 : i32 to index
        %parallel_loop3A_402 = arith.constant 80 : index
        %parallel_loop3A_403 = tpu.vector_load %arg9[%parallel_loop3A_401, %parallel_loop3A_402] {strides = array<i32>} : memref<40x256xf32, #tpu.memory_space<vmem>>, vector<1x16xf32>,
        %parallel_loop3A_404 = vector.shape_cast %parallel_loop3A_403 : vector<1x16xf32> to vector<16xf32>
        %parallel_loop3A_405 = arith.addf %parallel_loop3A_304, %parallel_loop3A_404 : vector<16xf32>
        %parallel_loop3A_406 = arith.constant 0.000000e+00 : f32
        %parallel_loop3A_407 = vector.broadcast %parallel_loop3A_406 : f32 to vector<16xf32>
        %parallel_loop3A_408 = arith.cmpf oeq, %parallel_loop3A_404, %parallel_loop3A_407 : vector<16xf32>
        %parallel_loop3A_409 = arith.constant 1.000000e+00 : f32
        %parallel_loop3A_410 = arith.constant 0.000000e+00 : f32
        %parallel_loop3A_411 = vector.broadcast %parallel_loop3A_409 : f32 to vector<16xf32>
        %parallel_loop3A_412 = vector.broadcast %parallel_loop3A_410 : f32 to vector<16xf32>
        %parallel_loop3A_413 = arith.select %parallel_loop3A_408, %parallel_loop3A_411, %parallel_loop3A_412 : vector<16xi1>, vector<16xf32>
        %parallel_loop3A_414 = arith.addf %parallel_loop3A_320, %parallel_loop3A_413 : vector<16xf32>
        %parallel_loop3A_415 = arith.index_cast %parallel_loop3A_298 : i32 to index
        %parallel_loop3A_416 = arith.constant 96 : index
        %parallel_loop3A_417 = tpu.vector_load %arg9[%parallel_loop3A_415, %parallel_loop3A_416] {strides = array<i32>} : memref<40x256xf32, #tpu.memory_space<vmem>>, vector<1x16xf32>,
        %parallel_loop3A_418 = vector.shape_cast %parallel_loop3A_417 : vector<1x16xf32> to vector<16xf32>
        %parallel_loop3A_419 = arith.addf %parallel_loop3A_305, %parallel_loop3A_418 : vector<16xf32>
        %parallel_loop3A_420 = arith.constant 0.000000e+00 : f32
        %parallel_loop3A_421 = vector.broadcast %parallel_loop3A_420 : f32 to vector<16xf32>
        %parallel_loop3A_422 = arith.cmpf oeq, %parallel_loop3A_418, %parallel_loop3A_421 : vector<16xf32>
        %parallel_loop3A_423 = arith.constant 1.000000e+00 : f32
        %parallel_loop3A_424 = arith.constant 0.000000e+00 : f32
        %parallel_loop3A_425 = vector.broadcast %parallel_loop3A_423 : f32 to vector<16xf32>
        %parallel_loop3A_426 = vector.broadcast %parallel_loop3A_424 : f32 to vector<16xf32>
        %parallel_loop3A_427 = arith.select %parallel_loop3A_422, %parallel_loop3A_425, %parallel_loop3A_426 : vector<16xi1>, vector<16xf32>
        %parallel_loop3A_428 = arith.addf %parallel_loop3A_321, %parallel_loop3A_427 : vector<16xf32>
        %parallel_loop3A_429 = arith.index_cast %parallel_loop3A_298 : i32 to index
        %parallel_loop3A_430 = arith.constant 112 : index
        %parallel_loop3A_431 = tpu.vector_load %arg9[%parallel_loop3A_429, %parallel_loop3A_430] {strides = array<i32>} : memref<40x256xf32, #tpu.memory_space<vmem>>, vector<1x16xf32>,
        %parallel_loop3A_432 = vector.shape_cast %parallel_loop3A_431 : vector<1x16xf32> to vector<16xf32>
        %parallel_loop3A_433 = arith.addf %parallel_loop3A_306, %parallel_loop3A_432 : vector<16xf32>
        %parallel_loop3A_434 = arith.constant 0.000000e+00 : f32
        %parallel_loop3A_435 = vector.broadcast %parallel_loop3A_434 : f32 to vector<16xf32>
        %parallel_loop3A_436 = arith.cmpf oeq, %parallel_loop3A_432, %parallel_loop3A_435 : vector<16xf32>
        %parallel_loop3A_437 = arith.constant 1.000000e+00 : f32
        %parallel_loop3A_438 = arith.constant 0.000000e+00 : f32
        %parallel_loop3A_439 = vector.broadcast %parallel_loop3A_437 : f32 to vector<16xf32>
        %parallel_loop3A_440 = vector.broadcast %parallel_loop3A_438 : f32 to vector<16xf32>
        %parallel_loop3A_441 = arith.select %parallel_loop3A_436, %parallel_loop3A_439, %parallel_loop3A_440 : vector<16xi1>, vector<16xf32>
        %parallel_loop3A_442 = arith.addf %parallel_loop3A_322, %parallel_loop3A_441 : vector<16xf32>
        %parallel_loop3A_443 = arith.index_cast %parallel_loop3A_298 : i32 to index
        %parallel_loop3A_444 = arith.constant 128 : index
        %parallel_loop3A_445 = tpu.vector_load %arg9[%parallel_loop3A_443, %parallel_loop3A_444] {strides = array<i32>} : memref<40x256xf32, #tpu.memory_space<vmem>>, vector<1x16xf32>,
        %parallel_loop3A_446 = vector.shape_cast %parallel_loop3A_445 : vector<1x16xf32> to vector<16xf32>
        %parallel_loop3A_447 = arith.addf %parallel_loop3A_307, %parallel_loop3A_446 : vector<16xf32>
        %parallel_loop3A_448 = arith.constant 0.000000e+00 : f32
        %parallel_loop3A_449 = vector.broadcast %parallel_loop3A_448 : f32 to vector<16xf32>
        %parallel_loop3A_450 = arith.cmpf oeq, %parallel_loop3A_446, %parallel_loop3A_449 : vector<16xf32>
        %parallel_loop3A_451 = arith.constant 1.000000e+00 : f32
        %parallel_loop3A_452 = arith.constant 0.000000e+00 : f32
        %parallel_loop3A_453 = vector.broadcast %parallel_loop3A_451 : f32 to vector<16xf32>
        %parallel_loop3A_454 = vector.broadcast %parallel_loop3A_452 : f32 to vector<16xf32>
        %parallel_loop3A_455 = arith.select %parallel_loop3A_450, %parallel_loop3A_453, %parallel_loop3A_454 : vector<16xi1>, vector<16xf32>
        %parallel_loop3A_456 = arith.addf %parallel_loop3A_323, %parallel_loop3A_455 : vector<16xf32>
        %parallel_loop3A_457 = arith.index_cast %parallel_loop3A_298 : i32 to index
        %parallel_loop3A_458 = arith.constant 144 : index
        %parallel_loop3A_459 = tpu.vector_load %arg9[%parallel_loop3A_457, %parallel_loop3A_458] {strides = array<i32>} : memref<40x256xf32, #tpu.memory_space<vmem>>, vector<1x16xf32>,
        %parallel_loop3A_460 = vector.shape_cast %parallel_loop3A_459 : vector<1x16xf32> to vector<16xf32>
        %parallel_loop3A_461 = arith.addf %parallel_loop3A_308, %parallel_loop3A_460 : vector<16xf32>
        %parallel_loop3A_462 = arith.constant 0.000000e+00 : f32
        %parallel_loop3A_463 = vector.broadcast %parallel_loop3A_462 : f32 to vector<16xf32>
        %parallel_loop3A_464 = arith.cmpf oeq, %parallel_loop3A_460, %parallel_loop3A_463 : vector<16xf32>
        %parallel_loop3A_465 = arith.constant 1.000000e+00 : f32
        %parallel_loop3A_466 = arith.constant 0.000000e+00 : f32
        %parallel_loop3A_467 = vector.broadcast %parallel_loop3A_465 : f32 to vector<16xf32>
        %parallel_loop3A_468 = vector.broadcast %parallel_loop3A_466 : f32 to vector<16xf32>
        %parallel_loop3A_469 = arith.select %parallel_loop3A_464, %parallel_loop3A_467, %parallel_loop3A_468 : vector<16xi1>, vector<16xf32>
        %parallel_loop3A_470 = arith.addf %parallel_loop3A_324, %parallel_loop3A_469 : vector<16xf32>
        %parallel_loop3A_471 = arith.index_cast %parallel_loop3A_298 : i32 to index
        %parallel_loop3A_472 = arith.constant 160 : index
        %parallel_loop3A_473 = tpu.vector_load %arg9[%parallel_loop3A_471, %parallel_loop3A_472] {strides = array<i32>} : memref<40x256xf32, #tpu.memory_space<vmem>>, vector<1x16xf32>,
        %parallel_loop3A_474 = vector.shape_cast %parallel_loop3A_473 : vector<1x16xf32> to vector<16xf32>
        %parallel_loop3A_475 = arith.addf %parallel_loop3A_309, %parallel_loop3A_474 : vector<16xf32>
        %parallel_loop3A_476 = arith.constant 0.000000e+00 : f32
        %parallel_loop3A_477 = vector.broadcast %parallel_loop3A_476 : f32 to vector<16xf32>
        %parallel_loop3A_478 = arith.cmpf oeq, %parallel_loop3A_474, %parallel_loop3A_477 : vector<16xf32>
        %parallel_loop3A_479 = arith.constant 1.000000e+00 : f32
        %parallel_loop3A_480 = arith.constant 0.000000e+00 : f32
        %parallel_loop3A_481 = vector.broadcast %parallel_loop3A_479 : f32 to vector<16xf32>
        %parallel_loop3A_482 = vector.broadcast %parallel_loop3A_480 : f32 to vector<16xf32>
        %parallel_loop3A_483 = arith.select %parallel_loop3A_478, %parallel_loop3A_481, %parallel_loop3A_482 : vector<16xi1>, vector<16xf32>
        %parallel_loop3A_484 = arith.addf %parallel_loop3A_325, %parallel_loop3A_483 : vector<16xf32>
        %parallel_loop3A_485 = arith.index_cast %parallel_loop3A_298 : i32 to index
        %parallel_loop3A_486 = arith.constant 176 : index
        %parallel_loop3A_487 = tpu.vector_load %arg9[%parallel_loop3A_485, %parallel_loop3A_486] {strides = array<i32>} : memref<40x256xf32, #tpu.memory_space<vmem>>, vector<1x16xf32>,
        %parallel_loop3A_488 = vector.shape_cast %parallel_loop3A_487 : vector<1x16xf32> to vector<16xf32>
        %parallel_loop3A_489 = arith.addf %parallel_loop3A_310, %parallel_loop3A_488 : vector<16xf32>
        %parallel_loop3A_490 = arith.constant 0.000000e+00 : f32
        %parallel_loop3A_491 = vector.broadcast %parallel_loop3A_490 : f32 to vector<16xf32>
        %parallel_loop3A_492 = arith.cmpf oeq, %parallel_loop3A_488, %parallel_loop3A_491 : vector<16xf32>
        %parallel_loop3A_493 = arith.constant 1.000000e+00 : f32
        %parallel_loop3A_494 = arith.constant 0.000000e+00 : f32
        %parallel_loop3A_495 = vector.broadcast %parallel_loop3A_493 : f32 to vector<16xf32>
        %parallel_loop3A_496 = vector.broadcast %parallel_loop3A_494 : f32 to vector<16xf32>
        %parallel_loop3A_497 = arith.select %parallel_loop3A_492, %parallel_loop3A_495, %parallel_loop3A_496 : vector<16xi1>, vector<16xf32>
        %parallel_loop3A_498 = arith.addf %parallel_loop3A_326, %parallel_loop3A_497 : vector<16xf32>
        %parallel_loop3A_499 = arith.index_cast %parallel_loop3A_298 : i32 to index
        %parallel_loop3A_500 = arith.constant 192 : index
        %parallel_loop3A_501 = tpu.vector_load %arg9[%parallel_loop3A_499, %parallel_loop3A_500] {strides = array<i32>} : memref<40x256xf32, #tpu.memory_space<vmem>>, vector<1x16xf32>,
        %parallel_loop3A_502 = vector.shape_cast %parallel_loop3A_501 : vector<1x16xf32> to vector<16xf32>
        %parallel_loop3A_503 = arith.addf %parallel_loop3A_311, %parallel_loop3A_502 : vector<16xf32>
        %parallel_loop3A_504 = arith.constant 0.000000e+00 : f32
        %parallel_loop3A_505 = vector.broadcast %parallel_loop3A_504 : f32 to vector<16xf32>
        %parallel_loop3A_506 = arith.cmpf oeq, %parallel_loop3A_502, %parallel_loop3A_505 : vector<16xf32>
        %parallel_loop3A_507 = arith.constant 1.000000e+00 : f32
        %parallel_loop3A_508 = arith.constant 0.000000e+00 : f32
        %parallel_loop3A_509 = vector.broadcast %parallel_loop3A_507 : f32 to vector<16xf32>
        %parallel_loop3A_510 = vector.broadcast %parallel_loop3A_508 : f32 to vector<16xf32>
        %parallel_loop3A_511 = arith.select %parallel_loop3A_506, %parallel_loop3A_509, %parallel_loop3A_510 : vector<16xi1>, vector<16xf32>
        %parallel_loop3A_512 = arith.addf %parallel_loop3A_327, %parallel_loop3A_511 : vector<16xf32>
        %parallel_loop3A_513 = arith.index_cast %parallel_loop3A_298 : i32 to index
        %parallel_loop3A_514 = arith.constant 208 : index
        %parallel_loop3A_515 = tpu.vector_load %arg9[%parallel_loop3A_513, %parallel_loop3A_514] {strides = array<i32>} : memref<40x256xf32, #tpu.memory_space<vmem>>, vector<1x16xf32>,
        %parallel_loop3A_516 = vector.shape_cast %parallel_loop3A_515 : vector<1x16xf32> to vector<16xf32>
        %parallel_loop3A_517 = arith.addf %parallel_loop3A_312, %parallel_loop3A_516 : vector<16xf32>
        %parallel_loop3A_518 = arith.constant 0.000000e+00 : f32
        %parallel_loop3A_519 = vector.broadcast %parallel_loop3A_518 : f32 to vector<16xf32>
        %parallel_loop3A_520 = arith.cmpf oeq, %parallel_loop3A_516, %parallel_loop3A_519 : vector<16xf32>
        %parallel_loop3A_521 = arith.constant 1.000000e+00 : f32
        %parallel_loop3A_522 = arith.constant 0.000000e+00 : f32
        %parallel_loop3A_523 = vector.broadcast %parallel_loop3A_521 : f32 to vector<16xf32>
        %parallel_loop3A_524 = vector.broadcast %parallel_loop3A_522 : f32 to vector<16xf32>
        %parallel_loop3A_525 = arith.select %parallel_loop3A_520, %parallel_loop3A_523, %parallel_loop3A_524 : vector<16xi1>, vector<16xf32>
        %parallel_loop3A_526 = arith.addf %parallel_loop3A_328, %parallel_loop3A_525 : vector<16xf32>
        %parallel_loop3A_527 = arith.index_cast %parallel_loop3A_298 : i32 to index
        %parallel_loop3A_528 = arith.constant 224 : index
        %parallel_loop3A_529 = tpu.vector_load %arg9[%parallel_loop3A_527, %parallel_loop3A_528] {strides = array<i32>} : memref<40x256xf32, #tpu.memory_space<vmem>>, vector<1x16xf32>,
        %parallel_loop3A_530 = vector.shape_cast %parallel_loop3A_529 : vector<1x16xf32> to vector<16xf32>
        %parallel_loop3A_531 = arith.addf %parallel_loop3A_313, %parallel_loop3A_530 : vector<16xf32>
        %parallel_loop3A_532 = arith.constant 0.000000e+00 : f32
        %parallel_loop3A_533 = vector.broadcast %parallel_loop3A_532 : f32 to vector<16xf32>
        %parallel_loop3A_534 = arith.cmpf oeq, %parallel_loop3A_530, %parallel_loop3A_533 : vector<16xf32>
        %parallel_loop3A_535 = arith.constant 1.000000e+00 : f32
        %parallel_loop3A_536 = arith.constant 0.000000e+00 : f32
        %parallel_loop3A_537 = vector.broadcast %parallel_loop3A_535 : f32 to vector<16xf32>
        %parallel_loop3A_538 = vector.broadcast %parallel_loop3A_536 : f32 to vector<16xf32>
        %parallel_loop3A_539 = arith.select %parallel_loop3A_534, %parallel_loop3A_537, %parallel_loop3A_538 : vector<16xi1>, vector<16xf32>
        %parallel_loop3A_540 = arith.addf %parallel_loop3A_329, %parallel_loop3A_539 : vector<16xf32>
        %parallel_loop3A_541 = arith.index_cast %parallel_loop3A_298 : i32 to index
        %parallel_loop3A_542 = arith.constant 240 : index
        %parallel_loop3A_543 = tpu.vector_load %arg9[%parallel_loop3A_541, %parallel_loop3A_542] {strides = array<i32>} : memref<40x256xf32, #tpu.memory_space<vmem>>, vector<1x16xf32>,
        %parallel_loop3A_544 = vector.shape_cast %parallel_loop3A_543 : vector<1x16xf32> to vector<16xf32>
        %parallel_loop3A_545 = arith.addf %parallel_loop3A_314, %parallel_loop3A_544 : vector<16xf32>
        %parallel_loop3A_546 = arith.constant 0.000000e+00 : f32
        %parallel_loop3A_547 = vector.broadcast %parallel_loop3A_546 : f32 to vector<16xf32>
        %parallel_loop3A_548 = arith.cmpf oeq, %parallel_loop3A_544, %parallel_loop3A_547 : vector<16xf32>
        %parallel_loop3A_549 = arith.constant 1.000000e+00 : f32
        %parallel_loop3A_550 = arith.constant 0.000000e+00 : f32
        %parallel_loop3A_551 = vector.broadcast %parallel_loop3A_549 : f32 to vector<16xf32>
        %parallel_loop3A_552 = vector.broadcast %parallel_loop3A_550 : f32 to vector<16xf32>
        %parallel_loop3A_553 = arith.select %parallel_loop3A_548, %parallel_loop3A_551, %parallel_loop3A_552 : vector<16xi1>, vector<16xf32>
        %parallel_loop3A_554 = arith.addf %parallel_loop3A_330, %parallel_loop3A_553 : vector<16xf32>
        scf.yield %parallel_loop3A_335, %parallel_loop3A_349, %parallel_loop3A_363, %parallel_loop3A_377, %parallel_loop3A_391, %parallel_loop3A_405, %parallel_loop3A_419, %parallel_loop3A_433, %parallel_loop3A_447, %parallel_loop3A_461, %parallel_loop3A_475, %parallel_loop3A_489, %parallel_loop3A_503, %parallel_loop3A_517, %parallel_loop3A_531, %parallel_loop3A_545, %parallel_loop3A_344, %parallel_loop3A_358, %parallel_loop3A_372, %parallel_loop3A_386, %parallel_loop3A_400, %parallel_loop3A_414, %parallel_loop3A_428, %parallel_loop3A_442, %parallel_loop3A_456, %parallel_loop3A_470, %parallel_loop3A_484, %parallel_loop3A_498, %parallel_loop3A_512, %parallel_loop3A_526, %parallel_loop3A_540, %parallel_loop3A_554 : vector<16xf32>, vector<16xf32>, vector<16xf32>, vector<16xf32>, vector<16xf32>, vector<16xf32>, vector<16xf32>, vector<16xf32>, vector<16xf32>, vector<16xf32>, vector<16xf32>, vector<16xf32>, vector<16xf32>, vector<16xf32>, vector<16xf32>, vector<16xf32>, vector<16xf32>, vector<16xf32>, vector<16xf32>, vector<16xf32>, vector<16xf32>, vector<16xf32>, vector<16xf32>, vector<16xf32>, vector<16xf32>, vector<16xf32>, vector<16xf32>, vector<16xf32>, vector<16xf32>, vector<16xf32>, vector<16xf32>, vector<16xf32>
      } {sc.loop_unroll_factor = 1 : i64, sc.parallel_access}
      %add3A_86 = arith.constant 1 : i32
      %add3A_87 = arith.addi %scan3A_32, %add3A_86 : i32
      %lt3A_88 = arith.constant 128 : i32
      %lt3A_89 = arith.cmpi slt, %add3A_87, %lt3A_88 : i32
      %convert_element_type3A_90 = arith.extui %lt3A_89 : i1 to i32
      %cond3A_91 = arith.constant 0 : i32
      %cond3A_92 = arith.cmpi ne, %convert_element_type3A_90, %cond3A_91 : i32
      scf.if %cond3A_92 {
        %add3A_298 = arith.constant 1 : i32
        %add3A_299 = arith.addi %scan3A_32, %add3A_298 : i32
        %mul3A_300 = arith.constant 200 : i32
        %mul3A_301 = arith.muli %add3A_299, %mul3A_300 : i32
        %add3A_302 = arith.constant 120 : i32
        %add3A_303 = arith.addi %mul3A_301, %add3A_302 : i32
        %dma_start3A_304 = tpu.memref_slice %arg5[%add3A_303] : memref<25600xi32, #tpu.memory_space<vmem>> -> memref<40xi32, #tpu.memory_space<vmem>>
        %dma_start3A_305 = arith.constant 0 : i32
        %dma_start3A_306 = arith.constant 0 : i32
        %dma_start3A_307 = tpu.memref_slice %arg3[%dma_start3A_305, %dma_start3A_306] : memref<100001x256xf32, #tpu.memory_space<hbm>> -> memref<100001x256xf32, #tpu.memory_space<hbm>>
        tpu.enqueue_indirect_dma source(%dma_start3A_307 : memref<100001x256xf32, #tpu.memory_space<hbm>>) target(%arg9 : memref<40x256xf32, #tpu.memory_space<vmem>>) offsets(%dma_start3A_304 : memref<40xi32, #tpu.memory_space<vmem>>) semaphore(%arg15 : memref<!tpu.dma_semaphore, #tpu.memory_space<semaphore_mem>>)
      } else {
      }
      %dma_wait3A_93 = arith.constant 160 : i32
      %dma_wait3A_94 = tpu.memref_slice %arg5[%dma_wait3A_93] : memref<25600xi32, #tpu.memory_space<vmem>> -> memref<40xi32, #tpu.memory_space<vmem>>
      %dma_wait3A_95 = arith.constant 0 : i32
      %dma_wait3A_96 = arith.constant 0 : i32
      %dma_wait3A_97 = tpu.memref_slice %arg3[%dma_wait3A_95, %dma_wait3A_96] : memref<100001x256xf32, #tpu.memory_space<hbm>> -> memref<100001x256xf32, #tpu.memory_space<hbm>>
      tpu.wait_indirect_dma semaphore(%arg16 : memref<!tpu.dma_semaphore, #tpu.memory_space<semaphore_mem>>) src(%dma_wait3A_97 : memref<100001x256xf32, #tpu.memory_space<hbm>>) dst(%arg10 : memref<40x256xf32, #tpu.memory_space<vmem>>)
      %parallel_loop3A_98 = arith.constant 0 : i32
      %parallel_loop3A_99 = arith.constant 40 : i32
      %parallel_loop3A_100 = arith.constant 1 : i32
      %parallel_loop3A_101:32 = scf.for %parallel_loop3A_298 = %parallel_loop3A_98 to %parallel_loop3A_99 step %parallel_loop3A_100 iter_args(%parallel_loop3A_299 = %parallel_loop3A_85#0, %parallel_loop3A_300 = %parallel_loop3A_85#1, %parallel_loop3A_301 = %parallel_loop3A_85#2, %parallel_loop3A_302 = %parallel_loop3A_85#3, %parallel_loop3A_303 = %parallel_loop3A_85#4, %parallel_loop3A_304 = %parallel_loop3A_85#5, %parallel_loop3A_305 = %parallel_loop3A_85#6, %parallel_loop3A_306 = %parallel_loop3A_85#7, %parallel_loop3A_307 = %parallel_loop3A_85#8, %parallel_loop3A_308 = %parallel_loop3A_85#9, %parallel_loop3A_309 = %parallel_loop3A_85#10, %parallel_loop3A_310 = %parallel_loop3A_85#11, %parallel_loop3A_311 = %parallel_loop3A_85#12, %parallel_loop3A_312 = %parallel_loop3A_85#13, %parallel_loop3A_313 = %parallel_loop3A_85#14, %parallel_loop3A_314 = %parallel_loop3A_85#15, %parallel_loop3A_315 = %parallel_loop3A_85#16, %parallel_loop3A_316 = %parallel_loop3A_85#17, %parallel_loop3A_317 = %parallel_loop3A_85#18, %parallel_loop3A_318 = %parallel_loop3A_85#19, %parallel_loop3A_319 = %parallel_loop3A_85#20, %parallel_loop3A_320 = %parallel_loop3A_85#21, %parallel_loop3A_321 = %parallel_loop3A_85#22, %parallel_loop3A_322 = %parallel_loop3A_85#23, %parallel_loop3A_323 = %parallel_loop3A_85#24, %parallel_loop3A_324 = %parallel_loop3A_85#25, %parallel_loop3A_325 = %parallel_loop3A_85#26, %parallel_loop3A_326 = %parallel_loop3A_85#27, %parallel_loop3A_327 = %parallel_loop3A_85#28, %parallel_loop3A_328 = %parallel_loop3A_85#29, %parallel_loop3A_329 = %parallel_loop3A_85#30, %parallel_loop3A_330 = %parallel_loop3A_85#31) -> (vector<16xf32>, vector<16xf32>, vector<16xf32>, vector<16xf32>, vector<16xf32>, vector<16xf32>, vector<16xf32>, vector<16xf32>, vector<16xf32>, vector<16xf32>, vector<16xf32>, vector<16xf32>, vector<16xf32>, vector<16xf32>, vector<16xf32>, vector<16xf32>, vector<16xf32>, vector<16xf32>, vector<16xf32>, vector<16xf32>, vector<16xf32>, vector<16xf32>, vector<16xf32>, vector<16xf32>, vector<16xf32>, vector<16xf32>, vector<16xf32>, vector<16xf32>, vector<16xf32>, vector<16xf32>, vector<16xf32>, vector<16xf32>)  : i32 {
        %parallel_loop3A_331 = arith.index_cast %parallel_loop3A_298 : i32 to index
        %parallel_loop3A_332 = arith.constant 0 : index
        %parallel_loop3A_333 = tpu.vector_load %arg10[%parallel_loop3A_331, %parallel_loop3A_332] {strides = array<i32>} : memref<40x256xf32, #tpu.memory_space<vmem>>, vector<1x16xf32>,
        %parallel_loop3A_334 = vector.shape_cast %parallel_loop3A_333 : vector<1x16xf32> to vector<16xf32>
        %parallel_loop3A_335 = arith.addf %parallel_loop3A_299, %parallel_loop3A_334 : vector<16xf32>
        %parallel_loop3A_336 = arith.constant 0.000000e+00 : f32
        %parallel_loop3A_337 = vector.broadcast %parallel_loop3A_336 : f32 to vector<16xf32>
        %parallel_loop3A_338 = arith.cmpf oeq, %parallel_loop3A_334, %parallel_loop3A_337 : vector<16xf32>
        %parallel_loop3A_339 = arith.constant 1.000000e+00 : f32
        %parallel_loop3A_340 = arith.constant 0.000000e+00 : f32
        %parallel_loop3A_341 = vector.broadcast %parallel_loop3A_339 : f32 to vector<16xf32>
        %parallel_loop3A_342 = vector.broadcast %parallel_loop3A_340 : f32 to vector<16xf32>
        %parallel_loop3A_343 = arith.select %parallel_loop3A_338, %parallel_loop3A_341, %parallel_loop3A_342 : vector<16xi1>, vector<16xf32>
        %parallel_loop3A_344 = arith.addf %parallel_loop3A_315, %parallel_loop3A_343 : vector<16xf32>
        %parallel_loop3A_345 = arith.index_cast %parallel_loop3A_298 : i32 to index
        %parallel_loop3A_346 = arith.constant 16 : index
        %parallel_loop3A_347 = tpu.vector_load %arg10[%parallel_loop3A_345, %parallel_loop3A_346] {strides = array<i32>} : memref<40x256xf32, #tpu.memory_space<vmem>>, vector<1x16xf32>,
        %parallel_loop3A_348 = vector.shape_cast %parallel_loop3A_347 : vector<1x16xf32> to vector<16xf32>
        %parallel_loop3A_349 = arith.addf %parallel_loop3A_300, %parallel_loop3A_348 : vector<16xf32>
        %parallel_loop3A_350 = arith.constant 0.000000e+00 : f32
        %parallel_loop3A_351 = vector.broadcast %parallel_loop3A_350 : f32 to vector<16xf32>
        %parallel_loop3A_352 = arith.cmpf oeq, %parallel_loop3A_348, %parallel_loop3A_351 : vector<16xf32>
        %parallel_loop3A_353 = arith.constant 1.000000e+00 : f32
        %parallel_loop3A_354 = arith.constant 0.000000e+00 : f32
        %parallel_loop3A_355 = vector.broadcast %parallel_loop3A_353 : f32 to vector<16xf32>
        %parallel_loop3A_356 = vector.broadcast %parallel_loop3A_354 : f32 to vector<16xf32>
        %parallel_loop3A_357 = arith.select %parallel_loop3A_352, %parallel_loop3A_355, %parallel_loop3A_356 : vector<16xi1>, vector<16xf32>
        %parallel_loop3A_358 = arith.addf %parallel_loop3A_316, %parallel_loop3A_357 : vector<16xf32>
        %parallel_loop3A_359 = arith.index_cast %parallel_loop3A_298 : i32 to index
        %parallel_loop3A_360 = arith.constant 32 : index
        %parallel_loop3A_361 = tpu.vector_load %arg10[%parallel_loop3A_359, %parallel_loop3A_360] {strides = array<i32>} : memref<40x256xf32, #tpu.memory_space<vmem>>, vector<1x16xf32>,
        %parallel_loop3A_362 = vector.shape_cast %parallel_loop3A_361 : vector<1x16xf32> to vector<16xf32>
        %parallel_loop3A_363 = arith.addf %parallel_loop3A_301, %parallel_loop3A_362 : vector<16xf32>
        %parallel_loop3A_364 = arith.constant 0.000000e+00 : f32
        %parallel_loop3A_365 = vector.broadcast %parallel_loop3A_364 : f32 to vector<16xf32>
        %parallel_loop3A_366 = arith.cmpf oeq, %parallel_loop3A_362, %parallel_loop3A_365 : vector<16xf32>
        %parallel_loop3A_367 = arith.constant 1.000000e+00 : f32
        %parallel_loop3A_368 = arith.constant 0.000000e+00 : f32
        %parallel_loop3A_369 = vector.broadcast %parallel_loop3A_367 : f32 to vector<16xf32>
        %parallel_loop3A_370 = vector.broadcast %parallel_loop3A_368 : f32 to vector<16xf32>
        %parallel_loop3A_371 = arith.select %parallel_loop3A_366, %parallel_loop3A_369, %parallel_loop3A_370 : vector<16xi1>, vector<16xf32>
        %parallel_loop3A_372 = arith.addf %parallel_loop3A_317, %parallel_loop3A_371 : vector<16xf32>
        %parallel_loop3A_373 = arith.index_cast %parallel_loop3A_298 : i32 to index
        %parallel_loop3A_374 = arith.constant 48 : index
        %parallel_loop3A_375 = tpu.vector_load %arg10[%parallel_loop3A_373, %parallel_loop3A_374] {strides = array<i32>} : memref<40x256xf32, #tpu.memory_space<vmem>>, vector<1x16xf32>,
        %parallel_loop3A_376 = vector.shape_cast %parallel_loop3A_375 : vector<1x16xf32> to vector<16xf32>
        %parallel_loop3A_377 = arith.addf %parallel_loop3A_302, %parallel_loop3A_376 : vector<16xf32>
        %parallel_loop3A_378 = arith.constant 0.000000e+00 : f32
        %parallel_loop3A_379 = vector.broadcast %parallel_loop3A_378 : f32 to vector<16xf32>
        %parallel_loop3A_380 = arith.cmpf oeq, %parallel_loop3A_376, %parallel_loop3A_379 : vector<16xf32>
        %parallel_loop3A_381 = arith.constant 1.000000e+00 : f32
        %parallel_loop3A_382 = arith.constant 0.000000e+00 : f32
        %parallel_loop3A_383 = vector.broadcast %parallel_loop3A_381 : f32 to vector<16xf32>
        %parallel_loop3A_384 = vector.broadcast %parallel_loop3A_382 : f32 to vector<16xf32>
        %parallel_loop3A_385 = arith.select %parallel_loop3A_380, %parallel_loop3A_383, %parallel_loop3A_384 : vector<16xi1>, vector<16xf32>
        %parallel_loop3A_386 = arith.addf %parallel_loop3A_318, %parallel_loop3A_385 : vector<16xf32>
        %parallel_loop3A_387 = arith.index_cast %parallel_loop3A_298 : i32 to index
        %parallel_loop3A_388 = arith.constant 64 : index
        %parallel_loop3A_389 = tpu.vector_load %arg10[%parallel_loop3A_387, %parallel_loop3A_388] {strides = array<i32>} : memref<40x256xf32, #tpu.memory_space<vmem>>, vector<1x16xf32>,
        %parallel_loop3A_390 = vector.shape_cast %parallel_loop3A_389 : vector<1x16xf32> to vector<16xf32>
        %parallel_loop3A_391 = arith.addf %parallel_loop3A_303, %parallel_loop3A_390 : vector<16xf32>
        %parallel_loop3A_392 = arith.constant 0.000000e+00 : f32
        %parallel_loop3A_393 = vector.broadcast %parallel_loop3A_392 : f32 to vector<16xf32>
        %parallel_loop3A_394 = arith.cmpf oeq, %parallel_loop3A_390, %parallel_loop3A_393 : vector<16xf32>
        %parallel_loop3A_395 = arith.constant 1.000000e+00 : f32
        %parallel_loop3A_396 = arith.constant 0.000000e+00 : f32
        %parallel_loop3A_397 = vector.broadcast %parallel_loop3A_395 : f32 to vector<16xf32>
        %parallel_loop3A_398 = vector.broadcast %parallel_loop3A_396 : f32 to vector<16xf32>
        %parallel_loop3A_399 = arith.select %parallel_loop3A_394, %parallel_loop3A_397, %parallel_loop3A_398 : vector<16xi1>, vector<16xf32>
        %parallel_loop3A_400 = arith.addf %parallel_loop3A_319, %parallel_loop3A_399 : vector<16xf32>
        %parallel_loop3A_401 = arith.index_cast %parallel_loop3A_298 : i32 to index
        %parallel_loop3A_402 = arith.constant 80 : index
        %parallel_loop3A_403 = tpu.vector_load %arg10[%parallel_loop3A_401, %parallel_loop3A_402] {strides = array<i32>} : memref<40x256xf32, #tpu.memory_space<vmem>>, vector<1x16xf32>,
        %parallel_loop3A_404 = vector.shape_cast %parallel_loop3A_403 : vector<1x16xf32> to vector<16xf32>
        %parallel_loop3A_405 = arith.addf %parallel_loop3A_304, %parallel_loop3A_404 : vector<16xf32>
        %parallel_loop3A_406 = arith.constant 0.000000e+00 : f32
        %parallel_loop3A_407 = vector.broadcast %parallel_loop3A_406 : f32 to vector<16xf32>
        %parallel_loop3A_408 = arith.cmpf oeq, %parallel_loop3A_404, %parallel_loop3A_407 : vector<16xf32>
        %parallel_loop3A_409 = arith.constant 1.000000e+00 : f32
        %parallel_loop3A_410 = arith.constant 0.000000e+00 : f32
        %parallel_loop3A_411 = vector.broadcast %parallel_loop3A_409 : f32 to vector<16xf32>
        %parallel_loop3A_412 = vector.broadcast %parallel_loop3A_410 : f32 to vector<16xf32>
        %parallel_loop3A_413 = arith.select %parallel_loop3A_408, %parallel_loop3A_411, %parallel_loop3A_412 : vector<16xi1>, vector<16xf32>
        %parallel_loop3A_414 = arith.addf %parallel_loop3A_320, %parallel_loop3A_413 : vector<16xf32>
        %parallel_loop3A_415 = arith.index_cast %parallel_loop3A_298 : i32 to index
        %parallel_loop3A_416 = arith.constant 96 : index
        %parallel_loop3A_417 = tpu.vector_load %arg10[%parallel_loop3A_415, %parallel_loop3A_416] {strides = array<i32>} : memref<40x256xf32, #tpu.memory_space<vmem>>, vector<1x16xf32>,
        %parallel_loop3A_418 = vector.shape_cast %parallel_loop3A_417 : vector<1x16xf32> to vector<16xf32>
        %parallel_loop3A_419 = arith.addf %parallel_loop3A_305, %parallel_loop3A_418 : vector<16xf32>
        %parallel_loop3A_420 = arith.constant 0.000000e+00 : f32
        %parallel_loop3A_421 = vector.broadcast %parallel_loop3A_420 : f32 to vector<16xf32>
        %parallel_loop3A_422 = arith.cmpf oeq, %parallel_loop3A_418, %parallel_loop3A_421 : vector<16xf32>
        %parallel_loop3A_423 = arith.constant 1.000000e+00 : f32
        %parallel_loop3A_424 = arith.constant 0.000000e+00 : f32
        %parallel_loop3A_425 = vector.broadcast %parallel_loop3A_423 : f32 to vector<16xf32>
        %parallel_loop3A_426 = vector.broadcast %parallel_loop3A_424 : f32 to vector<16xf32>
        %parallel_loop3A_427 = arith.select %parallel_loop3A_422, %parallel_loop3A_425, %parallel_loop3A_426 : vector<16xi1>, vector<16xf32>
        %parallel_loop3A_428 = arith.addf %parallel_loop3A_321, %parallel_loop3A_427 : vector<16xf32>
        %parallel_loop3A_429 = arith.index_cast %parallel_loop3A_298 : i32 to index
        %parallel_loop3A_430 = arith.constant 112 : index
        %parallel_loop3A_431 = tpu.vector_load %arg10[%parallel_loop3A_429, %parallel_loop3A_430] {strides = array<i32>} : memref<40x256xf32, #tpu.memory_space<vmem>>, vector<1x16xf32>,
        %parallel_loop3A_432 = vector.shape_cast %parallel_loop3A_431 : vector<1x16xf32> to vector<16xf32>
        %parallel_loop3A_433 = arith.addf %parallel_loop3A_306, %parallel_loop3A_432 : vector<16xf32>
        %parallel_loop3A_434 = arith.constant 0.000000e+00 : f32
        %parallel_loop3A_435 = vector.broadcast %parallel_loop3A_434 : f32 to vector<16xf32>
        %parallel_loop3A_436 = arith.cmpf oeq, %parallel_loop3A_432, %parallel_loop3A_435 : vector<16xf32>
        %parallel_loop3A_437 = arith.constant 1.000000e+00 : f32
        %parallel_loop3A_438 = arith.constant 0.000000e+00 : f32
        %parallel_loop3A_439 = vector.broadcast %parallel_loop3A_437 : f32 to vector<16xf32>
        %parallel_loop3A_440 = vector.broadcast %parallel_loop3A_438 : f32 to vector<16xf32>
        %parallel_loop3A_441 = arith.select %parallel_loop3A_436, %parallel_loop3A_439, %parallel_loop3A_440 : vector<16xi1>, vector<16xf32>
        %parallel_loop3A_442 = arith.addf %parallel_loop3A_322, %parallel_loop3A_441 : vector<16xf32>
        %parallel_loop3A_443 = arith.index_cast %parallel_loop3A_298 : i32 to index
        %parallel_loop3A_444 = arith.constant 128 : index
        %parallel_loop3A_445 = tpu.vector_load %arg10[%parallel_loop3A_443, %parallel_loop3A_444] {strides = array<i32>} : memref<40x256xf32, #tpu.memory_space<vmem>>, vector<1x16xf32>,
        %parallel_loop3A_446 = vector.shape_cast %parallel_loop3A_445 : vector<1x16xf32> to vector<16xf32>
        %parallel_loop3A_447 = arith.addf %parallel_loop3A_307, %parallel_loop3A_446 : vector<16xf32>
        %parallel_loop3A_448 = arith.constant 0.000000e+00 : f32
        %parallel_loop3A_449 = vector.broadcast %parallel_loop3A_448 : f32 to vector<16xf32>
        %parallel_loop3A_450 = arith.cmpf oeq, %parallel_loop3A_446, %parallel_loop3A_449 : vector<16xf32>
        %parallel_loop3A_451 = arith.constant 1.000000e+00 : f32
        %parallel_loop3A_452 = arith.constant 0.000000e+00 : f32
        %parallel_loop3A_453 = vector.broadcast %parallel_loop3A_451 : f32 to vector<16xf32>
        %parallel_loop3A_454 = vector.broadcast %parallel_loop3A_452 : f32 to vector<16xf32>
        %parallel_loop3A_455 = arith.select %parallel_loop3A_450, %parallel_loop3A_453, %parallel_loop3A_454 : vector<16xi1>, vector<16xf32>
        %parallel_loop3A_456 = arith.addf %parallel_loop3A_323, %parallel_loop3A_455 : vector<16xf32>
        %parallel_loop3A_457 = arith.index_cast %parallel_loop3A_298 : i32 to index
        %parallel_loop3A_458 = arith.constant 144 : index
        %parallel_loop3A_459 = tpu.vector_load %arg10[%parallel_loop3A_457, %parallel_loop3A_458] {strides = array<i32>} : memref<40x256xf32, #tpu.memory_space<vmem>>, vector<1x16xf32>,
        %parallel_loop3A_460 = vector.shape_cast %parallel_loop3A_459 : vector<1x16xf32> to vector<16xf32>
        %parallel_loop3A_461 = arith.addf %parallel_loop3A_308, %parallel_loop3A_460 : vector<16xf32>
        %parallel_loop3A_462 = arith.constant 0.000000e+00 : f32
        %parallel_loop3A_463 = vector.broadcast %parallel_loop3A_462 : f32 to vector<16xf32>
        %parallel_loop3A_464 = arith.cmpf oeq, %parallel_loop3A_460, %parallel_loop3A_463 : vector<16xf32>
        %parallel_loop3A_465 = arith.constant 1.000000e+00 : f32
        %parallel_loop3A_466 = arith.constant 0.000000e+00 : f32
        %parallel_loop3A_467 = vector.broadcast %parallel_loop3A_465 : f32 to vector<16xf32>
        %parallel_loop3A_468 = vector.broadcast %parallel_loop3A_466 : f32 to vector<16xf32>
        %parallel_loop3A_469 = arith.select %parallel_loop3A_464, %parallel_loop3A_467, %parallel_loop3A_468 : vector<16xi1>, vector<16xf32>
        %parallel_loop3A_470 = arith.addf %parallel_loop3A_324, %parallel_loop3A_469 : vector<16xf32>
        %parallel_loop3A_471 = arith.index_cast %parallel_loop3A_298 : i32 to index
        %parallel_loop3A_472 = arith.constant 160 : index
        %parallel_loop3A_473 = tpu.vector_load %arg10[%parallel_loop3A_471, %parallel_loop3A_472] {strides = array<i32>} : memref<40x256xf32, #tpu.memory_space<vmem>>, vector<1x16xf32>,
        %parallel_loop3A_474 = vector.shape_cast %parallel_loop3A_473 : vector<1x16xf32> to vector<16xf32>
        %parallel_loop3A_475 = arith.addf %parallel_loop3A_309, %parallel_loop3A_474 : vector<16xf32>
        %parallel_loop3A_476 = arith.constant 0.000000e+00 : f32
        %parallel_loop3A_477 = vector.broadcast %parallel_loop3A_476 : f32 to vector<16xf32>
        %parallel_loop3A_478 = arith.cmpf oeq, %parallel_loop3A_474, %parallel_loop3A_477 : vector<16xf32>
        %parallel_loop3A_479 = arith.constant 1.000000e+00 : f32
        %parallel_loop3A_480 = arith.constant 0.000000e+00 : f32
        %parallel_loop3A_481 = vector.broadcast %parallel_loop3A_479 : f32 to vector<16xf32>
        %parallel_loop3A_482 = vector.broadcast %parallel_loop3A_480 : f32 to vector<16xf32>
        %parallel_loop3A_483 = arith.select %parallel_loop3A_478, %parallel_loop3A_481, %parallel_loop3A_482 : vector<16xi1>, vector<16xf32>
        %parallel_loop3A_484 = arith.addf %parallel_loop3A_325, %parallel_loop3A_483 : vector<16xf32>
        %parallel_loop3A_485 = arith.index_cast %parallel_loop3A_298 : i32 to index
        %parallel_loop3A_486 = arith.constant 176 : index
        %parallel_loop3A_487 = tpu.vector_load %arg10[%parallel_loop3A_485, %parallel_loop3A_486] {strides = array<i32>} : memref<40x256xf32, #tpu.memory_space<vmem>>, vector<1x16xf32>,
        %parallel_loop3A_488 = vector.shape_cast %parallel_loop3A_487 : vector<1x16xf32> to vector<16xf32>
        %parallel_loop3A_489 = arith.addf %parallel_loop3A_310, %parallel_loop3A_488 : vector<16xf32>
        %parallel_loop3A_490 = arith.constant 0.000000e+00 : f32
        %parallel_loop3A_491 = vector.broadcast %parallel_loop3A_490 : f32 to vector<16xf32>
        %parallel_loop3A_492 = arith.cmpf oeq, %parallel_loop3A_488, %parallel_loop3A_491 : vector<16xf32>
        %parallel_loop3A_493 = arith.constant 1.000000e+00 : f32
        %parallel_loop3A_494 = arith.constant 0.000000e+00 : f32
        %parallel_loop3A_495 = vector.broadcast %parallel_loop3A_493 : f32 to vector<16xf32>
        %parallel_loop3A_496 = vector.broadcast %parallel_loop3A_494 : f32 to vector<16xf32>
        %parallel_loop3A_497 = arith.select %parallel_loop3A_492, %parallel_loop3A_495, %parallel_loop3A_496 : vector<16xi1>, vector<16xf32>
        %parallel_loop3A_498 = arith.addf %parallel_loop3A_326, %parallel_loop3A_497 : vector<16xf32>
        %parallel_loop3A_499 = arith.index_cast %parallel_loop3A_298 : i32 to index
        %parallel_loop3A_500 = arith.constant 192 : index
        %parallel_loop3A_501 = tpu.vector_load %arg10[%parallel_loop3A_499, %parallel_loop3A_500] {strides = array<i32>} : memref<40x256xf32, #tpu.memory_space<vmem>>, vector<1x16xf32>,
        %parallel_loop3A_502 = vector.shape_cast %parallel_loop3A_501 : vector<1x16xf32> to vector<16xf32>
        %parallel_loop3A_503 = arith.addf %parallel_loop3A_311, %parallel_loop3A_502 : vector<16xf32>
        %parallel_loop3A_504 = arith.constant 0.000000e+00 : f32
        %parallel_loop3A_505 = vector.broadcast %parallel_loop3A_504 : f32 to vector<16xf32>
        %parallel_loop3A_506 = arith.cmpf oeq, %parallel_loop3A_502, %parallel_loop3A_505 : vector<16xf32>
        %parallel_loop3A_507 = arith.constant 1.000000e+00 : f32
        %parallel_loop3A_508 = arith.constant 0.000000e+00 : f32
        %parallel_loop3A_509 = vector.broadcast %parallel_loop3A_507 : f32 to vector<16xf32>
        %parallel_loop3A_510 = vector.broadcast %parallel_loop3A_508 : f32 to vector<16xf32>
        %parallel_loop3A_511 = arith.select %parallel_loop3A_506, %parallel_loop3A_509, %parallel_loop3A_510 : vector<16xi1>, vector<16xf32>
        %parallel_loop3A_512 = arith.addf %parallel_loop3A_327, %parallel_loop3A_511 : vector<16xf32>
        %parallel_loop3A_513 = arith.index_cast %parallel_loop3A_298 : i32 to index
        %parallel_loop3A_514 = arith.constant 208 : index
        %parallel_loop3A_515 = tpu.vector_load %arg10[%parallel_loop3A_513, %parallel_loop3A_514] {strides = array<i32>} : memref<40x256xf32, #tpu.memory_space<vmem>>, vector<1x16xf32>,
        %parallel_loop3A_516 = vector.shape_cast %parallel_loop3A_515 : vector<1x16xf32> to vector<16xf32>
        %parallel_loop3A_517 = arith.addf %parallel_loop3A_312, %parallel_loop3A_516 : vector<16xf32>
        %parallel_loop3A_518 = arith.constant 0.000000e+00 : f32
        %parallel_loop3A_519 = vector.broadcast %parallel_loop3A_518 : f32 to vector<16xf32>
        %parallel_loop3A_520 = arith.cmpf oeq, %parallel_loop3A_516, %parallel_loop3A_519 : vector<16xf32>
        %parallel_loop3A_521 = arith.constant 1.000000e+00 : f32
        %parallel_loop3A_522 = arith.constant 0.000000e+00 : f32
        %parallel_loop3A_523 = vector.broadcast %parallel_loop3A_521 : f32 to vector<16xf32>
        %parallel_loop3A_524 = vector.broadcast %parallel_loop3A_522 : f32 to vector<16xf32>
        %parallel_loop3A_525 = arith.select %parallel_loop3A_520, %parallel_loop3A_523, %parallel_loop3A_524 : vector<16xi1>, vector<16xf32>
        %parallel_loop3A_526 = arith.addf %parallel_loop3A_328, %parallel_loop3A_525 : vector<16xf32>
        %parallel_loop3A_527 = arith.index_cast %parallel_loop3A_298 : i32 to index
        %parallel_loop3A_528 = arith.constant 224 : index
        %parallel_loop3A_529 = tpu.vector_load %arg10[%parallel_loop3A_527, %parallel_loop3A_528] {strides = array<i32>} : memref<40x256xf32, #tpu.memory_space<vmem>>, vector<1x16xf32>,
        %parallel_loop3A_530 = vector.shape_cast %parallel_loop3A_529 : vector<1x16xf32> to vector<16xf32>
        %parallel_loop3A_531 = arith.addf %parallel_loop3A_313, %parallel_loop3A_530 : vector<16xf32>
        %parallel_loop3A_532 = arith.constant 0.000000e+00 : f32
        %parallel_loop3A_533 = vector.broadcast %parallel_loop3A_532 : f32 to vector<16xf32>
        %parallel_loop3A_534 = arith.cmpf oeq, %parallel_loop3A_530, %parallel_loop3A_533 : vector<16xf32>
        %parallel_loop3A_535 = arith.constant 1.000000e+00 : f32
        %parallel_loop3A_536 = arith.constant 0.000000e+00 : f32
        %parallel_loop3A_537 = vector.broadcast %parallel_loop3A_535 : f32 to vector<16xf32>
        %parallel_loop3A_538 = vector.broadcast %parallel_loop3A_536 : f32 to vector<16xf32>
        %parallel_loop3A_539 = arith.select %parallel_loop3A_534, %parallel_loop3A_537, %parallel_loop3A_538 : vector<16xi1>, vector<16xf32>
        %parallel_loop3A_540 = arith.addf %parallel_loop3A_329, %parallel_loop3A_539 : vector<16xf32>
        %parallel_loop3A_541 = arith.index_cast %parallel_loop3A_298 : i32 to index
        %parallel_loop3A_542 = arith.constant 240 : index
        %parallel_loop3A_543 = tpu.vector_load %arg10[%parallel_loop3A_541, %parallel_loop3A_542] {strides = array<i32>} : memref<40x256xf32, #tpu.memory_space<vmem>>, vector<1x16xf32>,
        %parallel_loop3A_544 = vector.shape_cast %parallel_loop3A_543 : vector<1x16xf32> to vector<16xf32>
        %parallel_loop3A_545 = arith.addf %parallel_loop3A_314, %parallel_loop3A_544 : vector<16xf32>
        %parallel_loop3A_546 = arith.constant 0.000000e+00 : f32
        %parallel_loop3A_547 = vector.broadcast %parallel_loop3A_546 : f32 to vector<16xf32>
        %parallel_loop3A_548 = arith.cmpf oeq, %parallel_loop3A_544, %parallel_loop3A_547 : vector<16xf32>
        %parallel_loop3A_549 = arith.constant 1.000000e+00 : f32
        %parallel_loop3A_550 = arith.constant 0.000000e+00 : f32
        %parallel_loop3A_551 = vector.broadcast %parallel_loop3A_549 : f32 to vector<16xf32>
        %parallel_loop3A_552 = vector.broadcast %parallel_loop3A_550 : f32 to vector<16xf32>
        %parallel_loop3A_553 = arith.select %parallel_loop3A_548, %parallel_loop3A_551, %parallel_loop3A_552 : vector<16xi1>, vector<16xf32>
        %parallel_loop3A_554 = arith.addf %parallel_loop3A_330, %parallel_loop3A_553 : vector<16xf32>
        scf.yield %parallel_loop3A_335, %parallel_loop3A_349, %parallel_loop3A_363, %parallel_loop3A_377, %parallel_loop3A_391, %parallel_loop3A_405, %parallel_loop3A_419, %parallel_loop3A_433, %parallel_loop3A_447, %parallel_loop3A_461, %parallel_loop3A_475, %parallel_loop3A_489, %parallel_loop3A_503, %parallel_loop3A_517, %parallel_loop3A_531, %parallel_loop3A_545, %parallel_loop3A_344, %parallel_loop3A_358, %parallel_loop3A_372, %parallel_loop3A_386, %parallel_loop3A_400, %parallel_loop3A_414, %parallel_loop3A_428, %parallel_loop3A_442, %parallel_loop3A_456, %parallel_loop3A_470, %parallel_loop3A_484, %parallel_loop3A_498, %parallel_loop3A_512, %parallel_loop3A_526, %parallel_loop3A_540, %parallel_loop3A_554 : vector<16xf32>, vector<16xf32>, vector<16xf32>, vector<16xf32>, vector<16xf32>, vector<16xf32>, vector<16xf32>, vector<16xf32>, vector<16xf32>, vector<16xf32>, vector<16xf32>, vector<16xf32>, vector<16xf32>, vector<16xf32>, vector<16xf32>, vector<16xf32>, vector<16xf32>, vector<16xf32>, vector<16xf32>, vector<16xf32>, vector<16xf32>, vector<16xf32>, vector<16xf32>, vector<16xf32>, vector<16xf32>, vector<16xf32>, vector<16xf32>, vector<16xf32>, vector<16xf32>, vector<16xf32>, vector<16xf32>, vector<16xf32>
      } {sc.loop_unroll_factor = 1 : i64, sc.parallel_access}
      %add3A_102 = arith.constant 1 : i32
      %add3A_103 = arith.addi %scan3A_32, %add3A_102 : i32
      %lt3A_104 = arith.constant 128 : i32
      %lt3A_105 = arith.cmpi slt, %add3A_103, %lt3A_104 : i32
      %convert_element_type3A_106 = arith.extui %lt3A_105 : i1 to i32
      %cond3A_107 = arith.constant 0 : i32
      %cond3A_108 = arith.cmpi ne, %convert_element_type3A_106, %cond3A_107 : i32
      scf.if %cond3A_108 {
        %add3A_298 = arith.constant 1 : i32
        %add3A_299 = arith.addi %scan3A_32, %add3A_298 : i32
        %mul3A_300 = arith.constant 200 : i32
        %mul3A_301 = arith.muli %add3A_299, %mul3A_300 : i32
        %add3A_302 = arith.constant 160 : i32
        %add3A_303 = arith.addi %mul3A_301, %add3A_302 : i32
        %dma_start3A_304 = tpu.memref_slice %arg5[%add3A_303] : memref<25600xi32, #tpu.memory_space<vmem>> -> memref<40xi32, #tpu.memory_space<vmem>>
        %dma_start3A_305 = arith.constant 0 : i32
        %dma_start3A_306 = arith.constant 0 : i32
        %dma_start3A_307 = tpu.memref_slice %arg3[%dma_start3A_305, %dma_start3A_306] : memref<100001x256xf32, #tpu.memory_space<hbm>> -> memref<100001x256xf32, #tpu.memory_space<hbm>>
        tpu.enqueue_indirect_dma source(%dma_start3A_307 : memref<100001x256xf32, #tpu.memory_space<hbm>>) target(%arg10 : memref<40x256xf32, #tpu.memory_space<vmem>>) offsets(%dma_start3A_304 : memref<40xi32, #tpu.memory_space<vmem>>) semaphore(%arg16 : memref<!tpu.dma_semaphore, #tpu.memory_space<semaphore_mem>>)
      } else {
      }
      %sub3A = arith.constant 2.000000e+02 : f32
      %sub3A_109 = vector.broadcast %sub3A : f32 to vector<16xf32>
      %sub3A_110 = arith.subf %sub3A_109, %parallel_loop3A_101#16 : vector<16xf32>
      %max3A = arith.constant 1.000000e+00 : f32
      %max3A_111 = vector.broadcast %max3A : f32 to vector<16xf32>
      %max3A_112 = arith.maximumf %sub3A_110, %max3A_111 : vector<16xf32>
      %div3A = arith.divf %parallel_loop3A_101#0, %max3A_112 : vector<16xf32>
      %swap3A = arith.index_cast %scan3A_32 : i32 to index
      %swap3A_113 = arith.constant 0 : index
      %swap3A_114 = tpu.vector_load %arg11[%swap3A, %swap3A_113] {strides = array<i32>} : memref<128x256xf32, #tpu.memory_space<vmem>>, vector<1x16xf32>,
      %swap3A_115 = vector.shape_cast %swap3A_114 : vector<1x16xf32> to vector<16xf32>
      %swap3A_116 = vector.shape_cast %div3A : vector<16xf32> to vector<1x16xf32>
      tpu.vector_store %arg11[%swap3A, %swap3A_113], %swap3A_116 {strides = array<i32>} : memref<128x256xf32, #tpu.memory_space<vmem>>, vector<1x16xf32>,
      %sub3A_117 = arith.constant 2.000000e+02 : f32
      %sub3A_118 = vector.broadcast %sub3A_117 : f32 to vector<16xf32>
      %sub3A_119 = arith.subf %sub3A_118, %parallel_loop3A_101#17 : vector<16xf32>
      %max3A_120 = arith.constant 1.000000e+00 : f32
      %max3A_121 = vector.broadcast %max3A_120 : f32 to vector<16xf32>
      %max3A_122 = arith.maximumf %sub3A_119, %max3A_121 : vector<16xf32>
      %div3A_123 = arith.divf %parallel_loop3A_101#1, %max3A_122 : vector<16xf32>
      %swap3A_124 = arith.index_cast %scan3A_32 : i32 to index
      %swap3A_125 = arith.constant 16 : index
      %swap3A_126 = tpu.vector_load %arg11[%swap3A_124, %swap3A_125] {strides = array<i32>} : memref<128x256xf32, #tpu.memory_space<vmem>>, vector<1x16xf32>,
      %swap3A_127 = vector.shape_cast %swap3A_126 : vector<1x16xf32> to vector<16xf32>
      %swap3A_128 = vector.shape_cast %div3A_123 : vector<16xf32> to vector<1x16xf32>
      tpu.vector_store %arg11[%swap3A_124, %swap3A_125], %swap3A_128 {strides = array<i32>} : memref<128x256xf32, #tpu.memory_space<vmem>>, vector<1x16xf32>,
      %sub3A_129 = arith.constant 2.000000e+02 : f32
      %sub3A_130 = vector.broadcast %sub3A_129 : f32 to vector<16xf32>
      %sub3A_131 = arith.subf %sub3A_130, %parallel_loop3A_101#18 : vector<16xf32>
      %max3A_132 = arith.constant 1.000000e+00 : f32
      %max3A_133 = vector.broadcast %max3A_132 : f32 to vector<16xf32>
      %max3A_134 = arith.maximumf %sub3A_131, %max3A_133 : vector<16xf32>
      %div3A_135 = arith.divf %parallel_loop3A_101#2, %max3A_134 : vector<16xf32>
      %swap3A_136 = arith.index_cast %scan3A_32 : i32 to index
      %swap3A_137 = arith.constant 32 : index
      %swap3A_138 = tpu.vector_load %arg11[%swap3A_136, %swap3A_137] {strides = array<i32>} : memref<128x256xf32, #tpu.memory_space<vmem>>, vector<1x16xf32>,
      %swap3A_139 = vector.shape_cast %swap3A_138 : vector<1x16xf32> to vector<16xf32>
      %swap3A_140 = vector.shape_cast %div3A_135 : vector<16xf32> to vector<1x16xf32>
      tpu.vector_store %arg11[%swap3A_136, %swap3A_137], %swap3A_140 {strides = array<i32>} : memref<128x256xf32, #tpu.memory_space<vmem>>, vector<1x16xf32>,
      %sub3A_141 = arith.constant 2.000000e+02 : f32
      %sub3A_142 = vector.broadcast %sub3A_141 : f32 to vector<16xf32>
      %sub3A_143 = arith.subf %sub3A_142, %parallel_loop3A_101#19 : vector<16xf32>
      %max3A_144 = arith.constant 1.000000e+00 : f32
      %max3A_145 = vector.broadcast %max3A_144 : f32 to vector<16xf32>
      %max3A_146 = arith.maximumf %sub3A_143, %max3A_145 : vector<16xf32>
      %div3A_147 = arith.divf %parallel_loop3A_101#3, %max3A_146 : vector<16xf32>
      %swap3A_148 = arith.index_cast %scan3A_32 : i32 to index
      %swap3A_149 = arith.constant 48 : index
      %swap3A_150 = tpu.vector_load %arg11[%swap3A_148, %swap3A_149] {strides = array<i32>} : memref<128x256xf32, #tpu.memory_space<vmem>>, vector<1x16xf32>,
      %swap3A_151 = vector.shape_cast %swap3A_150 : vector<1x16xf32> to vector<16xf32>
      %swap3A_152 = vector.shape_cast %div3A_147 : vector<16xf32> to vector<1x16xf32>
      tpu.vector_store %arg11[%swap3A_148, %swap3A_149], %swap3A_152 {strides = array<i32>} : memref<128x256xf32, #tpu.memory_space<vmem>>, vector<1x16xf32>,
      %sub3A_153 = arith.constant 2.000000e+02 : f32
      %sub3A_154 = vector.broadcast %sub3A_153 : f32 to vector<16xf32>
      %sub3A_155 = arith.subf %sub3A_154, %parallel_loop3A_101#20 : vector<16xf32>
      %max3A_156 = arith.constant 1.000000e+00 : f32
      %max3A_157 = vector.broadcast %max3A_156 : f32 to vector<16xf32>
      %max3A_158 = arith.maximumf %sub3A_155, %max3A_157 : vector<16xf32>
      %div3A_159 = arith.divf %parallel_loop3A_101#4, %max3A_158 : vector<16xf32>
      %swap3A_160 = arith.index_cast %scan3A_32 : i32 to index
      %swap3A_161 = arith.constant 64 : index
      %swap3A_162 = tpu.vector_load %arg11[%swap3A_160, %swap3A_161] {strides = array<i32>} : memref<128x256xf32, #tpu.memory_space<vmem>>, vector<1x16xf32>,
      %swap3A_163 = vector.shape_cast %swap3A_162 : vector<1x16xf32> to vector<16xf32>
      %swap3A_164 = vector.shape_cast %div3A_159 : vector<16xf32> to vector<1x16xf32>
      tpu.vector_store %arg11[%swap3A_160, %swap3A_161], %swap3A_164 {strides = array<i32>} : memref<128x256xf32, #tpu.memory_space<vmem>>, vector<1x16xf32>,
      %sub3A_165 = arith.constant 2.000000e+02 : f32
      %sub3A_166 = vector.broadcast %sub3A_165 : f32 to vector<16xf32>
      %sub3A_167 = arith.subf %sub3A_166, %parallel_loop3A_101#21 : vector<16xf32>
      %max3A_168 = arith.constant 1.000000e+00 : f32
      %max3A_169 = vector.broadcast %max3A_168 : f32 to vector<16xf32>
      %max3A_170 = arith.maximumf %sub3A_167, %max3A_169 : vector<16xf32>
      %div3A_171 = arith.divf %parallel_loop3A_101#5, %max3A_170 : vector<16xf32>
      %swap3A_172 = arith.index_cast %scan3A_32 : i32 to index
      %swap3A_173 = arith.constant 80 : index
      %swap3A_174 = tpu.vector_load %arg11[%swap3A_172, %swap3A_173] {strides = array<i32>} : memref<128x256xf32, #tpu.memory_space<vmem>>, vector<1x16xf32>,
      %swap3A_175 = vector.shape_cast %swap3A_174 : vector<1x16xf32> to vector<16xf32>
      %swap3A_176 = vector.shape_cast %div3A_171 : vector<16xf32> to vector<1x16xf32>
      tpu.vector_store %arg11[%swap3A_172, %swap3A_173], %swap3A_176 {strides = array<i32>} : memref<128x256xf32, #tpu.memory_space<vmem>>, vector<1x16xf32>,
      %sub3A_177 = arith.constant 2.000000e+02 : f32
      %sub3A_178 = vector.broadcast %sub3A_177 : f32 to vector<16xf32>
      %sub3A_179 = arith.subf %sub3A_178, %parallel_loop3A_101#22 : vector<16xf32>
      %max3A_180 = arith.constant 1.000000e+00 : f32
      %max3A_181 = vector.broadcast %max3A_180 : f32 to vector<16xf32>
      %max3A_182 = arith.maximumf %sub3A_179, %max3A_181 : vector<16xf32>
      %div3A_183 = arith.divf %parallel_loop3A_101#6, %max3A_182 : vector<16xf32>
      %swap3A_184 = arith.index_cast %scan3A_32 : i32 to index
      %swap3A_185 = arith.constant 96 : index
      %swap3A_186 = tpu.vector_load %arg11[%swap3A_184, %swap3A_185] {strides = array<i32>} : memref<128x256xf32, #tpu.memory_space<vmem>>, vector<1x16xf32>,
      %swap3A_187 = vector.shape_cast %swap3A_186 : vector<1x16xf32> to vector<16xf32>
      %swap3A_188 = vector.shape_cast %div3A_183 : vector<16xf32> to vector<1x16xf32>
      tpu.vector_store %arg11[%swap3A_184, %swap3A_185], %swap3A_188 {strides = array<i32>} : memref<128x256xf32, #tpu.memory_space<vmem>>, vector<1x16xf32>,
      %sub3A_189 = arith.constant 2.000000e+02 : f32
      %sub3A_190 = vector.broadcast %sub3A_189 : f32 to vector<16xf32>
      %sub3A_191 = arith.subf %sub3A_190, %parallel_loop3A_101#23 : vector<16xf32>
      %max3A_192 = arith.constant 1.000000e+00 : f32
      %max3A_193 = vector.broadcast %max3A_192 : f32 to vector<16xf32>
      %max3A_194 = arith.maximumf %sub3A_191, %max3A_193 : vector<16xf32>
      %div3A_195 = arith.divf %parallel_loop3A_101#7, %max3A_194 : vector<16xf32>
      %swap3A_196 = arith.index_cast %scan3A_32 : i32 to index
      %swap3A_197 = arith.constant 112 : index
      %swap3A_198 = tpu.vector_load %arg11[%swap3A_196, %swap3A_197] {strides = array<i32>} : memref<128x256xf32, #tpu.memory_space<vmem>>, vector<1x16xf32>,
      %swap3A_199 = vector.shape_cast %swap3A_198 : vector<1x16xf32> to vector<16xf32>
      %swap3A_200 = vector.shape_cast %div3A_195 : vector<16xf32> to vector<1x16xf32>
      tpu.vector_store %arg11[%swap3A_196, %swap3A_197], %swap3A_200 {strides = array<i32>} : memref<128x256xf32, #tpu.memory_space<vmem>>, vector<1x16xf32>,
      %sub3A_201 = arith.constant 2.000000e+02 : f32
      %sub3A_202 = vector.broadcast %sub3A_201 : f32 to vector<16xf32>
      %sub3A_203 = arith.subf %sub3A_202, %parallel_loop3A_101#24 : vector<16xf32>
      %max3A_204 = arith.constant 1.000000e+00 : f32
      %max3A_205 = vector.broadcast %max3A_204 : f32 to vector<16xf32>
      %max3A_206 = arith.maximumf %sub3A_203, %max3A_205 : vector<16xf32>
      %div3A_207 = arith.divf %parallel_loop3A_101#8, %max3A_206 : vector<16xf32>
      %swap3A_208 = arith.index_cast %scan3A_32 : i32 to index
      %swap3A_209 = arith.constant 128 : index
      %swap3A_210 = tpu.vector_load %arg11[%swap3A_208, %swap3A_209] {strides = array<i32>} : memref<128x256xf32, #tpu.memory_space<vmem>>, vector<1x16xf32>,
      %swap3A_211 = vector.shape_cast %swap3A_210 : vector<1x16xf32> to vector<16xf32>
      %swap3A_212 = vector.shape_cast %div3A_207 : vector<16xf32> to vector<1x16xf32>
      tpu.vector_store %arg11[%swap3A_208, %swap3A_209], %swap3A_212 {strides = array<i32>} : memref<128x256xf32, #tpu.memory_space<vmem>>, vector<1x16xf32>,
      %sub3A_213 = arith.constant 2.000000e+02 : f32
      %sub3A_214 = vector.broadcast %sub3A_213 : f32 to vector<16xf32>
      %sub3A_215 = arith.subf %sub3A_214, %parallel_loop3A_101#25 : vector<16xf32>
      %max3A_216 = arith.constant 1.000000e+00 : f32
      %max3A_217 = vector.broadcast %max3A_216 : f32 to vector<16xf32>
      %max3A_218 = arith.maximumf %sub3A_215, %max3A_217 : vector<16xf32>
      %div3A_219 = arith.divf %parallel_loop3A_101#9, %max3A_218 : vector<16xf32>
      %swap3A_220 = arith.index_cast %scan3A_32 : i32 to index
      %swap3A_221 = arith.constant 144 : index
      %swap3A_222 = tpu.vector_load %arg11[%swap3A_220, %swap3A_221] {strides = array<i32>} : memref<128x256xf32, #tpu.memory_space<vmem>>, vector<1x16xf32>,
      %swap3A_223 = vector.shape_cast %swap3A_222 : vector<1x16xf32> to vector<16xf32>
      %swap3A_224 = vector.shape_cast %div3A_219 : vector<16xf32> to vector<1x16xf32>
      tpu.vector_store %arg11[%swap3A_220, %swap3A_221], %swap3A_224 {strides = array<i32>} : memref<128x256xf32, #tpu.memory_space<vmem>>, vector<1x16xf32>,
      %sub3A_225 = arith.constant 2.000000e+02 : f32
      %sub3A_226 = vector.broadcast %sub3A_225 : f32 to vector<16xf32>
      %sub3A_227 = arith.subf %sub3A_226, %parallel_loop3A_101#26 : vector<16xf32>
      %max3A_228 = arith.constant 1.000000e+00 : f32
      %max3A_229 = vector.broadcast %max3A_228 : f32 to vector<16xf32>
      %max3A_230 = arith.maximumf %sub3A_227, %max3A_229 : vector<16xf32>
      %div3A_231 = arith.divf %parallel_loop3A_101#10, %max3A_230 : vector<16xf32>
      %swap3A_232 = arith.index_cast %scan3A_32 : i32 to index
      %swap3A_233 = arith.constant 160 : index
      %swap3A_234 = tpu.vector_load %arg11[%swap3A_232, %swap3A_233] {strides = array<i32>} : memref<128x256xf32, #tpu.memory_space<vmem>>, vector<1x16xf32>,
      %swap3A_235 = vector.shape_cast %swap3A_234 : vector<1x16xf32> to vector<16xf32>
      %swap3A_236 = vector.shape_cast %div3A_231 : vector<16xf32> to vector<1x16xf32>
      tpu.vector_store %arg11[%swap3A_232, %swap3A_233], %swap3A_236 {strides = array<i32>} : memref<128x256xf32, #tpu.memory_space<vmem>>, vector<1x16xf32>,
      %sub3A_237 = arith.constant 2.000000e+02 : f32
      %sub3A_238 = vector.broadcast %sub3A_237 : f32 to vector<16xf32>
      %sub3A_239 = arith.subf %sub3A_238, %parallel_loop3A_101#27 : vector<16xf32>
      %max3A_240 = arith.constant 1.000000e+00 : f32
      %max3A_241 = vector.broadcast %max3A_240 : f32 to vector<16xf32>
      %max3A_242 = arith.maximumf %sub3A_239, %max3A_241 : vector<16xf32>
      %div3A_243 = arith.divf %parallel_loop3A_101#11, %max3A_242 : vector<16xf32>
      %swap3A_244 = arith.index_cast %scan3A_32 : i32 to index
      %swap3A_245 = arith.constant 176 : index
      %swap3A_246 = tpu.vector_load %arg11[%swap3A_244, %swap3A_245] {strides = array<i32>} : memref<128x256xf32, #tpu.memory_space<vmem>>, vector<1x16xf32>,
      %swap3A_247 = vector.shape_cast %swap3A_246 : vector<1x16xf32> to vector<16xf32>
      %swap3A_248 = vector.shape_cast %div3A_243 : vector<16xf32> to vector<1x16xf32>
      tpu.vector_store %arg11[%swap3A_244, %swap3A_245], %swap3A_248 {strides = array<i32>} : memref<128x256xf32, #tpu.memory_space<vmem>>, vector<1x16xf32>,
      %sub3A_249 = arith.constant 2.000000e+02 : f32
      %sub3A_250 = vector.broadcast %sub3A_249 : f32 to vector<16xf32>
      %sub3A_251 = arith.subf %sub3A_250, %parallel_loop3A_101#28 : vector<16xf32>
      %max3A_252 = arith.constant 1.000000e+00 : f32
      %max3A_253 = vector.broadcast %max3A_252 : f32 to vector<16xf32>
      %max3A_254 = arith.maximumf %sub3A_251, %max3A_253 : vector<16xf32>
      %div3A_255 = arith.divf %parallel_loop3A_101#12, %max3A_254 : vector<16xf32>
      %swap3A_256 = arith.index_cast %scan3A_32 : i32 to index
      %swap3A_257 = arith.constant 192 : index
      %swap3A_258 = tpu.vector_load %arg11[%swap3A_256, %swap3A_257] {strides = array<i32>} : memref<128x256xf32, #tpu.memory_space<vmem>>, vector<1x16xf32>,
      %swap3A_259 = vector.shape_cast %swap3A_258 : vector<1x16xf32> to vector<16xf32>
      %swap3A_260 = vector.shape_cast %div3A_255 : vector<16xf32> to vector<1x16xf32>
      tpu.vector_store %arg11[%swap3A_256, %swap3A_257], %swap3A_260 {strides = array<i32>} : memref<128x256xf32, #tpu.memory_space<vmem>>, vector<1x16xf32>,
      %sub3A_261 = arith.constant 2.000000e+02 : f32
      %sub3A_262 = vector.broadcast %sub3A_261 : f32 to vector<16xf32>
      %sub3A_263 = arith.subf %sub3A_262, %parallel_loop3A_101#29 : vector<16xf32>
      %max3A_264 = arith.constant 1.000000e+00 : f32
      %max3A_265 = vector.broadcast %max3A_264 : f32 to vector<16xf32>
      %max3A_266 = arith.maximumf %sub3A_263, %max3A_265 : vector<16xf32>
      %div3A_267 = arith.divf %parallel_loop3A_101#13, %max3A_266 : vector<16xf32>
      %swap3A_268 = arith.index_cast %scan3A_32 : i32 to index
      %swap3A_269 = arith.constant 208 : index
      %swap3A_270 = tpu.vector_load %arg11[%swap3A_268, %swap3A_269] {strides = array<i32>} : memref<128x256xf32, #tpu.memory_space<vmem>>, vector<1x16xf32>,
      %swap3A_271 = vector.shape_cast %swap3A_270 : vector<1x16xf32> to vector<16xf32>
      %swap3A_272 = vector.shape_cast %div3A_267 : vector<16xf32> to vector<1x16xf32>
      tpu.vector_store %arg11[%swap3A_268, %swap3A_269], %swap3A_272 {strides = array<i32>} : memref<128x256xf32, #tpu.memory_space<vmem>>, vector<1x16xf32>,
      %sub3A_273 = arith.constant 2.000000e+02 : f32
      %sub3A_274 = vector.broadcast %sub3A_273 : f32 to vector<16xf32>
      %sub3A_275 = arith.subf %sub3A_274, %parallel_loop3A_101#30 : vector<16xf32>
      %max3A_276 = arith.constant 1.000000e+00 : f32
      %max3A_277 = vector.broadcast %max3A_276 : f32 to vector<16xf32>
      %max3A_278 = arith.maximumf %sub3A_275, %max3A_277 : vector<16xf32>
      %div3A_279 = arith.divf %parallel_loop3A_101#14, %max3A_278 : vector<16xf32>
      %swap3A_280 = arith.index_cast %scan3A_32 : i32 to index
      %swap3A_281 = arith.constant 224 : index
      %swap3A_282 = tpu.vector_load %arg11[%swap3A_280, %swap3A_281] {strides = array<i32>} : memref<128x256xf32, #tpu.memory_space<vmem>>, vector<1x16xf32>,
      %swap3A_283 = vector.shape_cast %swap3A_282 : vector<1x16xf32> to vector<16xf32>
      %swap3A_284 = vector.shape_cast %div3A_279 : vector<16xf32> to vector<1x16xf32>
      tpu.vector_store %arg11[%swap3A_280, %swap3A_281], %swap3A_284 {strides = array<i32>} : memref<128x256xf32, #tpu.memory_space<vmem>>, vector<1x16xf32>,
      %sub3A_285 = arith.constant 2.000000e+02 : f32
      %sub3A_286 = vector.broadcast %sub3A_285 : f32 to vector<16xf32>
      %sub3A_287 = arith.subf %sub3A_286, %parallel_loop3A_101#31 : vector<16xf32>
      %max3A_288 = arith.constant 1.000000e+00 : f32
      %max3A_289 = vector.broadcast %max3A_288 : f32 to vector<16xf32>
      %max3A_290 = arith.maximumf %sub3A_287, %max3A_289 : vector<16xf32>
      %div3A_291 = arith.divf %parallel_loop3A_101#15, %max3A_290 : vector<16xf32>
      %swap3A_292 = arith.index_cast %scan3A_32 : i32 to index
      %swap3A_293 = arith.constant 240 : index
      %swap3A_294 = tpu.vector_load %arg11[%swap3A_292, %swap3A_293] {strides = array<i32>} : memref<128x256xf32, #tpu.memory_space<vmem>>, vector<1x16xf32>,
      %swap3A_295 = vector.shape_cast %swap3A_294 : vector<1x16xf32> to vector<16xf32>
      %swap3A_296 = vector.shape_cast %div3A_291 : vector<16xf32> to vector<1x16xf32>
      tpu.vector_store %arg11[%swap3A_292, %swap3A_293], %swap3A_296 {strides = array<i32>} : memref<128x256xf32, #tpu.memory_space<vmem>>, vector<1x16xf32>,
      %scan3A_297 = arith.constant 0 : i32
      scf.yield %scan3A_297 : i32
    }
    %scan3A_31 = arith.constant 128 : i32
    "tpu.region"() ({
      %run_scoped3A = tpu.sem_alloc : memref<!tpu.dma_semaphore, #tpu.memory_space<semaphore_mem>>
      %dma_start3A_32 = arith.constant 0 : i32
      %dma_start3A_33 = arith.constant 0 : i32
      %dma_start3A_34 = tpu.memref_slice %arg4[%add3A, %dma_start3A_32, %dma_start3A_33] : memref<32x128x256xf32, #tpu.memory_space<hbm>> -> memref<1x128x256xf32, #tpu.memory_space<hbm>>
      %dma_start3A_35 = tpu.memref_squeeze %dma_start3A_34 : memref<1x128x256xf32, #tpu.memory_space<hbm>> -> memref<128x256xf32, #tpu.memory_space<hbm>>
      %dma_start3A_36 = arith.constant 0 : i32
      %dma_start3A_37 = arith.constant 0 : i32
      %dma_start3A_38 = tpu.memref_slice %arg4[%add3A, %dma_start3A_36, %dma_start3A_37] : memref<32x128x256xf32, #tpu.memory_space<hbm>> -> memref<1x128x256xf32, #tpu.memory_space<hbm>>
      %dma_start3A_39 = tpu.memref_squeeze %dma_start3A_38 : memref<1x128x256xf32, #tpu.memory_space<hbm>> -> memref<128x256xf32, #tpu.memory_space<hbm>>
      tpu.enqueue_dma source(%arg11 : memref<128x256xf32, #tpu.memory_space<vmem>>) target(%dma_start3A_39 : memref<128x256xf32, #tpu.memory_space<hbm>>) target_semaphore(%run_scoped3A : memref<!tpu.dma_semaphore, #tpu.memory_space<semaphore_mem>>)
      %dma_wait3A = arith.constant 0 : i32
      %dma_wait3A_40 = arith.constant 0 : i32
      %dma_wait3A_41 = tpu.memref_slice %arg4[%add3A, %dma_wait3A, %dma_wait3A_40] : memref<32x128x256xf32, #tpu.memory_space<hbm>> -> memref<1x128x256xf32, #tpu.memory_space<hbm>>
      %dma_wait3A_42 = tpu.memref_squeeze %dma_wait3A_41 : memref<1x128x256xf32, #tpu.memory_space<hbm>> -> memref<128x256xf32, #tpu.memory_space<hbm>>
      %dma_wait3A_43 = arith.constant 0 : i32
      %dma_wait3A_44 = arith.constant 0 : i32
      %dma_wait3A_45 = tpu.memref_slice %arg4[%add3A, %dma_wait3A_43, %dma_wait3A_44] : memref<32x128x256xf32, #tpu.memory_space<hbm>> -> memref<1x128x256xf32, #tpu.memory_space<hbm>>
      %dma_wait3A_46 = tpu.memref_squeeze %dma_wait3A_45 : memref<1x128x256xf32, #tpu.memory_space<hbm>> -> memref<128x256xf32, #tpu.memory_space<hbm>>
      tpu.wait_dma2 semaphore(%run_scoped3A : memref<!tpu.dma_semaphore, #tpu.memory_space<semaphore_mem>>) src(%arg11 : memref<128x256xf32, #tpu.memory_space<vmem>>) dst(%dma_wait3A_46 : memref<128x256xf32, #tpu.memory_space<hbm>>)
      tpu.yield
    }) : () -> ()
    return
  }
}

module attributes {stable_mosaic.version = 14 : i64} {
  func.func @_mlp_body(%arg0: memref<4096x256xf32, #tpu.memory_space<vmem>>, %arg1: memref<256x128xf32, #tpu.memory_space<vmem>>, %arg2: memref<1x128xf32, #tpu.memory_space<vmem>>, %arg3: memref<128x128xf32, #tpu.memory_space<vmem>>, %arg4: memref<1x128xf32, #tpu.memory_space<vmem>>, %arg5: memref<4096x128xf32, #tpu.memory_space<vmem>>) attributes {dimension_semantics = [], scalar_prefetch = 0 : i64, scratch_operands = 0 : i64, tpu.core_type = #tpu.core_type<tc>} {
    %get3A = arith.constant 0 : index
    %get3A_0 = arith.constant 0 : index
    %get3A_1 = vector.load %arg0[%get3A, %get3A_0] : memref<4096x256xf32, #tpu.memory_space<vmem>>, vector<4096x256xf32>
    %get3A_2 = arith.constant 0 : index
    %get3A_3 = arith.constant 0 : index
    %get3A_4 = vector.load %arg1[%get3A_2, %get3A_3] : memref<256x128xf32, #tpu.memory_space<vmem>>, vector<256x128xf32>
    %dot_general3A = arith.constant dense<0.000000e+00> : vector<4096x128xf32>
    %dot_general3A_5 = tpu.matmul %get3A_1, %get3A_4, %dot_general3A {dimension_numbers = #tpu.dot_dimension_numbers<[1], [0], [0], [1], [0, 0, 1, 1], [], []>, transpose_lhs_hint = false} : vector<4096x256xf32>, vector<256x128xf32>, vector<4096x128xf32> -> vector<4096x128xf32>
    %get3A_6 = arith.constant 0 : index
    %get3A_7 = arith.constant 0 : index
    %get3A_8 = vector.load %arg2[%get3A_6, %get3A_7] : memref<1x128xf32, #tpu.memory_space<vmem>>, vector<1x128xf32>
    %add3A = vector.broadcast %get3A_8 : vector<1x128xf32> to vector<4096x128xf32>
    %add3A_9 = arith.addf %dot_general3A_5, %add3A : vector<4096x128xf32>
    %max3A = arith.constant 0.000000e+00 : f32
    %max3A_10 = vector.broadcast %max3A : f32 to vector<4096x128xf32>
    %max3A_11 = arith.maximumf %add3A_9, %max3A_10 : vector<4096x128xf32>
    %get3A_12 = arith.constant 0 : index
    %get3A_13 = arith.constant 0 : index
    %get3A_14 = vector.load %arg3[%get3A_12, %get3A_13] : memref<128x128xf32, #tpu.memory_space<vmem>>, vector<128x128xf32>
    %dot_general3A_15 = arith.constant dense<0.000000e+00> : vector<4096x128xf32>
    %dot_general3A_16 = tpu.matmul %max3A_11, %get3A_14, %dot_general3A_15 {dimension_numbers = #tpu.dot_dimension_numbers<[1], [0], [0], [1], [0, 0, 1, 1], [], []>, transpose_lhs_hint = false} : vector<4096x128xf32>, vector<128x128xf32>, vector<4096x128xf32> -> vector<4096x128xf32>
    %get3A_17 = arith.constant 0 : index
    %get3A_18 = arith.constant 0 : index
    %get3A_19 = vector.load %arg4[%get3A_17, %get3A_18] : memref<1x128xf32, #tpu.memory_space<vmem>>, vector<1x128xf32>
    %add3A_20 = vector.broadcast %get3A_19 : vector<1x128xf32> to vector<4096x128xf32>
    %add3A_21 = arith.addf %dot_general3A_16, %add3A_20 : vector<4096x128xf32>
    %max3A_22 = arith.constant 0.000000e+00 : f32
    %max3A_23 = vector.broadcast %max3A_22 : f32 to vector<4096x128xf32>
    %max3A_24 = arith.maximumf %add3A_21, %max3A_23 : vector<4096x128xf32>
    %swap3A = arith.constant 0 : index
    %swap3A_25 = arith.constant 0 : index
    %swap3A_26 = vector.load %arg5[%swap3A, %swap3A_25] : memref<4096x128xf32, #tpu.memory_space<vmem>>, vector<4096x128xf32>
    tpu.vector_store %arg5[%swap3A, %swap3A_25], %max3A_24 {strides = array<i32>} : memref<4096x128xf32, #tpu.memory_space<vmem>>, vector<4096x128xf32>,
    return
  }
}

</mosaic_0001>

<sc_bundles>
// kernel: kernel.4.cloned.1.call-start
scs
__scs_entry_jumppad:
0x0: {  	(pc) =	sbr.rel $0x88, $3  }
0x1: {  	(tag) =	ssettag $0x0;
	lr =	simm.s32 $0x1  }
0x2: {  	[smem:$0x3F9B] =	sst lr;
	_ =	strace $0xD0000000  }
0x3: {  	_ = 	snop  }
0x4: {  	_ = 	snop  }
0x5: {  	_ = 	snop  }
0x6: {  	_ = 	snop  }
0x7: {  	_ = 	snop  }
__scs_overlays_trampoline_lowered:
0x8: {  	[smem:$0x3FAA] =	sst s0  }
0x9: {  	[smem:$0x3FAB] =	sst s1  }
0xa: {  	[smem:$0x3FAC] =	sst s2  }
0xb: {  	[smem:$0x3FAD] =	sst s3  }
0xc: {  	[smem:$0x3FAE] =	sst s4  }
0xd: {  	[smem:$0x3FAF] =	sst s5  }
0xe: {  	[smem:$0x3FB0] =	sst s6  }
0xf: {  	[smem:$0x3FB1] =	sst s7  }
0x10: {  	[smem:$0x3FB2] =	sst s8  }
0x11: {  	[smem:$0x3FB3] =	sst s9;
	s0 =	simm.s32 @!p0 $0x0  }
0x12: {  	s1 =	sld [smem:$0x3F99];
	s0 =	simm.s32 @p0 $0x1  }
0x13: {  	[smem:$0x3FB4] =	sst s0;
	s0 =	simm.s32 @!p1 $0x0  }
0x14: {  	s2 =	sld [smem:$0x3F98];
	s0 =	simm.s32 @p1 $0x1  }
0x15: {  	[smem:$0x3FB5] =	sst s0;
	s0 =	simm.s32 @!p2 $0x0  }
0x16: {  	s3 =	sld [smem:$0x3FDB];
	s0 =	simm.s32 @p2 $0x1  }
0x17: {  	s4 =	simm.s32 $0x1BF5;
	[smem:$0x3FB7] =	sst s0  }
0x18: {  	s0 =	sld [smem:$0x3F9A];
	_ =	swait.ge [sflag:s4], $0x0  }
0x19: {  	s7 =	sld [smem:$0x3F9B]  }
0x1a: {  	s8 =	sadd.s32 $0xFFFFE003, lr  }
0x1b: {  	s9 =	sadd.s32 $0xFFFFFEF7, lr;
	s5 =	simm.s32 $0xFFFFFFFF;
	p2 =	slt.u32 s8, $0xFFFFF086  }
0x1c: {  	p1 =	slt.u32 s9, $0xF7A;
	s5 =	simm.s32 @!p2 $0x0  }
0x1d: {  	s5 =	simm.s32 @p1 $0x1;
	p0 =	seq.s32 s7, s2  }
0x1e: {  	s7 =	smul.u32 @!p0 $0xF7A, s2;
	p2 =	seq.s32 @!p0 s5, $0x0  }
0x1f: {  	s9 =	smul.u32 $0xF7A, s1;
	s8 =	simm.s32 @!p0 $0x1BF5;
	p2 =	por !p2, p0  }
0x20: {  	[sflag:s8] =	ssyncset.s32 @!p0 $0xFFFFF086;
	s6 =	sadd.s32 @!p0 s3, s7;
	s7 =	simm.s32 @!p0 $0x108  }
0x21: {  	s3 =	sadd.s32 s3, s9;
	s6 =	sadd.s32 @!p0 $0x88, s6;
	s7 =	simm.s32 @p2 $0x1082  }
0x22: {  	[simem:s7], [sflag:s8] =	dma.local @!p0 [hbm:s6], $0xF7A  }
0x23: {  	s9 =	sor.u32 $0xD0000000, s2;
	s6 =	simm.s32 $0x108;
	_ =	swait.ge @!p0 [sflag:s8], $0x0  }
0x24: {  	s3 =	sadd.s32 $0x88, s3;
	s6 =	simm.s32 @!p1 $0x1082;
	[sflag:s4] =	ssyncset.s32 $0xFFFFF086  }
0x25: {  	[simem:s6], [sflag:s4] =	dma.local [hbm:s3], $0xF7A  }
0x26: {  	[smem:$0x3F9B] =	sst s1;
	(tag) =	ssettag s2;
	_ =	strace s9  }
0x27: {  	s1 =	sld [smem:$0x3FAB]  }
0x28: {  	s2 =	sld [smem:$0x3FAC]  }
0x29: {  	s4 =	sld [smem:$0x3FAE]  }
0x2a: {  	p0 =	seq.s32 s5, $0x0;
	s5 =	sld [smem:$0x3FAF]  }
0x2b: {  	s6 =	sld [smem:$0x3FB0]  }
0x2c: {  	s7 =	sld [smem:$0x3FB1]  }
0x2d: {  	s3 =	simm.s32 $0x108;
	s8 =	sld [smem:$0x3FB2]  }
0x2e: {  	s3 =	simm.s32 @!p0 $0x1082;
	s9 =	sld [smem:$0x3FB3]  }
0x2f: {  	lr =	sadd.s32 s0, s3;
	s0 =	sld [smem:$0x3FAA]  }
0x30: {  	s3 =	sld [smem:$0x3FAD]  }
0x31: {  	[smem:$0x3FB6] =	sst s10  }
0x32: {  	s10 =	sld [smem:$0x3FB4];
	_ =	sdelay $0x3  }
0x33: {  	p0 =	seq.s32 s10, $0x1;
	s10 =	sld [smem:$0x3FB6];
	_ =	sdelay $0x3  }
0x34: {  	[smem:$0x3FB6] =	sst s10  }
0x35: {  	s10 =	sld [smem:$0x3FB5];
	_ =	sdelay $0x3  }
0x36: {  	p1 =	seq.s32 s10, $0x1;
	s10 =	sld [smem:$0x3FB6];
	_ =	sdelay $0x3  }
0x37: {  	[smem:$0x3FB6] =	sst s10  }
0x38: {  	s10 =	sld [smem:$0x3FB7]  }
0x39: {  	_ = 	snop;
	(pc) =	sbr.ind lr, $3  }
0x3a: {  	_ = 	snop  }
0x3b: {  	_ = 	snop  }
0x3c: {  	p2 =	seq.s32 s10, $0x1;
	s10 =	sld [smem:$0x3FB6]  }
0x3d: {  	_ =	shalt  }
0x3e: {  	_ =	shalt  }
0x3f: {  	_ =	shalt  }
0x40: {  	_ =	shalt  }
0x41: {  	_ =	shalt  }
0x42: {  	_ =	shalt  }
0x43: {  	_ =	shalt  }
0x44: {  	_ =	shalt  }
0x45: {  	_ =	shalt  }
0x46: {  	_ =	shalt  }
0x47: {  	_ =	shalt  }
0x48: {  	_ =	shalt  }
0x49: {  	_ =	shalt  }
0x4a: {  	_ =	shalt  }
0x4b: {  	_ =	shalt  }
0x4c: {  	_ =	shalt  }
0x4d: {  	_ =	shalt  }
0x4e: {  	_ =	shalt  }
0x4f: {  	_ =	shalt  }
0x50: {  	_ =	shalt  }
0x51: {  	_ =	shalt  }
0x52: {  	_ =	shalt  }
0x53: {  	_ =	shalt  }
0x54: {  	_ =	shalt  }
0x55: {  	_ =	shalt  }
0x56: {  	_ =	shalt  }
0x57: {  	_ =	shalt  }
0x58: {  	_ =	shalt  }
0x59: {  	_ =	shalt  }
0x5a: {  	_ =	shalt  }
0x5b: {  	_ =	shalt  }
0x5c: {  	_ =	shalt  }
0x5d: {  	_ =	shalt  }
0x5e: {  	_ =	shalt  }
0x5f: {  	_ =	shalt  }
0x60: {  	_ =	shalt  }
0x61: {  	_ =	shalt  }
0x62: {  	_ =	shalt  }
0x63: {  	_ =	shalt  }
0x64: {  	_ =	shalt  }
0x65: {  	_ =	shalt  }
0x66: {  	_ =	shalt  }
0x67: {  	_ =	shalt  }
0x68: {  	_ =	shalt  }
0x69: {  	_ =	shalt  }
0x6a: {  	_ =	shalt  }
0x6b: {  	_ =	shalt  }
0x6c: {  	_ =	shalt  }
0x6d: {  	_ =	shalt  }
0x6e: {  	_ =	shalt  }
0x6f: {  	_ =	shalt  }
0x70: {  	_ =	shalt  }
0x71: {  	_ =	shalt  }
0x72: {  	_ =	shalt  }
0x73: {  	_ =	shalt  }
0x74: {  	_ =	shalt  }
0x75: {  	_ =	shalt  }
0x76: {  	_ =	shalt  }
0x77: {  	_ =	shalt  }
0x78: {  	_ =	shalt  }
0x79: {  	_ =	shalt  }
0x7a: {  	_ =	shalt  }
0x7b: {  	_ =	shalt  }
0x7c: {  	_ =	shalt  }
0x7d: {  	_ =	shalt  }
0x7e: {  	_ =	shalt  }
0x7f: {  	_ =	shalt  }
0x80: {  	_ =	shalt  }
0x81: {  	_ =	shalt  }
0x82: {  	_ =	shalt  }
0x83: {  	_ =	shalt  }
0x84: {  	_ =	shalt  }
0x85: {  	_ =	shalt  }
0x86: {  	_ =	shalt  }
0x87: {  	_ =	shalt  }
.Lfunc_end0:
.L_simem_size_0:
called_computation_lowered:
.L_overlay_start_0:
0x88: {  	s2 =	sld [smem:$0x3FD9]  }
0x89: {  	s3 =	sld [smem:$0x3FFE];
	_ =	sdelay $0x1  }
0x8a: {  	s1 =	srdreg.scid  }
0x8b: {  	s0 =	sand.u32 $0x1, s1  }
0x8c: {  	s17 =	sshll.u32 s0, $0xA;
	s2 =	sadd.s32 s3, s2  }
0x8d: {  	s2 =	sadd.s32 s2, s17  }
0x8e: {  	[smem:$0x3FC2] =	sst s2  }
0x8f: {  	_ = 	snop  }
0x90: {  	s2 =	sld [smem:$0x3FC8];
	(tm) =	ssettm $0x1  }
0x91: {  	s18 =	sld [smem:$0x3FFB];
	_ =	sdelay $0x3  }
0x92: {  	_ =	strace s18  }
0x93: {  	s3 =	sld [smem:$0x3FFC];
	_ =	sdelay $0x3  }
0x94: {  	_ =	strace s3  }
0x95: {  	s3 =	sld [smem:$0x3FFD];
	_ =	sdelay $0x3  }
0x96: {  	_ =	strace s3  }
0x97: {  	_ =	strace $0x8FFFFFFF  }
0x98: {  	s19 =	sld [smem:$0x3FDB];
	_ =	sdelay $0x1  }
0x99: {  	s4 =	simm.s32 $_scs_section_size  }
0x9a: {  	s5 =	simm.s32 $_size__tile_overlayer_lowered;
	s6 =	simm.s32 $_tile_overlayer_lowered  }
0x9b: {  	s22 =	simm.s32 $0x1BFF;
	s21 =	sshll.u32 s6, $0x1;
	s3 =	sadd.s32 s4, s19  }
0x9c: {  	s7 =	simm.s32 $0x0;
	s20 =	sshll.u32 s5, $0x1;
	s5 =	sadd.s32 s21, s3  }
0x9d: {  	[timem:s7], [sflag:s22] =	dma.local [hbm:s5], s20  }
0x9e: {  	_ =	swait.ge [sflag:s22], s20  }
0x9f: {  	s4 =	ssub.s32 $0x0, s20;
	[sflag:s22] =	ssyncset.done $0x0  }
0xa0: {  	[sflag:s22] =	ssyncadd.s32 s4;
	_ =	sdelay $0x1  }
0xa1: {  	s23 =	simm.s32 $0x1B8B  }
0xa2: {  	_ =	swait.ge [sflag:s23], $0x1  }
0xa3: {  	[sflag:s23] =	ssyncset.done $0x0  }
0xa4: {  	s25 =	simm.s32 $0x1B8E;
	s24 =	sld [smem:$0x3FFE];
	[sflag:s23] =	ssyncadd.s32 $0xFFFFFFFF  }
0xa5: {  	s26 =	simm.s32 $execute0_lowered;
	[smem:$0x3FD2] =	sst s25  }
0xa6: {  	s5 =	sshll.u32 s26, $0x1;
	_ =	strace $0x80000046;
	[dreg:$0x1] =	wrdreg $0xFFFFFFFF  }
0xa7: {  	s28 =	simm.s32 $_size_execute0_lowered;
	s3 =	sadd.s32 s3, s5;
	[dreg:$0x0] =	wrdreg $0x0  }
0xa8: {  	s5 =	sshll.u32 s28, $0x1;
	[dreg:$0x2] =	wrdreg s3  }
0xa9: {  	[dreg:$0x3] =	wrdreg s5  }
0xaa: {  	[dreg:$0x4] =	wrdreg $0xC0  }
0xab: {  	_ =	task [dreg:s7], $0x5FFFF  }
0xac: {  	[dreg:$0x1] =	wrdreg $0xFFFFFFFF  }
0xad: {  	[dreg:$0x0] =	wrdreg $0x60  }
0xae: {  	[dreg:$0x2] =	wrdreg s24  }
0xaf: {  	[dreg:$0x3] =	wrdreg s2  }
0xb0: {  	[dreg:$0x4] =	wrdreg $0x9  }
0xb1: {  	_ =	task.clear_ibuf [dreg:s7], $0x5FFFF;
	_ =	strace $0x90000046  }
0xb2: {  	s29 =	simm.s32 $0x9;
	_ =	strace $0x80000048  }
0xb3: {  	_ =	swait.ge [sflag:s29], $0x1  }
0xb4: {  	[sflag:s29] =	ssyncadd.s32 $0xFFFFFFFF  }
0xb5: {  	_ =	strace $0x90000048  }
0xb6: {  	_ =	sfence  }
0xb7: {  	s30 =	sld [smem:$0x0];
	_ =	sdelay $0x2  }
0xb8: {  	s31 =	sshll.u32 s1, $0xD;
	s1 =	sshrl.u32 s1, $0x2  }
0xb9: {  	s3 =	sand.u32 $0x4000, s31;
	s1 =	sadd.s32 s1, s30  }
0xba: {  	s0 =	sor.u32 s3, s0;
	s1 =	sshll.u32 s1, $0x11  }
0xbb: {  	s0 =	sor.u32 s1, s0  }
0xbc: {  	s0 =	sadd.s32 $0x8F2B, s0  }
0xbd: {  	[sflag:s0] =	ssyncadd.remote.s32 $0x1  }
0xbe: {  	_ =	sfence.sel $0xFFFF  }
0xbf: {  	[dreg:$0x0] =	wrdreg $0xFFFFFFFF;
	(pc) =	sbr.abs _section_cstart, $3  }
0xc0: {  	[dreg:$0x1] =	wrdreg $0xFFFFFFFF  }
0xc1: {  	_ =	task.clear_ibuf [dreg:s7], $0x2FFFF;
	_ =	strace $0x9FFFFFFF  }
0xc2: {  	(tm) =	ssettm $0x7FFFFFFF  }
0xc3: {  	_ =	shalt  }
tec
execute0_lowered:
.L_overlay_start_1:
0x0: {  	(tag) =	ssettag $0x1  }
0x1: {  	s0 =	rddreg [dreg:$0x0];
	s1 =	srdreg.scid  }
0x2: {  	s5 =	stileid.u32;
	s2 =	rddreg [dreg:$0x1]  }
0x3: {  	s9 =	simm.s32 $0x6;
	s25 =	simm.s32 $0xDC00;
	s28 =	simm.s32 $0xEC00  }
0x4: {  	s29 =	simm.s32 $0xF400;
	s30 =	simm.s32 $0xFC00;
	s31 =	simm.s32 $0x10400  }
0x5: {  	s7 =	simm.s32 $0x11C00;
	s8 =	simm.s32 $0x12400;
	s10 =	simm.s32 $0x1  }
0x6: {  	s11 =	simm.s32 $0x2;
	s12 =	simm.s32 $0x3;
	s13 =	simm.s32 $0x4  }
0x7: {  	s14 =	simm.s32 $0x5;
	s15 =	simm.s32 $0x12C00;
	s16 =	simm.s32 $0x0  }
0x8: {  	s1 =	sand.u32 $0x1, s1;
	s3 =	sshll.u32 s5, $0x1;
	s5 =	sshrl.u32 s5, $0x2  }
0x9: {  	s4 =	sor.u32 s1, s3;
	s3 =	simm.s32 $0x0;
	s5 =	smul.u32 $0x32000, s5  }
0xa: {  	s1 =	ssub.s32 $0x2, s1;
	s6 =	sshll.u32 s4, $0x7;
	[smem:$0x7FF] =	sst s3  }
0xb: {  	s4 =	sshll.u32 s4, $0xC;
	s26 =	sshrl.u32 s1, $0x1;
	s6 =	sand.u32 $0x380, s6  }
0xc: {  	_ =	strace $0x80000047;
	s1 =	ssub.s32 s1, s26;
	s5 =	sor.u32 s5, s6  }
0xd: {  	v2 =	vlaneseq.u32;
	s26 =	simm.s32 $0xE400;
	s6 =	smax.u32 s1, $0x1;
	s5 =	sshrl.u32 s5, $0x3  }
0xe: {  	vm0 =	vmmov $0xffff;
	v3 =	vimm.f32 $0.0e+00;
	v1 =	vshrl.u32 v2, $0x3;
	s1 =	simm.s32 $0x10C00;
	s5 =	sadd.s32 s5, s0;
	s0 =	sadd.s32 s4, s0  }
0xf: {  	v0 =	vand.u32 $0x7, v2;
	v2 =	vor.u32 $0x8, v2;
	v1 =	vmul.u32 $0x8, v1;
	s4 =	sadd.s32 $0xE00, s5;
	s5 =	sadd.s32 $0x19E00, s0;
	s0 =	simm.s32 $0x11400  }
.LBB2_1:
0x10: {  	s17 =	simm.s32 $0x80;
	s18 =	simm.s32 $0x400  }
0x11: {  	[tilespmem:s3], [sflag:$0x6] =	stream.strided.gather [hbm4b:s4+s17], $0x6400, s18, s17, $0x38;
	[tilespmem:$0x1AC00] =	vst v63  }
0x12: {  	_ =	swait.ge [sflag:s9], $0x6400  }
0x13: {  	[sflag:s9] =	ssyncset.done $0x0  }
0x14: {  	[sflag:s9] =	ssyncadd.s32 $0xFFFF9C00  }
0x15: {  	v4 =	vld [tilespmem:$0x0];
	_ =	sdelay $0x4  }
0x16: {  	v5 =	vshll.u32 v4, $0x1  }
0x17: {  	v4 =	vand.u32 $0x7, v4;
	v5 =	vand.u32 $0xFFFFFFF0, v5  }
0x18: {  	v4 =	vor.u32 v4, v5  }
0x19: {  	v5 =	vperm.xlane v4, v0;
	_ =	sdelay $0x1  }
0x1a: {  	v4 =	vperm.xlane v4, v2;
	v5 =	vadd.s32 v1, v5;
	_ =	sdelay $0x1  }
0x1b: {  	v4 =	vadd.s32 v1, v4;
	_ =	sdelay $0x1  }
0x1c: {  	s24 =	simm.s32 $0x6400  }
0x1d: {  	[tilespmem:s24], [sflag:$0x1] =	stream.indirect_vreg.gather [hbm4b:s2+s3], $0x80, v5, vm0, $0xb8;
	[tilespmem:$0x1AC00] =	vst v63  }
0x1e: {  	s18 =	simm.s32 $0x6C00  }
0x1f: {  	[tilespmem:s18], [sflag:$0x1] =	stream.indirect_vreg.gather [hbm4b:s2+s3], $0x80, v4, vm0, $0xb8;
	[tilespmem:$0x1AC00] =	vst v63  }
0x20: {  	v4 =	vld [tilespmem:$0x10];
	_ =	sdelay $0x4  }
0x21: {  	v5 =	vshll.u32 v4, $0x1  }
0x22: {  	v4 =	vand.u32 $0x7, v4;
	v5 =	vand.u32 $0xFFFFFFF0, v5  }
0x23: {  	v4 =	vor.u32 v4, v5  }
0x24: {  	v5 =	vperm.xlane v4, v0;
	_ =	sdelay $0x1  }
0x25: {  	v4 =	vperm.xlane v4, v2;
	v5 =	vadd.s32 v1, v5;
	_ =	sdelay $0x1  }
0x26: {  	v4 =	vadd.s32 v1, v4;
	_ =	sdelay $0x1  }
0x27: {  	s19 =	simm.s32 $0x7400  }
0x28: {  	[tilespmem:s19], [sflag:$0x1] =	stream.indirect_vreg.gather [hbm4b:s2+s3], $0x80, v5, vm0, $0xb8;
	[tilespmem:$0x1AC00] =	vst v63  }
0x29: {  	s20 =	simm.s32 $0x7C00  }
0x2a: {  	[tilespmem:s20], [sflag:$0x1] =	stream.indirect_vreg.gather [hbm4b:s2+s3], $0x80, v4, vm0, $0xb8;
	[tilespmem:$0x1AC00] =	vst v63  }
0x2b: {  	v4 =	vld.msk [tilespmem:$0x20], $0xff;
	_ =	sdelay $0x4  }
0x2c: {  	v5 =	vshll.u32 v4, $0x1  }
0x2d: {  	v4 =	vand.u32 $0x7, v4;
	v5 =	vand.u32 $0xFFFFFFF0, v5  }
0x2e: {  	v4 =	vor.u32 v4, v5  }
0x2f: {  	v4 =	vperm.xlane v4, v0;
	_ =	sdelay $0x1  }
0x30: {  	v4 =	vadd.s32 v1, v4;
	_ =	sdelay $0x3  }
0x31: {  	s21 =	simm.s32 $0x8400  }
0x32: {  	[tilespmem:s21], [sflag:$0x1] =	stream.indirect_vreg.gather [hbm4b:s2+s3], $0x80, v4, vm0, $0xb8;
	[tilespmem:$0x1AC00] =	vst v63  }
0x33: {  	v4 =	vld [tilespmem:$0x28];
	_ =	sdelay $0x4  }
0x34: {  	v5 =	vshll.u32 v4, $0x1  }
0x35: {  	v4 =	vand.u32 $0x7, v4;
	v5 =	vand.u32 $0xFFFFFFF0, v5  }
0x36: {  	v4 =	vor.u32 v4, v5  }
0x37: {  	v5 =	vperm.xlane v4, v0;
	_ =	sdelay $0x1  }
0x38: {  	v4 =	vperm.xlane v4, v2;
	v5 =	vadd.s32 v1, v5;
	_ =	sdelay $0x1  }
0x39: {  	v4 =	vadd.s32 v1, v4;
	_ =	sdelay $0x1  }
0x3a: {  	s22 =	simm.s32 $0x8C00  }
0x3b: {  	[tilespmem:s22], [sflag:$0x2] =	stream.indirect_vreg.gather [hbm4b:s2+s3], $0x80, v5, vm0, $0xb8;
	[tilespmem:$0x1AC00] =	vst v63  }
0x3c: {  	s23 =	simm.s32 $0x9400  }
0x3d: {  	[tilespmem:s23], [sflag:$0x2] =	stream.indirect_vreg.gather [hbm4b:s2+s3], $0x80, v4, vm0, $0xb8;
	[tilespmem:$0x1AC00] =	vst v63  }
0x3e: {  	v4 =	vld [tilespmem:$0x38];
	_ =	sdelay $0x4  }
0x3f: {  	v5 =	vshll.u32 v4, $0x1  }
0x40: {  	v4 =	vand.u32 $0x7, v4;
	v5 =	vand.u32 $0xFFFFFFF0, v5  }
0x41: {  	v4 =	vor.u32 v4, v5  }
0x42: {  	v5 =	vperm.xlane v4, v0;
	_ =	sdelay $0x1  }
0x43: {  	v4 =	vperm.xlane v4, v2;
	v5 =	vadd.s32 v1, v5;
	_ =	sdelay $0x1  }
0x44: {  	v4 =	vadd.s32 v1, v4;
	_ =	sdelay $0x1  }
0x45: {  	s24 =	simm.s32 $0x9C00  }
0x46: {  	[tilespmem:s24], [sflag:$0x2] =	stream.indirect_vreg.gather [hbm4b:s2+s3], $0x80, v5, vm0, $0xb8;
	[tilespmem:$0x1AC00] =	vst v63  }
0x47: {  	s18 =	simm.s32 $0xA400  }
0x48: {  	[tilespmem:s18], [sflag:$0x2] =	stream.indirect_vreg.gather [hbm4b:s2+s3], $0x80, v4, vm0, $0xb8;
	[tilespmem:$0x1AC00] =	vst v63  }
0x49: {  	v4 =	vld.msk [tilespmem:$0x48], $0xff;
	_ =	sdelay $0x4  }
0x4a: {  	v5 =	vshll.u32 v4, $0x1  }
0x4b: {  	v4 =	vand.u32 $0x7, v4;
	v5 =	vand.u32 $0xFFFFFFF0, v5  }
0x4c: {  	v4 =	vor.u32 v4, v5  }
0x4d: {  	v4 =	vperm.xlane v4, v0;
	_ =	sdelay $0x1  }
0x4e: {  	v4 =	vadd.s32 v1, v4;
	_ =	sdelay $0x3  }
0x4f: {  	s19 =	simm.s32 $0xAC00  }
0x50: {  	[tilespmem:s19], [sflag:$0x2] =	stream.indirect_vreg.gather [hbm4b:s2+s3], $0x80, v4, vm0, $0xb8;
	[tilespmem:$0x1AC00] =	vst v63  }
0x51: {  	v4 =	vld [tilespmem:$0x50];
	_ =	sdelay $0x4  }
0x52: {  	v5 =	vshll.u32 v4, $0x1  }
0x53: {  	v4 =	vand.u32 $0x7, v4;
	v5 =	vand.u32 $0xFFFFFFF0, v5  }
0x54: {  	v4 =	vor.u32 v4, v5  }
0x55: {  	v5 =	vperm.xlane v4, v0;
	_ =	sdelay $0x1  }
0x56: {  	v4 =	vperm.xlane v4, v2;
	v5 =	vadd.s32 v1, v5;
	_ =	sdelay $0x1  }
0x57: {  	v4 =	vadd.s32 v1, v4;
	_ =	sdelay $0x1  }
0x58: {  	s20 =	simm.s32 $0xB400  }
0x59: {  	[tilespmem:s20], [sflag:$0x3] =	stream.indirect_vreg.gather [hbm4b:s2+s3], $0x80, v5, vm0, $0xb8;
	[tilespmem:$0x1AC00] =	vst v63  }
0x5a: {  	s21 =	simm.s32 $0xBC00  }
0x5b: {  	[tilespmem:s21], [sflag:$0x3] =	stream.indirect_vreg.gather [hbm4b:s2+s3], $0x80, v4, vm0, $0xb8;
	[tilespmem:$0x1AC00] =	vst v63  }
0x5c: {  	v4 =	vld [tilespmem:$0x60];
	_ =	sdelay $0x4  }
0x5d: {  	v5 =	vshll.u32 v4, $0x1  }
0x5e: {  	v4 =	vand.u32 $0x7, v4;
	v5 =	vand.u32 $0xFFFFFFF0, v5  }
0x5f: {  	v4 =	vor.u32 v4, v5  }
0x60: {  	v5 =	vperm.xlane v4, v0;
	_ =	sdelay $0x1  }
0x61: {  	v4 =	vperm.xlane v4, v2;
	v5 =	vadd.s32 v1, v5;
	_ =	sdelay $0x1  }
0x62: {  	v4 =	vadd.s32 v1, v4;
	_ =	sdelay $0x1  }
0x63: {  	s22 =	simm.s32 $0xC400  }
0x64: {  	[tilespmem:s22], [sflag:$0x3] =	stream.indirect_vreg.gather [hbm4b:s2+s3], $0x80, v5, vm0, $0xb8;
	[tilespmem:$0x1AC00] =	vst v63  }
0x65: {  	s23 =	simm.s32 $0xCC00  }
0x66: {  	[tilespmem:s23], [sflag:$0x3] =	stream.indirect_vreg.gather [hbm4b:s2+s3], $0x80, v4, vm0, $0xb8;
	[tilespmem:$0x1AC00] =	vst v63  }
0x67: {  	v4 =	vld.msk [tilespmem:$0x70], $0xff;
	_ =	sdelay $0x4  }
0x68: {  	v5 =	vshll.u32 v4, $0x1  }
0x69: {  	v4 =	vand.u32 $0x7, v4;
	v5 =	vand.u32 $0xFFFFFFF0, v5  }
0x6a: {  	v4 =	vor.u32 v4, v5  }
0x6b: {  	v4 =	vperm.xlane v4, v0;
	_ =	sdelay $0x1  }
0x6c: {  	v4 =	vadd.s32 v1, v4;
	_ =	sdelay $0x3  }
0x6d: {  	s24 =	simm.s32 $0xD400  }
0x6e: {  	[tilespmem:s24], [sflag:$0x3] =	stream.indirect_vreg.gather [hbm4b:s2+s3], $0x80, v4, vm0, $0xb8;
	[tilespmem:$0x1AC00] =	vst v63  }
0x6f: {  	v4 =	vld [tilespmem:$0x78];
	_ =	sdelay $0x4  }
0x70: {  	v5 =	vshll.u32 v4, $0x1  }
0x71: {  	v4 =	vand.u32 $0x7, v4;
	v5 =	vand.u32 $0xFFFFFFF0, v5  }
0x72: {  	v4 =	vor.u32 v4, v5  }
0x73: {  	v5 =	vperm.xlane v4, v0;
	_ =	sdelay $0x1  }
0x74: {  	v4 =	vperm.xlane v4, v2;
	v5 =	vadd.s32 v1, v5;
	_ =	sdelay $0x1  }
0x75: {  	v4 =	vadd.s32 v1, v4;
	_ =	sdelay $0x2  }
0x76: {  	[tilespmem:s25], [sflag:$0x4] =	stream.indirect_vreg.gather [hbm4b:s2+s3], $0x80, v5, vm0, $0xb8;
	[tilespmem:$0x1AC00] =	vst v63  }
0x77: {  	_ = 	snop  }
0x78: {  	[tilespmem:s26], [sflag:$0x4] =	stream.indirect_vreg.gather [hbm4b:s2+s3], $0x80, v4, vm0, $0xb8;
	[tilespmem:$0x1AC00] =	vst v63  }
0x79: {  	v4 =	vld [tilespmem:$0x88];
	_ =	sdelay $0x4  }
0x7a: {  	v5 =	vshll.u32 v4, $0x1  }
0x7b: {  	v4 =	vand.u32 $0x7, v4;
	v5 =	vand.u32 $0xFFFFFFF0, v5  }
0x7c: {  	v4 =	vor.u32 v4, v5  }
0x7d: {  	v5 =	vperm.xlane v4, v0;
	_ =	sdelay $0x1  }
0x7e: {  	v4 =	vperm.xlane v4, v2;
	v5 =	vadd.s32 v1, v5;
	_ =	sdelay $0x1  }
0x7f: {  	v4 =	vadd.s32 v1, v4;
	_ =	sdelay $0x2  }
0x80: {  	[tilespmem:s28], [sflag:$0x4] =	stream.indirect_vreg.gather [hbm4b:s2+s3], $0x80, v5, vm0, $0xb8;
	[tilespmem:$0x1AC00] =	vst v63  }
0x81: {  	_ = 	snop  }
0x82: {  	[tilespmem:s29], [sflag:$0x4] =	stream.indirect_vreg.gather [hbm4b:s2+s3], $0x80, v4, vm0, $0xb8;
	[tilespmem:$0x1AC00] =	vst v63  }
0x83: {  	v4 =	vld.msk [tilespmem:$0x98], $0xff;
	_ =	sdelay $0x4  }
0x84: {  	v5 =	vshll.u32 v4, $0x1  }
0x85: {  	v4 =	vand.u32 $0x7, v4;
	v5 =	vand.u32 $0xFFFFFFF0, v5  }
0x86: {  	v4 =	vor.u32 v4, v5  }
0x87: {  	v4 =	vperm.xlane v4, v0;
	_ =	sdelay $0x1  }
0x88: {  	v4 =	vadd.s32 v1, v4;
	_ =	sdelay $0x4  }
0x89: {  	[tilespmem:s30], [sflag:$0x4] =	stream.indirect_vreg.gather [hbm4b:s2+s3], $0x80, v4, vm0, $0xb8;
	[tilespmem:$0x1AC00] =	vst v63  }
0x8a: {  	v4 =	vld [tilespmem:$0xA0];
	_ =	sdelay $0x4  }
0x8b: {  	v5 =	vshll.u32 v4, $0x1  }
0x8c: {  	v4 =	vand.u32 $0x7, v4;
	v5 =	vand.u32 $0xFFFFFFF0, v5  }
0x8d: {  	v4 =	vor.u32 v4, v5  }
0x8e: {  	v5 =	vperm.xlane v4, v0;
	_ =	sdelay $0x1  }
0x8f: {  	v4 =	vperm.xlane v4, v2;
	v5 =	vadd.s32 v1, v5;
	_ =	sdelay $0x1  }
0x90: {  	v4 =	vadd.s32 v1, v4;
	_ =	sdelay $0x2  }
0x91: {  	[tilespmem:s31], [sflag:$0x5] =	stream.indirect_vreg.gather [hbm4b:s2+s3], $0x80, v5, vm0, $0xb8;
	[tilespmem:$0x1AC00] =	vst v63  }
0x92: {  	_ = 	snop  }
0x93: {  	[tilespmem:s1], [sflag:$0x5] =	stream.indirect_vreg.gather [hbm4b:s2+s3], $0x80, v4, vm0, $0xb8;
	[tilespmem:$0x1AC00] =	vst v63  }
0x94: {  	v4 =	vld [tilespmem:$0xB0];
	_ =	sdelay $0x4  }
0x95: {  	v5 =	vshll.u32 v4, $0x1  }
0x96: {  	v4 =	vand.u32 $0x7, v4;
	v5 =	vand.u32 $0xFFFFFFF0, v5  }
0x97: {  	v4 =	vor.u32 v4, v5  }
0x98: {  	v5 =	vperm.xlane v4, v0;
	_ =	sdelay $0x1  }
0x99: {  	v4 =	vperm.xlane v4, v2;
	v5 =	vadd.s32 v1, v5;
	_ =	sdelay $0x1  }
0x9a: {  	v4 =	vadd.s32 v1, v4;
	_ =	sdelay $0x2  }
0x9b: {  	[tilespmem:s0], [sflag:$0x5] =	stream.indirect_vreg.gather [hbm4b:s2+s3], $0x80, v5, vm0, $0xb8;
	[tilespmem:$0x1AC00] =	vst v63  }
0x9c: {  	_ = 	snop  }
0x9d: {  	[tilespmem:s7], [sflag:$0x5] =	stream.indirect_vreg.gather [hbm4b:s2+s3], $0x80, v4, vm0, $0xb8;
	[tilespmem:$0x1AC00] =	vst v63  }
0x9e: {  	v4 =	vld.msk [tilespmem:$0xC0], $0xff;
	_ =	sdelay $0x4  }
0x9f: {  	v5 =	vshll.u32 v4, $0x1  }
0xa0: {  	v4 =	vand.u32 $0x7, v4;
	v5 =	vand.u32 $0xFFFFFFF0, v5  }
0xa1: {  	v4 =	vor.u32 v4, v5  }
0xa2: {  	v4 =	vperm.xlane v4, v0;
	_ =	sdelay $0x1  }
0xa3: {  	v4 =	vadd.s32 v1, v4;
	_ =	sdelay $0x3  }
0xa4: {  	s17 =	simm.s32 $0x0  }
0xa5: {  	[tilespmem:s8], [sflag:$0x5] =	stream.indirect_vreg.gather [hbm4b:s2+s3], $0x80, v4, vm0, $0xb8;
	[tilespmem:$0x1AC00] =	vst v63  }
.LBB2_2:
0xa6: {  	_ =	swait.ge [sflag:s10], $0x2800;
	s18 =	simm.s32 $0x0  }
0xa7: {  	[sflag:s10] =	ssyncset.done $0x0;
	s19 =	sand.u32 $0x3800, s18;
	s18 =	sand.u32 $0x380, s18  }
0xa8: {  	[sflag:s10] =	ssyncadd.s32 $0xFFFFD800;
	s18 =	sor.u32 s18, s19  }
0xa9: {  	v4 =	vld [tilespmem:s18+$0x6850]  }
0xaa: {  	v5 =	vld [tilespmem:s18+$0x6870]  }
0xab: {  	v9 =	vld [tilespmem:s18+$0x6860]  }
0xac: {  	v7 =	vld [tilespmem:s18+$0x6840]  }
0xad: {  	v8 =	vld [tilespmem:s18+$0x6830]  }
0xae: {  	v22 =	vimm.f32 $0.0e+00;
	v34 =	vimm.f32 $0.0e+00;
	v23 =	vld [tilespmem:s18+$0x6800]  }
0xaf: {  	v35 =	vimm.f32 $0.0e+00;
	v25 =	vimm.f32 $0.0e+00;
	v37 =	vimm.f32 $0.0e+00;
	v41 =	vld [tilespmem:s18+$0x6400]  }
0xb0: {  	v36 =	vimm.f32 $0.0e+00;
	v28 =	vimm.f32 $0.0e+00;
	v29 =	vimm.f32 $0.0e+00;
	v38 =	vld [tilespmem:s18+$0x6820]  }
0xb1: {  	v30 =	vimm.f32 $0.0e+00;
	v31 =	vimm.f32 $0.0e+00;
	v32 =	vimm.f32 $0.0e+00;
	v10 =	vld [tilespmem:s18+$0x6810]  }
0xb2: {  	v33 =	vimm.f32 $0.0e+00;
	v17 =	vld [tilespmem:s18+$0x6420];
	v6 =	vadd.f32 v4, v22;
	v11 =	vadd.f32 v5, v22  }
0xb3: {  	vm1 =	veq.f32 v5, $0.0e+00;
	v12 =	vadd.f32 v9, v22;
	v13 =	vadd.f32 v7, v22  }
0xb4: {  	v39 =	vld [tilespmem:s18+$0x6460];
	vm2 =	veq.f32 v8, $0.0e+00;
	v19 =	vadd.f32 v23, v22;
	v20 =	vadd.f32 v41, v22  }
0xb5: {  	vm4 =	veq.f32 v38, $0.0e+00;
	vm3 =	veq.f32 v23, $0.0e+00;
	v23 =	vimm.f32 $0.0e+00  }
0xb6: {  	v26 =	vld [tilespmem:s18+$0x6440];
	v5 =	vsel vm1, $0x3F800000, v3;
	vm1 =	veq.f32 v7, $0.0e+00;
	v7 =	vadd.f32 v8, v22  }
0xb7: {  	v15 =	vld [tilespmem:s18+$0x6410];
	v8 =	vadd.f32 v10, v22;
	v40 =	vsel vm2, $0x3F800000, v3;
	vm2 =	veq.f32 v17, $0.0e+00  }
0xb8: {  	v43 =	vld [tilespmem:s18+$0x6430];
	v17 =	vadd.f32 v17, v22;
	v27 =	vsel vm1, $0x3F800000, v3;
	vm1 =	veq.f32 v10, $0.0e+00  }
0xb9: {  	v14 =	vadd.f32 v5, v22;
	v10 =	vadd.f32 v39, v22;
	v5 =	vsel vm1, $0x3F800000, v3  }
0xba: {  	v44 =	vld [tilespmem:s18+$0x6450];
	vm1 =	veq.f32 v9, $0.0e+00;
	v9 =	vsel vm2, $0x3F800000, v3;
	vm2 =	veq.f32 v4, $0.0e+00  }
0xbb: {  	v21 =	vadd.f32 v5, v22;
	v9 =	vadd.f32 v9, v22;
	v4 =	vsel vm2, $0x3F800000, v3  }
0xbc: {  	vm2 =	veq.f32 v15, $0.0e+00;
	v15 =	vadd.f32 v15, v22;
	v5 =	vsel vm1, $0x3F800000, v3  }
0xbd: {  	v45 =	vld [tilespmem:s18+$0x6470];
	vm1 =	veq.f32 v43, $0.0e+00;
	v16 =	vadd.f32 v4, v22;
	v4 =	vadd.f32 v26, v22  }
0xbe: {  	v24 =	vsel vm2, $0x3F800000, v3;
	v18 =	vadd.f32 v5, v22;
	v42 =	vsel vm1, $0x3F800000, v3  }
0xbf: {  	s21 =	simm.s32 $0x100;
	s18 =	simm.s32 $0x80;
	vm2 =	veq.f32 v44, $0.0e+00;
	v5 =	vadd.f32 v24, v22;
	v24 =	vimm.f32 $0.0e+00  }
.LBB2_3:
0xc0: {  	s19 =	smov.u32 s21  }
0xc1: {  	s20 =	sand.u32 $0x3800, s21;
	s22 =	sand.u32 $0x380, s18;
	v22 =	vadd.f32 v43, v22;
	v43 =	vsel vm4, $0x3F800000, v3;
	v23 =	vadd.f32 v40, v23;
	s19 =	sadd.s32 $0x100, s21  }
0xc2: {  	p0 =	sne.s32 s21, $0x2700;
	v24 =	vadd.f32 v44, v24;
	v40 =	vsel vm3, $0x3F800000, v3;
	s20 =	sor.u32 s22, s20;
	vm1 =	veq.f32 v45, $0.0e+00  }
0xc3: {  	vm3 =	veq.f32 v41, $0.0e+00;
	vm4 =	veq.f32 v39, $0.0e+00;
	v34 =	vadd.f32 v38, v34;
	v44 =	vld [tilespmem:s20+$0x6850]  }
0xc4: {  	v35 =	vadd.f32 v45, v35;
	v25 =	vadd.f32 v40, v25;
	v39 =	vsel vm1, $0x3F800000, v3;
	v38 =	vld [tilespmem:s20+$0x6870]  }
0xc5: {  	v37 =	vadd.f32 v27, v37;
	vm1 =	veq.f32 v26, $0.0e+00;
	v26 =	vsel vm4, $0x3F800000, v3;
	v41 =	vld [tilespmem:s20+$0x6860]  }
0xc6: {  	v40 =	vsel vm1, $0x3F800000, v3;
	v36 =	vadd.f32 v26, v36;
	v28 =	vadd.f32 v39, v28;
	v27 =	vld [tilespmem:s20+$0x6840]  }
0xc7: {  	v29 =	vadd.f32 v42, v29;
	v45 =	vsel vm3, $0x3F800000, v3;
	v30 =	vadd.f32 v40, v30;
	v39 =	vld [tilespmem:s20+$0x6830]  }
0xc8: {  	v31 =	vadd.f32 v43, v31;
	v26 =	vsel vm2, $0x3F800000, v3;
	v40 =	vld [tilespmem:s20+$0x6810];
	v6 =	vadd.f32 v44, v6  }
0xc9: {  	v32 =	vadd.f32 v26, v32;
	v42 =	vld [tilespmem:s20+$0x6420];
	v11 =	vadd.f32 v38, v11;
	vm1 =	veq.f32 v38, $0.0e+00  }
0xca: {  	v33 =	vadd.f32 v45, v33;
	v26 =	vld [tilespmem:s20+$0x6440];
	v12 =	vadd.f32 v41, v12;
	v38 =	vsel vm1, $0x3F800000, v3  }
0xcb: {  	v45 =	vld [tilespmem:s20+$0x6410];
	v13 =	vadd.f32 v27, v13;
	vm1 =	veq.f32 v27, $0.0e+00;
	v14 =	vadd.f32 v38, v14  }
0xcc: {  	v38 =	vld [tilespmem:s20+$0x6820];
	v7 =	vadd.f32 v39, v7;
	vm2 =	veq.f32 v39, $0.0e+00;
	v27 =	vsel vm1, $0x3F800000, v3  }
0xcd: {  	v46 =	vld [tilespmem:s20+$0x6800];
	v8 =	vadd.f32 v40, v8;
	vm1 =	veq.f32 v40, $0.0e+00;
	v40 =	vsel vm2, $0x3F800000, v3  }
0xce: {  	vm2 =	veq.f32 v42, $0.0e+00;
	v43 =	vld [tilespmem:s20+$0x6430];
	v47 =	vsel vm1, $0x3F800000, v3;
	vm1 =	veq.f32 v41, $0.0e+00  }
0xcf: {  	v48 =	vsel vm2, $0x3F800000, v3;
	v39 =	vld [tilespmem:s20+$0x6460];
	v21 =	vadd.f32 v47, v21;
	vm2 =	veq.f32 v44, $0.0e+00  }
0xd0: {  	v41 =	vld [tilespmem:s20+$0x6400];
	vm3 =	veq.f32 v45, $0.0e+00;
	v9 =	vadd.f32 v48, v9;
	v47 =	vsel vm2, $0x3F800000, v3  }
0xd1: {  	v15 =	vadd.f32 v45, v15;
	v48 =	vsel vm3, $0x3F800000, v3;
	v44 =	vld [tilespmem:s20+$0x6450];
	v16 =	vadd.f32 v47, v16  }
.Ltmp0:
0xd2: {  	v17 =	vadd.f32 v42, v17;
	v4 =	vadd.f32 v26, v4;
	v42 =	vsel vm1, $0x3F800000, v3;
	(pc) =	sbr.rel @p0 .LBB2_3-.Ltmp0, $4  }
0xd3: {  	v18 =	vadd.f32 v42, v18;
	v45 =	vld [tilespmem:s20+$0x6470]  }
0xd4: {  	v19 =	vadd.f32 v46, v19;
	vm1 =	veq.f32 v43, $0.0e+00;
	v10 =	vadd.f32 v39, v10  }
0xd5: {  	vm4 =	veq.f32 v38, $0.0e+00;
	v42 =	vsel vm1, $0x3F800000, v3;
	v20 =	vadd.f32 v41, v20  }
0xd6: {  	s18 =	sadd.s32 $0x80, s18;
	s21 =	smov.u32 s19;
	v5 =	vadd.f32 v48, v5;
	vm3 =	veq.f32 v46, $0.0e+00;
	vm2 =	veq.f32 v44, $0.0e+00  }
0xd7: {  	s18 =	sadd.s32 $0x1, s17;
	p0 =	seq.s32 s17, $0x7F  }
0xd8: {  	s19 =	smul.u32 @!p0 $0x320, s18;
	_ =	sdelay $0x1  }
0xd9: {  	s19 =	sshra.s32 @!p0 s19, $0x2  }
0xda: {  	v46 =	vld @!p0 [tilespmem:s19+$0x0];
	_ =	sdelay $0x4  }
0xdb: {  	v47 =	vshll.u32 @!p0 v46, $0x1  }
0xdc: {  	v48 =	vlaneseq.u32 @!p0;
	v46 =	vand.u32 @!p0 $0x7, v46;
	v47 =	vand.u32 @!p0 $0xFFFFFFF0, v47  }
0xdd: {  	v49 =	vshrl.u32 @!p0 v48, $0x3;
	v46 =	vor.u32 @!p0 v46, v47;
	v47 =	vand.u32 @!p0 $0x7, v48  }
0xde: {  	v49 =	vmul.u32 @!p0 $0x8, v49;
	v50 =	vperm.xlane @!p0 v46, v47  }
0xdf: {  	v48 =	vor.u32 @!p0 $0x8, v48  }
0xe0: {  	v46 =	vperm.xlane @!p0 v46, v48;
	v50 =	vadd.s32 @!p0 v49, v50;
	_ =	sdelay $0x1  }
0xe1: {  	v46 =	vadd.s32 @!p0 v49, v46;
	_ =	sdelay $0x1  }
0xe2: {  	vm1 =	vmmov @!p0 $0xffff;
	s20 =	simm.s32 @!p0 $0x0;
	s21 =	simm.s32 @!p0 $0x6400  }
0xe3: {  	[tilespmem:s21], [sflag:$0x1] =	stream.indirect_vreg.gather @!p0 [hbm4b:s2+s20], $0x80, v50, vm1, $0xb8;
	[tilespmem:$0x1AC00] =	vst v63  }
0xe4: {  	s21 =	simm.s32 @!p0 $0x6C00  }
0xe5: {  	[tilespmem:s21], [sflag:$0x1] =	stream.indirect_vreg.gather @!p0 [hbm4b:s2+s20], $0x80, v46, vm1, $0xb8;
	[tilespmem:$0x1AC00] =	vst v63  }
0xe6: {  	v46 =	vld @!p0 [tilespmem:s19+$0x10];
	_ =	sdelay $0x4  }
0xe7: {  	v50 =	vshll.u32 @!p0 v46, $0x1  }
0xe8: {  	v46 =	vand.u32 @!p0 $0x7, v46;
	v50 =	vand.u32 @!p0 $0xFFFFFFF0, v50  }
0xe9: {  	v46 =	vor.u32 @!p0 v46, v50  }
0xea: {  	v50 =	vperm.xlane @!p0 v46, v47;
	_ =	sdelay $0x1  }
0xeb: {  	v46 =	vperm.xlane @!p0 v46, v48;
	v48 =	vadd.s32 @!p0 v49, v50;
	_ =	sdelay $0x1  }
0xec: {  	v46 =	vadd.s32 @!p0 v49, v46;
	_ =	sdelay $0x1  }
0xed: {  	s21 =	simm.s32 @!p0 $0x7400  }
0xee: {  	[tilespmem:s21], [sflag:$0x1] =	stream.indirect_vreg.gather @!p0 [hbm4b:s2+s20], $0x80, v48, vm1, $0xb8;
	[tilespmem:$0x1AC00] =	vst v63  }
0xef: {  	s21 =	simm.s32 @!p0 $0x7C00  }
0xf0: {  	[tilespmem:s21], [sflag:$0x1] =	stream.indirect_vreg.gather @!p0 [hbm4b:s2+s20], $0x80, v46, vm1, $0xb8;
	[tilespmem:$0x1AC00] =	vst v63  }
0xf1: {  	v46 =	vld.msk @!p0 [tilespmem:s19+$0x20], $0xff;
	_ =	sdelay $0x4  }
0xf2: {  	v48 =	vshll.u32 @!p0 v46, $0x1  }
0xf3: {  	v46 =	vand.u32 @!p0 $0x7, v46;
	v48 =	vand.u32 @!p0 $0xFFFFFFF0, v48  }
0xf4: {  	v46 =	vor.u32 @!p0 v46, v48  }
0xf5: {  	v46 =	vperm.xlane @!p0 v46, v47;
	_ =	sdelay $0x1  }
0xf6: {  	v46 =	vadd.s32 @!p0 v49, v46;
	_ =	sdelay $0x3  }
0xf7: {  	s21 =	simm.s32 @!p0 $0x8400  }
0xf8: {  	[tilespmem:s21], [sflag:$0x1] =	stream.indirect_vreg.gather @!p0 [hbm4b:s2+s20], $0x80, v46, vm1, $0xb8;
	[tilespmem:$0x1AC00] =	vst v63  }
0xf9: {  	s23 =	simm.s32 $0x0;
	_ =	swait.ge [sflag:s11], $0x2800  }
0xfa: {  	s24 =	sand.u32 $0x3800, s23;
	s20 =	sand.u32 $0x380, s23;
	[sflag:s11] =	ssyncset.done $0x0  }
0xfb: {  	s20 =	sor.u32 s20, s24;
	[sflag:s11] =	ssyncadd.s32 $0xFFFFD800  }
0xfc: {  	v63 =	vld [tilespmem:s20+$0x9050]  }
0xfd: {  	v22 =	vadd.f32 v43, v22;
	v60 =	vsel vm4, $0x3F800000, v3;
	v23 =	vadd.f32 v40, v23;
	v48 =	vld [tilespmem:s20+$0x9070]  }
0xfe: {  	v24 =	vadd.f32 v44, v24;
	v61 =	vsel vm3, $0x3F800000, v3;
	vm3 =	veq.f32 v41, $0.0e+00;
	v49 =	vld [tilespmem:s20+$0x9060]  }
0xff: {  	v34 =	vadd.f32 v38, v34;
	v29 =	vadd.f32 v42, v29;
	v54 =	vsel vm2, $0x3F800000, v3;
	v51 =	vld [tilespmem:s20+$0x9040]  }
0x100: {  	vm4 =	veq.f32 v45, $0.0e+00;
	v35 =	vadd.f32 v45, v35;
	v25 =	vadd.f32 v61, v25;
	v53 =	vld [tilespmem:s20+$0x9030]  }
0x101: {  	v52 =	vsel vm3, $0x3F800000, v3;
	v31 =	vadd.f32 v60, v31;
	v32 =	vadd.f32 v54, v32;
	v55 =	vld [tilespmem:s20+$0x9010]  }
0x102: {  	v62 =	vsel vm4, $0x3F800000, v3;
	vm4 =	veq.f32 v39, $0.0e+00;
	v33 =	vadd.f32 v52, v33;
	v56 =	vld [tilespmem:s20+$0x8C20]  }
0x103: {  	v39 =	vsel vm4, $0x3F800000, v3;
	vm4 =	veq.f32 v26, $0.0e+00;
	v26 =	vadd.f32 v27, v37;
	v58 =	vld [tilespmem:s20+$0x8C10]  }
0x104: {  	v28 =	vadd.f32 v62, v28;
	v27 =	vadd.f32 v39, v36;
	v50 =	vsel vm4, $0x3F800000, v3;
	v36 =	vld [tilespmem:s20+$0x8C40]  }
0x105: {  	v30 =	vadd.f32 v50, v30;
	v39 =	vld [tilespmem:s20+$0x8C60];
	v6 =	vadd.f32 v63, v6  }
0x106: {  	v59 =	vld [tilespmem:s20+$0x9000];
	v11 =	vadd.f32 v48, v11;
	v12 =	vadd.f32 v49, v12  }
0x107: {  	vm2 =	veq.f32 v48, $0.0e+00;
	v13 =	vadd.f32 v51, v13;
	v7 =	vadd.f32 v53, v7  }
0x108: {  	vm3 =	veq.f32 v53, $0.0e+00;
	v8 =	vadd.f32 v55, v8;
	v15 =	vadd.f32 v58, v15  }
0x109: {  	v38 =	vld [tilespmem:s20+$0x9020];
	vm4 =	veq.f32 v58, $0.0e+00;
	v17 =	vadd.f32 v56, v17;
	v4 =	vadd.f32 v36, v4  }
0x10a: {  	v10 =	vadd.f32 v39, v10;
	v57 =	vsel vm2, $0x3F800000, v3;
	vm2 =	veq.f32 v51, $0.0e+00  }
0x10b: {  	v43 =	vld [tilespmem:s20+$0x8C30];
	v19 =	vadd.f32 v59, v19;
	v37 =	vsel vm2, $0x3F800000, v3;
	vm2 =	veq.f32 v55, $0.0e+00  }
0x10c: {  	v44 =	vld [tilespmem:s20+$0x8C50];
	v40 =	vsel vm3, $0x3F800000, v3;
	vm3 =	veq.f32 v56, $0.0e+00;
	v41 =	vsel vm2, $0x3F800000, v3  }
0x10d: {  	v14 =	vadd.f32 v57, v14;
	v60 =	vsel vm3, $0x3F800000, v3;
	v21 =	vadd.f32 v41, v21;
	v41 =	vld [tilespmem:s20+$0x8C00]  }
0x10e: {  	vm3 =	veq.f32 v63, $0.0e+00;
	v63 =	vsel vm4, $0x3F800000, v3;
	vm4 =	veq.f32 v38, $0.0e+00  }
0x10f: {  	vm2 =	veq.f32 v49, $0.0e+00;
	v9 =	vadd.f32 v60, v9;
	v61 =	vsel vm3, $0x3F800000, v3  }
0x110: {  	v45 =	vld [tilespmem:s20+$0x8C70];
	v5 =	vadd.f32 v63, v5;
	vm3 =	veq.f32 v59, $0.0e+00;
	v62 =	vsel vm2, $0x3F800000, v3  }
0x111: {  	v16 =	vadd.f32 v61, v16;
	vm2 =	veq.f32 v43, $0.0e+00;
	v18 =	vadd.f32 v62, v18  }
0x112: {  	s21 =	simm.s32 $0x100;
	s20 =	simm.s32 $0x80;
	v42 =	vsel vm2, $0x3F800000, v3;
	vm2 =	veq.f32 v44, $0.0e+00;
	v20 =	vadd.f32 v41, v20  }
.LBB2_5:
0x113: {  	s23 =	smov.u32 s21  }
0x114: {  	s22 =	sand.u32 $0x3800, s21;
	s24 =	sand.u32 $0x380, s20;
	v22 =	vadd.f32 v43, v22;
	v43 =	vsel vm4, $0x3F800000, v3;
	v23 =	vadd.f32 v40, v23;
	s23 =	sadd.s32 $0x100, s21  }
0x115: {  	p1 =	sne.s32 s21, $0x2700;
	v24 =	vadd.f32 v44, v24;
	v40 =	vsel vm3, $0x3F800000, v3;
	s22 =	sor.u32 s24, s22;
	vm4 =	veq.f32 v45, $0.0e+00  }
0x116: {  	vm3 =	veq.f32 v41, $0.0e+00;
	vm5 =	veq.f32 v39, $0.0e+00;
	v34 =	vadd.f32 v38, v34;
	v44 =	vld [tilespmem:s22+$0x9050]  }
0x117: {  	v35 =	vadd.f32 v45, v35;
	v25 =	vadd.f32 v40, v25;
	v39 =	vsel vm4, $0x3F800000, v3;
	v38 =	vld [tilespmem:s22+$0x9070]  }
0x118: {  	v26 =	vadd.f32 v37, v26;
	vm4 =	veq.f32 v36, $0.0e+00;
	v36 =	vsel vm5, $0x3F800000, v3;
	v41 =	vld [tilespmem:s22+$0x9060]  }
0x119: {  	v40 =	vsel vm4, $0x3F800000, v3;
	v27 =	vadd.f32 v36, v27;
	v28 =	vadd.f32 v39, v28;
	v37 =	vld [tilespmem:s22+$0x9040]  }
0x11a: {  	v29 =	vadd.f32 v42, v29;
	v45 =	vsel vm3, $0x3F800000, v3;
	v30 =	vadd.f32 v40, v30;
	v39 =	vld [tilespmem:s22+$0x9030]  }
0x11b: {  	v31 =	vadd.f32 v43, v31;
	v36 =	vsel vm2, $0x3F800000, v3;
	v40 =	vld [tilespmem:s22+$0x9010];
	v6 =	vadd.f32 v44, v6  }
0x11c: {  	v32 =	vadd.f32 v36, v32;
	v42 =	vld [tilespmem:s22+$0x8C20];
	v11 =	vadd.f32 v38, v11;
	vm2 =	veq.f32 v38, $0.0e+00  }
0x11d: {  	v33 =	vadd.f32 v45, v33;
	v36 =	vld [tilespmem:s22+$0x8C40];
	v12 =	vadd.f32 v41, v12;
	v38 =	vsel vm2, $0x3F800000, v3  }
0x11e: {  	v45 =	vld [tilespmem:s22+$0x8C10];
	v13 =	vadd.f32 v37, v13;
	vm2 =	veq.f32 v37, $0.0e+00;
	v14 =	vadd.f32 v38, v14  }
0x11f: {  	v38 =	vld [tilespmem:s22+$0x9020];
	v7 =	vadd.f32 v39, v7;
	vm3 =	veq.f32 v39, $0.0e+00;
	v37 =	vsel vm2, $0x3F800000, v3  }
0x120: {  	v46 =	vld [tilespmem:s22+$0x9000];
	v8 =	vadd.f32 v40, v8;
	vm2 =	veq.f32 v40, $0.0e+00;
	v40 =	vsel vm3, $0x3F800000, v3  }
0x121: {  	vm3 =	veq.f32 v42, $0.0e+00;
	v43 =	vld [tilespmem:s22+$0x8C30];
	v47 =	vsel vm2, $0x3F800000, v3;
	vm2 =	veq.f32 v41, $0.0e+00  }
0x122: {  	v48 =	vsel vm3, $0x3F800000, v3;
	v39 =	vld [tilespmem:s22+$0x8C60];
	v21 =	vadd.f32 v47, v21;
	vm3 =	veq.f32 v44, $0.0e+00  }
0x123: {  	v41 =	vld [tilespmem:s22+$0x8C00];
	vm4 =	veq.f32 v45, $0.0e+00;
	v9 =	vadd.f32 v48, v9;
	v47 =	vsel vm3, $0x3F800000, v3  }
0x124: {  	v15 =	vadd.f32 v45, v15;
	v48 =	vsel vm4, $0x3F800000, v3;
	v44 =	vld [tilespmem:s22+$0x8C50];
	v16 =	vadd.f32 v47, v16  }
.Ltmp1:
0x125: {  	v17 =	vadd.f32 v42, v17;
	v4 =	vadd.f32 v36, v4;
	v42 =	vsel vm2, $0x3F800000, v3;
	(pc) =	sbr.rel @p1 .LBB2_5-.Ltmp1, $4  }
0x126: {  	v18 =	vadd.f32 v42, v18;
	v45 =	vld [tilespmem:s22+$0x8C70]  }
0x127: {  	v19 =	vadd.f32 v46, v19;
	vm2 =	veq.f32 v43, $0.0e+00;
	v10 =	vadd.f32 v39, v10  }
0x128: {  	vm4 =	veq.f32 v38, $0.0e+00;
	v42 =	vsel vm2, $0x3F800000, v3;
	v20 =	vadd.f32 v41, v20  }
0x129: {  	s20 =	sadd.s32 $0x80, s20;
	s21 =	smov.u32 s23;
	v5 =	vadd.f32 v48, v5;
	vm3 =	veq.f32 v46, $0.0e+00;
	vm2 =	veq.f32 v44, $0.0e+00  }
0x12a: {  	v46 =	vld @!p0 [tilespmem:s19+$0x28];
	_ =	sdelay $0x4  }
0x12b: {  	v47 =	vshll.u32 @!p0 v46, $0x1  }
0x12c: {  	v48 =	vlaneseq.u32 @!p0;
	v46 =	vand.u32 @!p0 $0x7, v46;
	v47 =	vand.u32 @!p0 $0xFFFFFFF0, v47  }
0x12d: {  	v49 =	vshrl.u32 @!p0 v48, $0x3;
	v46 =	vor.u32 @!p0 v46, v47;
	v47 =	vand.u32 @!p0 $0x7, v48  }
0x12e: {  	v49 =	vmul.u32 @!p0 $0x8, v49;
	v50 =	vperm.xlane @!p0 v46, v47  }
0x12f: {  	v48 =	vor.u32 @!p0 $0x8, v48  }
0x130: {  	v46 =	vperm.xlane @!p0 v46, v48;
	v50 =	vadd.s32 @!p0 v49, v50;
	_ =	sdelay $0x1  }
0x131: {  	v46 =	vadd.s32 @!p0 v49, v46;
	_ =	sdelay $0x1  }
0x132: {  	s20 =	simm.s32 @!p0 $0x0;
	s21 =	simm.s32 @!p0 $0x8C00  }
0x133: {  	[tilespmem:s21], [sflag:$0x2] =	stream.indirect_vreg.gather @!p0 [hbm4b:s2+s20], $0x80, v50, vm1, $0xb8;
	[tilespmem:$0x1AC00] =	vst v63  }
0x134: {  	s21 =	simm.s32 @!p0 $0x9400  }
0x135: {  	[tilespmem:s21], [sflag:$0x2] =	stream.indirect_vreg.gather @!p0 [hbm4b:s2+s20], $0x80, v46, vm1, $0xb8;
	[tilespmem:$0x1AC00] =	vst v63  }
0x136: {  	v46 =	vld @!p0 [tilespmem:s19+$0x38];
	_ =	sdelay $0x4  }
0x137: {  	v50 =	vshll.u32 @!p0 v46, $0x1  }
0x138: {  	v46 =	vand.u32 @!p0 $0x7, v46;
	v50 =	vand.u32 @!p0 $0xFFFFFFF0, v50  }
0x139: {  	v46 =	vor.u32 @!p0 v46, v50  }
0x13a: {  	v50 =	vperm.xlane @!p0 v46, v47;
	_ =	sdelay $0x1  }
0x13b: {  	v46 =	vperm.xlane @!p0 v46, v48;
	v48 =	vadd.s32 @!p0 v49, v50;
	_ =	sdelay $0x1  }
0x13c: {  	v46 =	vadd.s32 @!p0 v49, v46;
	_ =	sdelay $0x1  }
0x13d: {  	s21 =	simm.s32 @!p0 $0x9C00  }
0x13e: {  	[tilespmem:s21], [sflag:$0x2] =	stream.indirect_vreg.gather @!p0 [hbm4b:s2+s20], $0x80, v48, vm1, $0xb8;
	[tilespmem:$0x1AC00] =	vst v63  }
0x13f: {  	s21 =	simm.s32 @!p0 $0xA400  }
0x140: {  	[tilespmem:s21], [sflag:$0x2] =	stream.indirect_vreg.gather @!p0 [hbm4b:s2+s20], $0x80, v46, vm1, $0xb8;
	[tilespmem:$0x1AC00] =	vst v63  }
0x141: {  	v46 =	vld.msk @!p0 [tilespmem:s19+$0x48], $0xff;
	_ =	sdelay $0x4  }
0x142: {  	v48 =	vshll.u32 @!p0 v46, $0x1  }
0x143: {  	v46 =	vand.u32 @!p0 $0x7, v46;
	v48 =	vand.u32 @!p0 $0xFFFFFFF0, v48  }
0x144: {  	v46 =	vor.u32 @!p0 v46, v48  }
0x145: {  	v46 =	vperm.xlane @!p0 v46, v47;
	_ =	sdelay $0x1  }
0x146: {  	v46 =	vadd.s32 @!p0 v49, v46;
	_ =	sdelay $0x3  }
0x147: {  	s21 =	simm.s32 @!p0 $0xAC00  }
0x148: {  	[tilespmem:s21], [sflag:$0x2] =	stream.indirect_vreg.gather @!p0 [hbm4b:s2+s20], $0x80, v46, vm1, $0xb8;
	[tilespmem:$0x1AC00] =	vst v63  }
0x149: {  	s23 =	simm.s32 $0x0;
	_ =	swait.ge [sflag:s12], $0x2800  }
0x14a: {  	s24 =	sand.u32 $0x3800, s23;
	s20 =	sand.u32 $0x380, s23;
	[sflag:s12] =	ssyncset.done $0x0  }
0x14b: {  	s20 =	sor.u32 s20, s24;
	[sflag:s12] =	ssyncadd.s32 $0xFFFFD800  }
0x14c: {  	v61 =	vld [tilespmem:s20+$0xB850]  }
0x14d: {  	v63 =	vld [tilespmem:s20+$0xB870]  }
0x14e: {  	v22 =	vadd.f32 v43, v22;
	v59 =	vsel vm4, $0x3F800000, v3;
	v48 =	vld [tilespmem:s20+$0xB860]  }
0x14f: {  	v23 =	vadd.f32 v40, v23;
	v24 =	vadd.f32 v44, v24;
	v60 =	vsel vm3, $0x3F800000, v3;
	v50 =	vld [tilespmem:s20+$0xB840]  }
0x150: {  	vm3 =	veq.f32 v41, $0.0e+00;
	vm5 =	veq.f32 v39, $0.0e+00;
	v34 =	vadd.f32 v38, v34;
	v52 =	vld [tilespmem:s20+$0xB830]  }
0x151: {  	v26 =	vadd.f32 v37, v26;
	v29 =	vadd.f32 v42, v29;
	v53 =	vsel vm2, $0x3F800000, v3;
	v54 =	vld [tilespmem:s20+$0xB810]  }
0x152: {  	vm4 =	veq.f32 v45, $0.0e+00;
	v35 =	vadd.f32 v45, v35;
	v25 =	vadd.f32 v60, v25;
	v55 =	vld [tilespmem:s20+$0xB420]  }
0x153: {  	v40 =	vsel vm5, $0x3F800000, v3;
	v62 =	vsel vm4, $0x3F800000, v3;
	vm4 =	veq.f32 v36, $0.0e+00;
	v36 =	vld [tilespmem:s20+$0xB440]  }
0x154: {  	v51 =	vsel vm3, $0x3F800000, v3;
	v31 =	vadd.f32 v59, v31;
	v32 =	vadd.f32 v53, v32;
	v57 =	vld [tilespmem:s20+$0xB410]  }
0x155: {  	v27 =	vadd.f32 v40, v27;
	v33 =	vadd.f32 v51, v33;
	v49 =	vsel vm4, $0x3F800000, v3;
	v58 =	vld [tilespmem:s20+$0xB800]  }
0x156: {  	v28 =	vadd.f32 v62, v28;
	v30 =	vadd.f32 v49, v30;
	v39 =	vld [tilespmem:s20+$0xB460]  }
0x157: {  	v41 =	vld [tilespmem:s20+$0xB400];
	v6 =	vadd.f32 v61, v6;
	v11 =	vadd.f32 v63, v11  }
0x158: {  	v12 =	vadd.f32 v48, v12;
	v13 =	vadd.f32 v50, v13  }
0x159: {  	v38 =	vld [tilespmem:s20+$0xB820];
	v7 =	vadd.f32 v52, v7;
	v8 =	vadd.f32 v54, v8  }
0x15a: {  	vm2 =	veq.f32 v63, $0.0e+00;
	v15 =	vadd.f32 v57, v15;
	v17 =	vadd.f32 v55, v17  }
0x15b: {  	vm3 =	veq.f32 v52, $0.0e+00;
	v4 =	vadd.f32 v36, v4;
	v10 =	vadd.f32 v39, v10  }
0x15c: {  	vm4 =	veq.f32 v57, $0.0e+00;
	v19 =	vadd.f32 v58, v19;
	v20 =	vadd.f32 v41, v20  }
0x15d: {  	v56 =	vsel vm2, $0x3F800000, v3;
	vm2 =	veq.f32 v50, $0.0e+00;
	v40 =	vsel vm3, $0x3F800000, v3  }
0x15e: {  	v43 =	vld [tilespmem:s20+$0xB430];
	vm3 =	veq.f32 v55, $0.0e+00;
	v63 =	vsel vm4, $0x3F800000, v3;
	vm4 =	veq.f32 v38, $0.0e+00  }
0x15f: {  	v44 =	vld [tilespmem:s20+$0xB450];
	v14 =	vadd.f32 v56, v14;
	v37 =	vsel vm2, $0x3F800000, v3;
	vm2 =	veq.f32 v54, $0.0e+00  }
0x160: {  	v60 =	vsel vm3, $0x3F800000, v3;
	vm3 =	veq.f32 v61, $0.0e+00;
	v5 =	vadd.f32 v63, v5  }
0x161: {  	v59 =	vsel vm2, $0x3F800000, v3;
	vm2 =	veq.f32 v48, $0.0e+00;
	v9 =	vadd.f32 v60, v9  }
0x162: {  	v45 =	vld [tilespmem:s20+$0xB470];
	v61 =	vsel vm3, $0x3F800000, v3;
	vm3 =	veq.f32 v58, $0.0e+00;
	v21 =	vadd.f32 v59, v21  }
0x163: {  	v16 =	vadd.f32 v61, v16;
	v62 =	vsel vm2, $0x3F800000, v3;
	vm2 =	veq.f32 v43, $0.0e+00  }
0x164: {  	s23 =	simm.s32 $0x100;
	s20 =	simm.s32 $0x80;
	v18 =	vadd.f32 v62, v18;
	v42 =	vsel vm2, $0x3F800000, v3;
	vm2 =	veq.f32 v44, $0.0e+00  }
.LBB2_7:
0x165: {  	s21 =	smov.u32 s23  }
0x166: {  	s22 =	sand.u32 $0x3800, s23;
	s24 =	sand.u32 $0x380, s20;
	v22 =	vadd.f32 v43, v22;
	v43 =	vsel vm4, $0x3F800000, v3;
	v23 =	vadd.f32 v40, v23;
	s21 =	sadd.s32 $0x100, s23  }
0x167: {  	p1 =	sne.s32 s23, $0x2700;
	v24 =	vadd.f32 v44, v24;
	v40 =	vsel vm3, $0x3F800000, v3;
	s22 =	sor.u32 s24, s22;
	vm4 =	veq.f32 v45, $0.0e+00  }
0x168: {  	vm3 =	veq.f32 v41, $0.0e+00;
	vm5 =	veq.f32 v39, $0.0e+00;
	v34 =	vadd.f32 v38, v34;
	v44 =	vld [tilespmem:s22+$0xB850]  }
0x169: {  	v35 =	vadd.f32 v45, v35;
	v25 =	vadd.f32 v40, v25;
	v39 =	vsel vm4, $0x3F800000, v3;
	v38 =	vld [tilespmem:s22+$0xB870]  }
0x16a: {  	v26 =	vadd.f32 v37, v26;
	vm4 =	veq.f32 v36, $0.0e+00;
	v36 =	vsel vm5, $0x3F800000, v3;
	v41 =	vld [tilespmem:s22+$0xB860]  }
0x16b: {  	v40 =	vsel vm4, $0x3F800000, v3;
	v27 =	vadd.f32 v36, v27;
	v28 =	vadd.f32 v39, v28;
	v37 =	vld [tilespmem:s22+$0xB840]  }
0x16c: {  	v29 =	vadd.f32 v42, v29;
	v45 =	vsel vm3, $0x3F800000, v3;
	v30 =	vadd.f32 v40, v30;
	v39 =	vld [tilespmem:s22+$0xB830]  }
0x16d: {  	v31 =	vadd.f32 v43, v31;
	v36 =	vsel vm2, $0x3F800000, v3;
	v40 =	vld [tilespmem:s22+$0xB810];
	v6 =	vadd.f32 v44, v6  }
0x16e: {  	v32 =	vadd.f32 v36, v32;
	v42 =	vld [tilespmem:s22+$0xB420];
	v11 =	vadd.f32 v38, v11;
	vm2 =	veq.f32 v38, $0.0e+00  }
0x16f: {  	v33 =	vadd.f32 v45, v33;
	v36 =	vld [tilespmem:s22+$0xB440];
	v12 =	vadd.f32 v41, v12;
	v38 =	vsel vm2, $0x3F800000, v3  }
0x170: {  	v45 =	vld [tilespmem:s22+$0xB410];
	v13 =	vadd.f32 v37, v13;
	vm2 =	veq.f32 v37, $0.0e+00;
	v14 =	vadd.f32 v38, v14  }
0x171: {  	v38 =	vld [tilespmem:s22+$0xB820];
	v7 =	vadd.f32 v39, v7;
	vm3 =	veq.f32 v39, $0.0e+00;
	v37 =	vsel vm2, $0x3F800000, v3  }
0x172: {  	v46 =	vld [tilespmem:s22+$0xB800];
	v8 =	vadd.f32 v40, v8;
	vm2 =	veq.f32 v40, $0.0e+00;
	v40 =	vsel vm3, $0x3F800000, v3  }
0x173: {  	vm3 =	veq.f32 v42, $0.0e+00;
	v43 =	vld [tilespmem:s22+$0xB430];
	v47 =	vsel vm2, $0x3F800000, v3;
	vm2 =	veq.f32 v41, $0.0e+00  }
0x174: {  	v48 =	vsel vm3, $0x3F800000, v3;
	v39 =	vld [tilespmem:s22+$0xB460];
	v21 =	vadd.f32 v47, v21;
	vm3 =	veq.f32 v44, $0.0e+00  }
0x175: {  	v41 =	vld [tilespmem:s22+$0xB400];
	vm4 =	veq.f32 v45, $0.0e+00;
	v9 =	vadd.f32 v48, v9;
	v47 =	vsel vm3, $0x3F800000, v3  }
0x176: {  	v15 =	vadd.f32 v45, v15;
	v48 =	vsel vm4, $0x3F800000, v3;
	v44 =	vld [tilespmem:s22+$0xB450];
	v16 =	vadd.f32 v47, v16  }
.Ltmp2:
0x177: {  	v17 =	vadd.f32 v42, v17;
	v4 =	vadd.f32 v36, v4;
	v42 =	vsel vm2, $0x3F800000, v3;
	(pc) =	sbr.rel @p1 .LBB2_7-.Ltmp2, $4  }
0x178: {  	v18 =	vadd.f32 v42, v18;
	v45 =	vld [tilespmem:s22+$0xB470]  }
0x179: {  	v19 =	vadd.f32 v46, v19;
	vm2 =	veq.f32 v43, $0.0e+00;
	v10 =	vadd.f32 v39, v10  }
0x17a: {  	vm4 =	veq.f32 v38, $0.0e+00;
	v42 =	vsel vm2, $0x3F800000, v3;
	v20 =	vadd.f32 v41, v20  }
0x17b: {  	s20 =	sadd.s32 $0x80, s20;
	s23 =	smov.u32 s21;
	v5 =	vadd.f32 v48, v5;
	vm3 =	veq.f32 v46, $0.0e+00;
	vm2 =	veq.f32 v44, $0.0e+00  }
0x17c: {  	v46 =	vld @!p0 [tilespmem:s19+$0x50];
	_ =	sdelay $0x4  }
0x17d: {  	v47 =	vshll.u32 @!p0 v46, $0x1  }
0x17e: {  	v48 =	vlaneseq.u32 @!p0;
	v46 =	vand.u32 @!p0 $0x7, v46;
	v47 =	vand.u32 @!p0 $0xFFFFFFF0, v47  }
0x17f: {  	v49 =	vshrl.u32 @!p0 v48, $0x3;
	v46 =	vor.u32 @!p0 v46, v47;
	v47 =	vand.u32 @!p0 $0x7, v48  }
0x180: {  	v49 =	vmul.u32 @!p0 $0x8, v49;
	v50 =	vperm.xlane @!p0 v46, v47  }
0x181: {  	v48 =	vor.u32 @!p0 $0x8, v48  }
0x182: {  	v46 =	vperm.xlane @!p0 v46, v48;
	v50 =	vadd.s32 @!p0 v49, v50;
	_ =	sdelay $0x1  }
0x183: {  	v46 =	vadd.s32 @!p0 v49, v46;
	_ =	sdelay $0x1  }
0x184: {  	s20 =	simm.s32 @!p0 $0x0;
	s21 =	simm.s32 @!p0 $0xB400  }
0x185: {  	[tilespmem:s21], [sflag:$0x3] =	stream.indirect_vreg.gather @!p0 [hbm4b:s2+s20], $0x80, v50, vm1, $0xb8;
	[tilespmem:$0x1AC00] =	vst v63  }
0x186: {  	s21 =	simm.s32 @!p0 $0xBC00  }
0x187: {  	[tilespmem:s21], [sflag:$0x3] =	stream.indirect_vreg.gather @!p0 [hbm4b:s2+s20], $0x80, v46, vm1, $0xb8;
	[tilespmem:$0x1AC00] =	vst v63  }
0x188: {  	v46 =	vld @!p0 [tilespmem:s19+$0x60];
	_ =	sdelay $0x4  }
0x189: {  	v50 =	vshll.u32 @!p0 v46, $0x1  }
0x18a: {  	v46 =	vand.u32 @!p0 $0x7, v46;
	v50 =	vand.u32 @!p0 $0xFFFFFFF0, v50  }
0x18b: {  	v46 =	vor.u32 @!p0 v46, v50  }
0x18c: {  	v50 =	vperm.xlane @!p0 v46, v47;
	_ =	sdelay $0x1  }
0x18d: {  	v46 =	vperm.xlane @!p0 v46, v48;
	v48 =	vadd.s32 @!p0 v49, v50;
	_ =	sdelay $0x1  }
0x18e: {  	v46 =	vadd.s32 @!p0 v49, v46;
	_ =	sdelay $0x1  }
0x18f: {  	s21 =	simm.s32 @!p0 $0xC400  }
0x190: {  	[tilespmem:s21], [sflag:$0x3] =	stream.indirect_vreg.gather @!p0 [hbm4b:s2+s20], $0x80, v48, vm1, $0xb8;
	[tilespmem:$0x1AC00] =	vst v63  }
0x191: {  	s21 =	simm.s32 @!p0 $0xCC00  }
0x192: {  	[tilespmem:s21], [sflag:$0x3] =	stream.indirect_vreg.gather @!p0 [hbm4b:s2+s20], $0x80, v46, vm1, $0xb8;
	[tilespmem:$0x1AC00] =	vst v63  }
0x193: {  	v46 =	vld.msk @!p0 [tilespmem:s19+$0x70], $0xff;
	_ =	sdelay $0x4  }
0x194: {  	v48 =	vshll.u32 @!p0 v46, $0x1  }
0x195: {  	v46 =	vand.u32 @!p0 $0x7, v46;
	v48 =	vand.u32 @!p0 $0xFFFFFFF0, v48  }
0x196: {  	v46 =	vor.u32 @!p0 v46, v48  }
0x197: {  	v46 =	vperm.xlane @!p0 v46, v47;
	_ =	sdelay $0x1  }
0x198: {  	v46 =	vadd.s32 @!p0 v49, v46;
	_ =	sdelay $0x3  }
0x199: {  	s21 =	simm.s32 @!p0 $0xD400  }
0x19a: {  	[tilespmem:s21], [sflag:$0x3] =	stream.indirect_vreg.gather @!p0 [hbm4b:s2+s20], $0x80, v46, vm1, $0xb8;
	[tilespmem:$0x1AC00] =	vst v63  }
0x19b: {  	s23 =	simm.s32 $0x0;
	_ =	swait.ge [sflag:s13], $0x2800  }
0x19c: {  	s24 =	sand.u32 $0x3800, s23;
	s20 =	sand.u32 $0x380, s23;
	[sflag:s13] =	ssyncset.done $0x0  }
0x19d: {  	s20 =	sor.u32 s20, s24;
	[sflag:s13] =	ssyncadd.s32 $0xFFFFD800  }
0x19e: {  	vm5 =	veq.f32 v39, $0.0e+00;
	v39 =	vld [tilespmem:s20+$0xE050]  }
0x19f: {  	v61 =	vld [tilespmem:s20+$0xE070]  }
0x1a0: {  	v22 =	vadd.f32 v43, v22;
	v58 =	vsel vm4, $0x3F800000, v3;
	v63 =	vld [tilespmem:s20+$0xE060]  }
0x1a1: {  	v23 =	vadd.f32 v40, v23;
	v24 =	vadd.f32 v44, v24;
	v59 =	vsel vm3, $0x3F800000, v3;
	v52 =	vld [tilespmem:s20+$0xE040]  }
0x1a2: {  	vm3 =	veq.f32 v41, $0.0e+00;
	v34 =	vadd.f32 v38, v34;
	v26 =	vadd.f32 v37, v26;
	v54 =	vld [tilespmem:s20+$0xE030]  }
0x1a3: {  	v29 =	vadd.f32 v42, v29;
	v55 =	vsel vm2, $0x3F800000, v3;
	vm4 =	veq.f32 v45, $0.0e+00;
	v56 =	vld [tilespmem:s20+$0xE010]  }
0x1a4: {  	v35 =	vadd.f32 v45, v35;
	v25 =	vadd.f32 v59, v25;
	v62 =	vsel vm5, $0x3F800000, v3;
	v57 =	vld [tilespmem:s20+$0xDC20]  }
0x1a5: {  	v53 =	vsel vm3, $0x3F800000, v3;
	v31 =	vadd.f32 v58, v31;
	v32 =	vadd.f32 v55, v32;
	v44 =	vld [tilespmem:s20+$0xDC40]  }
0x1a6: {  	v60 =	vsel vm4, $0x3F800000, v3;
	vm4 =	veq.f32 v36, $0.0e+00;
	v27 =	vadd.f32 v62, v27;
	v59 =	vld [tilespmem:s20+$0xDC10]  }
0x1a7: {  	v33 =	vadd.f32 v53, v33;
	v51 =	vsel vm4, $0x3F800000, v3;
	v28 =	vadd.f32 v60, v28;
	v60 =	vld [tilespmem:s20+$0xE000]  }
0x1a8: {  	v30 =	vadd.f32 v51, v30;
	v46 =	vld [tilespmem:s20+$0xDC00];
	v6 =	vadd.f32 v39, v6  }
0x1a9: {  	v11 =	vadd.f32 v61, v11;
	v12 =	vadd.f32 v63, v12  }
0x1aa: {  	vm2 =	veq.f32 v61, $0.0e+00;
	v13 =	vadd.f32 v52, v13;
	v36 =	vadd.f32 v54, v7  }
0x1ab: {  	vm3 =	veq.f32 v54, $0.0e+00;
	v37 =	vadd.f32 v56, v8;
	v17 =	vadd.f32 v57, v17  }
0x1ac: {  	vm4 =	veq.f32 v59, $0.0e+00;
	v40 =	vadd.f32 v44, v4;
	v19 =	vadd.f32 v60, v19  }
0x1ad: {  	v45 =	vld [tilespmem:s20+$0xE020];
	v20 =	vadd.f32 v46, v20;
	v58 =	vsel vm2, $0x3F800000, v3;
	vm2 =	veq.f32 v52, $0.0e+00  }
0x1ae: {  	v8 =	vld [tilespmem:s20+$0xDC60];
	v43 =	vsel vm3, $0x3F800000, v3;
	vm3 =	veq.f32 v57, $0.0e+00;
	v14 =	vadd.f32 v58, v14  }
0x1af: {  	v47 =	vld [tilespmem:s20+$0xDC30];
	v7 =	vsel vm2, $0x3F800000, v3;
	vm2 =	veq.f32 v56, $0.0e+00;
	v62 =	vsel vm3, $0x3F800000, v3  }
0x1b0: {  	vm3 =	veq.f32 v39, $0.0e+00;
	v39 =	vadd.f32 v59, v15;
	v15 =	vld [tilespmem:s20+$0xDC50];
	v61 =	vsel vm2, $0x3F800000, v3  }
0x1b1: {  	vm2 =	veq.f32 v63, $0.0e+00;
	v38 =	vadd.f32 v62, v9;
	v9 =	vsel vm3, $0x3F800000, v3  }
0x1b2: {  	v63 =	vsel vm4, $0x3F800000, v3;
	vm4 =	veq.f32 v45, $0.0e+00;
	v21 =	vadd.f32 v61, v21  }
0x1b3: {  	vm3 =	veq.f32 v60, $0.0e+00;
	v16 =	vadd.f32 v9, v16;
	v41 =	vadd.f32 v8, v10;
	v10 =	vld [tilespmem:s20+$0xDC70]  }
0x1b4: {  	v9 =	vsel vm2, $0x3F800000, v3;
	vm2 =	veq.f32 v47, $0.0e+00;
	v42 =	vadd.f32 v63, v5  }
0x1b5: {  	s23 =	simm.s32 $0x100;
	v18 =	vadd.f32 v9, v18;
	v9 =	vsel vm2, $0x3F800000, v3;
	s20 =	simm.s32 $0x80;
	vm2 =	veq.f32 v15, $0.0e+00  }
.LBB2_9:
0x1b6: {  	s21 =	smov.u32 s23  }
0x1b7: {  	s22 =	sand.u32 $0x3800, s23;
	s24 =	sand.u32 $0x380, s20;
	v22 =	vadd.f32 v47, v22;
	v4 =	vsel vm4, $0x3F800000, v3;
	v23 =	vadd.f32 v43, v23;
	s21 =	sadd.s32 $0x100, s23  }
0x1b8: {  	p1 =	sne.s32 s23, $0x2700;
	v24 =	vadd.f32 v15, v24;
	v5 =	vsel vm3, $0x3F800000, v3;
	s22 =	sor.u32 s24, s22;
	vm4 =	veq.f32 v10, $0.0e+00  }
0x1b9: {  	vm3 =	veq.f32 v46, $0.0e+00;
	vm5 =	veq.f32 v8, $0.0e+00;
	v34 =	vadd.f32 v45, v34;
	v15 =	vld [tilespmem:s22+$0xE050]  }
0x1ba: {  	v35 =	vadd.f32 v10, v35;
	v25 =	vadd.f32 v5, v25;
	v10 =	vsel vm4, $0x3F800000, v3;
	v8 =	vld [tilespmem:s22+$0xE070]  }
0x1bb: {  	v26 =	vadd.f32 v7, v26;
	v43 =	vsel vm5, $0x3F800000, v3;
	vm4 =	veq.f32 v44, $0.0e+00;
	v5 =	vld [tilespmem:s22+$0xE060]  }
0x1bc: {  	v27 =	vadd.f32 v43, v27;
	v44 =	vsel vm4, $0x3F800000, v3;
	v28 =	vadd.f32 v10, v28;
	v7 =	vld [tilespmem:s22+$0xE040]  }
0x1bd: {  	v29 =	vadd.f32 v9, v29;
	v43 =	vsel vm3, $0x3F800000, v3;
	v30 =	vadd.f32 v44, v30;
	v10 =	vld [tilespmem:s22+$0xE030]  }
0x1be: {  	v31 =	vadd.f32 v4, v31;
	v44 =	vsel vm2, $0x3F800000, v3;
	v9 =	vld [tilespmem:s22+$0xE010];
	v6 =	vadd.f32 v15, v6  }
0x1bf: {  	v32 =	vadd.f32 v44, v32;
	v4 =	vld [tilespmem:s22+$0xDC20];
	v11 =	vadd.f32 v8, v11;
	vm2 =	veq.f32 v8, $0.0e+00  }
0x1c0: {  	v33 =	vadd.f32 v43, v33;
	v44 =	vld [tilespmem:s22+$0xDC40];
	v12 =	vadd.f32 v5, v12;
	v8 =	vsel vm2, $0x3F800000, v3  }
0x1c1: {  	v48 =	vld [tilespmem:s22+$0xDC10];
	v13 =	vadd.f32 v7, v13;
	vm2 =	veq.f32 v7, $0.0e+00;
	v14 =	vadd.f32 v8, v14  }
0x1c2: {  	v45 =	vld [tilespmem:s22+$0xE020];
	v36 =	vadd.f32 v10, v36;
	vm3 =	veq.f32 v10, $0.0e+00;
	v7 =	vsel vm2, $0x3F800000, v3  }
0x1c3: {  	v49 =	vld [tilespmem:s22+$0xE000];
	v37 =	vadd.f32 v9, v37;
	vm2 =	veq.f32 v9, $0.0e+00;
	v43 =	vsel vm3, $0x3F800000, v3  }
0x1c4: {  	vm3 =	veq.f32 v4, $0.0e+00;
	v47 =	vld [tilespmem:s22+$0xDC30];
	v9 =	vsel vm2, $0x3F800000, v3;
	vm2 =	veq.f32 v5, $0.0e+00  }
0x1c5: {  	v5 =	vsel vm3, $0x3F800000, v3;
	v8 =	vld [tilespmem:s22+$0xDC60];
	v21 =	vadd.f32 v9, v21;
	vm3 =	veq.f32 v15, $0.0e+00  }
0x1c6: {  	v46 =	vld [tilespmem:s22+$0xDC00];
	vm4 =	veq.f32 v48, $0.0e+00;
	v38 =	vadd.f32 v5, v38;
	v5 =	vsel vm3, $0x3F800000, v3  }
0x1c7: {  	v39 =	vadd.f32 v48, v39;
	v48 =	vsel vm4, $0x3F800000, v3;
	v15 =	vld [tilespmem:s22+$0xDC50];
	v16 =	vadd.f32 v5, v16  }
.Ltmp3:
0x1c8: {  	v17 =	vadd.f32 v4, v17;
	v40 =	vadd.f32 v44, v40;
	v4 =	vsel vm2, $0x3F800000, v3;
	(pc) =	sbr.rel @p1 .LBB2_9-.Ltmp3, $4  }
0x1c9: {  	v18 =	vadd.f32 v4, v18;
	v10 =	vld [tilespmem:s22+$0xDC70]  }
0x1ca: {  	v19 =	vadd.f32 v49, v19;
	vm2 =	veq.f32 v47, $0.0e+00;
	v41 =	vadd.f32 v8, v41  }
0x1cb: {  	vm4 =	veq.f32 v45, $0.0e+00;
	v9 =	vsel vm2, $0x3F800000, v3;
	v20 =	vadd.f32 v46, v20  }
0x1cc: {  	s20 =	sadd.s32 $0x80, s20;
	s23 =	smov.u32 s21;
	v42 =	vadd.f32 v48, v42;
	vm3 =	veq.f32 v49, $0.0e+00;
	vm2 =	veq.f32 v15, $0.0e+00  }
0x1cd: {  	v4 =	vld @!p0 [tilespmem:s19+$0x78];
	_ =	sdelay $0x4  }
0x1ce: {  	v5 =	vshll.u32 @!p0 v4, $0x1  }
0x1cf: {  	v48 =	vlaneseq.u32 @!p0;
	v4 =	vand.u32 @!p0 $0x7, v4;
	v5 =	vand.u32 @!p0 $0xFFFFFFF0, v5  }
0x1d0: {  	v49 =	vshrl.u32 @!p0 v48, $0x3;
	v4 =	vor.u32 @!p0 v4, v5;
	v5 =	vand.u32 @!p0 $0x7, v48  }
0x1d1: {  	v49 =	vmul.u32 @!p0 $0x8, v49;
	v50 =	vperm.xlane @!p0 v4, v5  }
0x1d2: {  	v48 =	vor.u32 @!p0 $0x8, v48  }
0x1d3: {  	v4 =	vperm.xlane @!p0 v4, v48;
	v50 =	vadd.s32 @!p0 v49, v50;
	_ =	sdelay $0x1  }
0x1d4: {  	v4 =	vadd.s32 @!p0 v49, v4;
	_ =	sdelay $0x1  }
0x1d5: {  	s20 =	simm.s32 @!p0 $0x0;
	s21 =	simm.s32 @!p0 $0xDC00  }
0x1d6: {  	[tilespmem:s21], [sflag:$0x4] =	stream.indirect_vreg.gather @!p0 [hbm4b:s2+s20], $0x80, v50, vm1, $0xb8;
	[tilespmem:$0x1AC00] =	vst v63  }
0x1d7: {  	s21 =	simm.s32 @!p0 $0xE400  }
0x1d8: {  	[tilespmem:s21], [sflag:$0x4] =	stream.indirect_vreg.gather @!p0 [hbm4b:s2+s20], $0x80, v4, vm1, $0xb8;
	[tilespmem:$0x1AC00] =	vst v63  }
0x1d9: {  	v4 =	vld @!p0 [tilespmem:s19+$0x88];
	_ =	sdelay $0x4  }
0x1da: {  	v50 =	vshll.u32 @!p0 v4, $0x1  }
0x1db: {  	v4 =	vand.u32 @!p0 $0x7, v4;
	v50 =	vand.u32 @!p0 $0xFFFFFFF0, v50  }
0x1dc: {  	v4 =	vor.u32 @!p0 v4, v50  }
0x1dd: {  	v50 =	vperm.xlane @!p0 v4, v5;
	_ =	sdelay $0x1  }
0x1de: {  	v4 =	vperm.xlane @!p0 v4, v48;
	v48 =	vadd.s32 @!p0 v49, v50;
	_ =	sdelay $0x1  }
0x1df: {  	v4 =	vadd.s32 @!p0 v49, v4;
	_ =	sdelay $0x1  }
0x1e0: {  	s21 =	simm.s32 @!p0 $0xEC00  }
0x1e1: {  	[tilespmem:s21], [sflag:$0x4] =	stream.indirect_vreg.gather @!p0 [hbm4b:s2+s20], $0x80, v48, vm1, $0xb8;
	[tilespmem:$0x1AC00] =	vst v63  }
0x1e2: {  	s21 =	simm.s32 @!p0 $0xF400  }
0x1e3: {  	[tilespmem:s21], [sflag:$0x4] =	stream.indirect_vreg.gather @!p0 [hbm4b:s2+s20], $0x80, v4, vm1, $0xb8;
	[tilespmem:$0x1AC00] =	vst v63  }
0x1e4: {  	v4 =	vld.msk @!p0 [tilespmem:s19+$0x98], $0xff;
	_ =	sdelay $0x4  }
0x1e5: {  	v48 =	vshll.u32 @!p0 v4, $0x1  }
0x1e6: {  	v4 =	vand.u32 @!p0 $0x7, v4;
	v48 =	vand.u32 @!p0 $0xFFFFFFF0, v48  }
0x1e7: {  	v4 =	vor.u32 @!p0 v4, v48  }
0x1e8: {  	v4 =	vperm.xlane @!p0 v4, v5;
	_ =	sdelay $0x1  }
0x1e9: {  	v4 =	vadd.s32 @!p0 v49, v4;
	_ =	sdelay $0x3  }
0x1ea: {  	s21 =	simm.s32 @!p0 $0xFC00  }
0x1eb: {  	[tilespmem:s21], [sflag:$0x4] =	stream.indirect_vreg.gather @!p0 [hbm4b:s2+s20], $0x80, v4, vm1, $0xb8;
	[tilespmem:$0x1AC00] =	vst v63  }
0x1ec: {  	s23 =	simm.s32 $0x0;
	_ =	swait.ge [sflag:s14], $0x2800  }
0x1ed: {  	s24 =	sand.u32 $0x3800, s23;
	s20 =	sand.u32 $0x380, s23;
	[sflag:s14] =	ssyncset.done $0x0  }
0x1ee: {  	v43 =	vadd.f32 v43, v23;
	s20 =	sor.u32 s20, s24;
	[sflag:s14] =	ssyncadd.s32 $0xFFFFD800  }
0x1ef: {  	v23 =	vadd.f32 v15, v24;
	v15 =	vsel vm3, $0x3F800000, v3;
	vm5 =	veq.f32 v8, $0.0e+00;
	v57 =	vld [tilespmem:s20+$0x10850]  }
0x1f0: {  	v8 =	vadd.f32 v10, v35;
	v5 =	vsel vm4, $0x3F800000, v3;
	vm4 =	veq.f32 v10, $0.0e+00;
	v58 =	vld [tilespmem:s20+$0x10870]  }
0x1f1: {  	v4 =	vadd.f32 v45, v34;
	v34 =	vadd.f32 v15, v25;
	v15 =	vsel vm5, $0x3F800000, v3;
	v59 =	vld [tilespmem:s20+$0x10860]  }
0x1f2: {  	v10 =	vsel vm4, $0x3F800000, v3;
	vm4 =	veq.f32 v44, $0.0e+00;
	v24 =	vadd.f32 v15, v27;
	v15 =	vld [tilespmem:s20+$0x10840]  }
0x1f3: {  	v35 =	vadd.f32 v7, v26;
	v7 =	vsel vm4, $0x3F800000, v3;
	v60 =	vld [tilespmem:s20+$0x10830]  }
0x1f4: {  	v22 =	vadd.f32 v47, v22;
	v27 =	vadd.f32 v7, v30;
	v30 =	vld [tilespmem:s20+$0x10810]  }
0x1f5: {  	vm3 =	veq.f32 v46, $0.0e+00;
	v25 =	vadd.f32 v10, v28;
	v28 =	vadd.f32 v5, v31;
	v31 =	vld [tilespmem:s20+$0x10410]  }
0x1f6: {  	v26 =	vadd.f32 v9, v29;
	v10 =	vsel vm3, $0x3F800000, v3;
	v7 =	vsel vm2, $0x3F800000, v3;
	v61 =	vld [tilespmem:s20+$0x10420]  }
0x1f7: {  	v33 =	vadd.f32 v10, v33;
	v29 =	vadd.f32 v7, v32  }
0x1f8: {  	v6 =	vadd.f32 v57, v6;
	v5 =	vadd.f32 v58, v11;
	vm2 =	veq.f32 v58, $0.0e+00  }
0x1f9: {  	v44 =	vld [tilespmem:s20+$0x10440];
	v7 =	vadd.f32 v59, v12;
	v9 =	vadd.f32 v15, v13;
	vm3 =	veq.f32 v60, $0.0e+00  }
0x1fa: {  	v62 =	vld [tilespmem:s20+$0x10800];
	v11 =	vadd.f32 v30, v37;
	vm4 =	veq.f32 v31, $0.0e+00;
	v31 =	vadd.f32 v31, v39  }
0x1fb: {  	v47 =	vld [tilespmem:s20+$0x10430];
	v32 =	vadd.f32 v61, v17;
	v10 =	vsel vm2, $0x3F800000, v3;
	vm2 =	veq.f32 v15, $0.0e+00  }
0x1fc: {  	v48 =	vld [tilespmem:s20+$0x10400];
	v46 =	vsel vm3, $0x3F800000, v3;
	vm3 =	veq.f32 v61, $0.0e+00;
	v63 =	vsel vm4, $0x3F800000, v3  }
0x1fd: {  	v37 =	vld [tilespmem:s20+$0x10460];
	v12 =	vadd.f32 v10, v14;
	v10 =	vadd.f32 v60, v36;
	v45 =	vsel vm2, $0x3F800000, v3  }
0x1fe: {  	v39 =	vld [tilespmem:s20+$0x10450];
	vm2 =	veq.f32 v30, $0.0e+00;
	v14 =	vsel vm3, $0x3F800000, v3;
	vm3 =	veq.f32 v57, $0.0e+00  }
0x1ff: {  	v15 =	vld [tilespmem:s20+$0x10820];
	v13 =	vsel vm2, $0x3F800000, v3;
	vm2 =	veq.f32 v59, $0.0e+00;
	v36 =	vadd.f32 v14, v38  }
0x200: {  	v30 =	vadd.f32 v13, v21;
	v13 =	vsel vm3, $0x3F800000, v3;
	vm3 =	veq.f32 v62, $0.0e+00  }
0x201: {  	v21 =	vadd.f32 v13, v16;
	v13 =	vsel vm2, $0x3F800000, v3;
	v16 =	vadd.f32 v44, v40  }
0x202: {  	vm2 =	veq.f32 v47, $0.0e+00;
	v17 =	vadd.f32 v13, v18;
	v13 =	vadd.f32 v62, v19;
	v19 =	vld [tilespmem:s20+$0x10470]  }
0x203: {  	v14 =	vadd.f32 v37, v41;
	v18 =	vadd.f32 v48, v20;
	v38 =	vsel vm2, $0x3F800000, v3  }
0x204: {  	s23 =	simm.s32 $0x100;
	vm4 =	veq.f32 v15, $0.0e+00;
	v20 =	vadd.f32 v63, v42;
	vm2 =	veq.f32 v39, $0.0e+00;
	s20 =	simm.s32 $0x80  }
.LBB2_11:
0x205: {  	s21 =	smov.u32 s23  }
0x206: {  	s22 =	sand.u32 $0x3800, s23;
	s24 =	sand.u32 $0x380, s20;
	v22 =	vadd.f32 v47, v22;
	v40 =	vsel vm4, $0x3F800000, v3;
	v43 =	vadd.f32 v46, v43;
	s21 =	sadd.s32 $0x100, s23  }
0x207: {  	p1 =	sne.s32 s23, $0x2700;
	v23 =	vadd.f32 v39, v23;
	v39 =	vsel vm3, $0x3F800000, v3;
	s22 =	sor.u32 s24, s22;
	vm4 =	veq.f32 v19, $0.0e+00  }
0x208: {  	vm3 =	veq.f32 v48, $0.0e+00;
	vm5 =	veq.f32 v37, $0.0e+00;
	v4 =	vadd.f32 v15, v4;
	v41 =	vld [tilespmem:s22+$0x10850]  }
0x209: {  	v8 =	vadd.f32 v19, v8;
	v34 =	vadd.f32 v39, v34;
	v19 =	vsel vm4, $0x3F800000, v3;
	v15 =	vld [tilespmem:s22+$0x10870]  }
0x20a: {  	v35 =	vadd.f32 v45, v35;
	v39 =	vsel vm5, $0x3F800000, v3;
	vm4 =	veq.f32 v44, $0.0e+00;
	v37 =	vld [tilespmem:s22+$0x10860]  }
0x20b: {  	v24 =	vadd.f32 v39, v24;
	v44 =	vsel vm4, $0x3F800000, v3;
	v25 =	vadd.f32 v19, v25;
	v42 =	vld [tilespmem:s22+$0x10840]  }
0x20c: {  	v26 =	vadd.f32 v38, v26;
	v39 =	vsel vm3, $0x3F800000, v3;
	v27 =	vadd.f32 v44, v27;
	v19 =	vld [tilespmem:s22+$0x10830]  }
0x20d: {  	v28 =	vadd.f32 v40, v28;
	v44 =	vsel vm2, $0x3F800000, v3;
	v38 =	vld [tilespmem:s22+$0x10810];
	v6 =	vadd.f32 v41, v6  }
0x20e: {  	v29 =	vadd.f32 v44, v29;
	v40 =	vld [tilespmem:s22+$0x10420];
	v5 =	vadd.f32 v15, v5;
	vm2 =	veq.f32 v15, $0.0e+00  }
0x20f: {  	v33 =	vadd.f32 v39, v33;
	v44 =	vld [tilespmem:s22+$0x10440];
	v7 =	vadd.f32 v37, v7;
	v15 =	vsel vm2, $0x3F800000, v3  }
0x210: {  	v39 =	vld [tilespmem:s22+$0x10410];
	v9 =	vadd.f32 v42, v9;
	vm2 =	veq.f32 v42, $0.0e+00;
	v12 =	vadd.f32 v15, v12  }
0x211: {  	v15 =	vld [tilespmem:s22+$0x10820];
	v10 =	vadd.f32 v19, v10;
	vm3 =	veq.f32 v19, $0.0e+00;
	v45 =	vsel vm2, $0x3F800000, v3  }
0x212: {  	v42 =	vld [tilespmem:s22+$0x10800];
	v11 =	vadd.f32 v38, v11;
	vm2 =	veq.f32 v38, $0.0e+00;
	v46 =	vsel vm3, $0x3F800000, v3  }
0x213: {  	vm3 =	veq.f32 v40, $0.0e+00;
	v47 =	vld [tilespmem:s22+$0x10430];
	v19 =	vsel vm2, $0x3F800000, v3;
	vm2 =	veq.f32 v37, $0.0e+00  }
0x214: {  	v38 =	vsel vm3, $0x3F800000, v3;
	v37 =	vld [tilespmem:s22+$0x10460];
	v30 =	vadd.f32 v19, v30;
	vm3 =	veq.f32 v41, $0.0e+00  }
0x215: {  	v48 =	vld [tilespmem:s22+$0x10400];
	vm4 =	veq.f32 v39, $0.0e+00;
	v36 =	vadd.f32 v38, v36;
	v19 =	vsel vm3, $0x3F800000, v3  }
0x216: {  	v31 =	vadd.f32 v39, v31;
	v41 =	vsel vm4, $0x3F800000, v3;
	v39 =	vld [tilespmem:s22+$0x10450];
	v21 =	vadd.f32 v19, v21  }
.Ltmp4:
0x217: {  	v32 =	vadd.f32 v40, v32;
	v16 =	vadd.f32 v44, v16;
	v38 =	vsel vm2, $0x3F800000, v3;
	(pc) =	sbr.rel @p1 .LBB2_11-.Ltmp4, $4  }
0x218: {  	v17 =	vadd.f32 v38, v17;
	v19 =	vld [tilespmem:s22+$0x10470]  }
0x219: {  	v13 =	vadd.f32 v42, v13;
	vm2 =	veq.f32 v47, $0.0e+00;
	v14 =	vadd.f32 v37, v14  }
0x21a: {  	vm4 =	veq.f32 v15, $0.0e+00;
	v38 =	vsel vm2, $0x3F800000, v3;
	v18 =	vadd.f32 v48, v18  }
0x21b: {  	s20 =	sadd.s32 $0x80, s20;
	s23 =	smov.u32 s21;
	v20 =	vadd.f32 v41, v20;
	vm3 =	veq.f32 v42, $0.0e+00;
	vm2 =	veq.f32 v39, $0.0e+00  }
0x21c: {  	v40 =	vld @!p0 [tilespmem:s19+$0xA0];
	_ =	sdelay $0x4  }
0x21d: {  	v41 =	vshll.u32 @!p0 v40, $0x1  }
0x21e: {  	v42 =	vlaneseq.u32 @!p0;
	v40 =	vand.u32 @!p0 $0x7, v40;
	v41 =	vand.u32 @!p0 $0xFFFFFFF0, v41  }
0x21f: {  	v49 =	vshrl.u32 @!p0 v42, $0x3;
	v40 =	vor.u32 @!p0 v40, v41;
	v41 =	vand.u32 @!p0 $0x7, v42  }
0x220: {  	v49 =	vmul.u32 @!p0 $0x8, v49;
	v50 =	vperm.xlane @!p0 v40, v41  }
0x221: {  	v42 =	vor.u32 @!p0 $0x8, v42  }
0x222: {  	v40 =	vperm.xlane @!p0 v40, v42;
	v50 =	vadd.s32 @!p0 v49, v50;
	_ =	sdelay $0x1  }
0x223: {  	v40 =	vadd.s32 @!p0 v49, v40;
	_ =	sdelay $0x1  }
0x224: {  	s20 =	simm.s32 @!p0 $0x0;
	s21 =	simm.s32 @!p0 $0x10400  }
0x225: {  	[tilespmem:s21], [sflag:$0x5] =	stream.indirect_vreg.gather @!p0 [hbm4b:s2+s20], $0x80, v50, vm1, $0xb8;
	[tilespmem:$0x1AC00] =	vst v63  }
0x226: {  	s21 =	simm.s32 @!p0 $0x10C00  }
0x227: {  	[tilespmem:s21], [sflag:$0x5] =	stream.indirect_vreg.gather @!p0 [hbm4b:s2+s20], $0x80, v40, vm1, $0xb8;
	[tilespmem:$0x1AC00] =	vst v63  }
0x228: {  	v40 =	vld @!p0 [tilespmem:s19+$0xB0];
	_ =	sdelay $0x4  }
0x229: {  	v50 =	vshll.u32 @!p0 v40, $0x1  }
0x22a: {  	v40 =	vand.u32 @!p0 $0x7, v40;
	v50 =	vand.u32 @!p0 $0xFFFFFFF0, v50  }
0x22b: {  	v40 =	vor.u32 @!p0 v40, v50  }
0x22c: {  	v50 =	vperm.xlane @!p0 v40, v41;
	_ =	sdelay $0x1  }
0x22d: {  	vm5 =	veq.f32 v48, $0.0e+00;
	v40 =	vperm.xlane @!p0 v40, v42;
	v42 =	vadd.s32 @!p0 v49, v50  }
0x22e: {  	v36 =	vsub.f32 $2.000000000e+02, v36;
	v48 =	vsel vm5, $0x3F800000, v3  }
0x22f: {  	v22 =	vadd.f32 v47, v22;
	v33 =	vadd.f32 v48, v33;
	v40 =	vadd.s32 @!p0 v49, v40  }
0x230: {  	v54 =	vadd.f32 v46, v43;
	v55 =	vadd.f32 v39, v23  }
0x231: {  	v56 =	vsel vm3, $0x3F800000, v3;
	vm3 =	veq.f32 v37, $0.0e+00;
	v33 =	vsub.f32 $2.000000000e+02, v33;
	s21 =	simm.s32 @!p0 $0x11400  }
0x232: {  	vm15 =	veq.f32 v44, $0.0e+00;
	v35 =	vadd.f32 v45, v35;
	v20 =	vsub.f32 $2.000000000e+02, v20;
	[tilespmem:s21], [sflag:$0x5] =	stream.indirect_vreg.gather @!p0 [hbm4b:s2+s20], $0x80, v42, vm1, $0xb8;
	[tilespmem:$0x1AC00] =	vst v63  }
0x233: {  	v26 =	vadd.f32 v38, v26;
	v60 =	vsel vm2, $0x3F800000, v3;
	v33 =	vmax.f32 v33, $1.000000000e+00;
	s21 =	simm.s32 @!p0 $0x11C00  }
0x234: {  	v21 =	vsub.f32 $2.000000000e+02, v21;
	v20 =	vmax.f32 v20, $1.000000000e+00;
	(erf) = vrcp.f32 v33;
	[tilespmem:s21], [sflag:$0x5] =	stream.indirect_vreg.gather @!p0 [hbm4b:s2+s20], $0x80, v40, vm1, $0xb8;
	[tilespmem:$0x1AC00] =	vst v63  }
0x235: {  	v17 =	vsub.f32 $2.000000000e+02, v17;
	v52 =	vmax.f32 v36, $1.000000000e+00;
	(erf) = vrcp.f32 v20;
	v33 =	vld.msk @!p0 [tilespmem:s19+$0xC0], $0xff  }
0x236: {  	vm14 =	veq.f32 v19, $0.0e+00;
	v23 =	vadd.f32 v56, v34;
	(erf) = vrcp.f32 v52  }
0x237: {  	v58 =	vsel vm3, $0x3F800000, v3;
	v59 =	vsel vm15, $0x3F800000, v3;
	v29 =	vadd.f32 v60, v29  }
0x238: {  	v57 =	vsel vm14, $0x3F800000, v3;
	v24 =	vadd.f32 v58, v24;
	v27 =	vadd.f32 v59, v27  }
0x239: {  	v53 =	vsel vm4, $0x3F800000, v3;
	v26 =	vsub.f32 $2.000000000e+02, v26;
	v25 =	vadd.f32 v57, v25  }
0x23a: {  	v29 =	vsub.f32 $2.000000000e+02, v29;
	v23 =	vsub.f32 $2.000000000e+02, v23;
	v39 =	vshll.u32 @!p0 v33, $0x1  }
0x23b: {  	v27 =	vsub.f32 $2.000000000e+02, v27;
	v33 =	vand.u32 @!p0 $0x7, v33;
	v39 =	vand.u32 @!p0 $0xFFFFFFF0, v39  }
0x23c: {  	v26 =	vmax.f32 v26, $1.000000000e+00;
	v24 =	vsub.f32 $2.000000000e+02, v24;
	v33 =	vor.u32 @!p0 v33, v39  }
0x23d: {  	v36 =	vmax.f32 v27, $1.000000000e+00;
	v61 =	vpop (erf);
	(erf) = vrcp.f32 v26;
	v33 =	vperm.xlane @!p0 v33, v41  }
0x23e: {  	v37 =	vmax.f32 v29, $1.000000000e+00;
	v25 =	vsub.f32 $2.000000000e+02, v25;
	v62 =	vpop (erf);
	(erf) = vrcp.f32 v36  }
0x23f: {  	v24 =	vmax.f32 v24, $1.000000000e+00;
	v63 =	vpop (erf);
	(erf) = vrcp.f32 v37;
	v33 =	vadd.s32 @!p0 v49, v33  }
0x240: {  	v28 =	vadd.f32 v53, v28;
	v38 =	vmax.f32 v25, $1.000000000e+00;
	(erf) = vrcp.f32 v24  }
0x241: {  	v23 =	vmax.f32 v23, $1.000000000e+00;
	(erf) = vrcp.f32 v38;
	v39 =	vsub.f32 $2.000000000e+02, v30  }
0x242: {  	v12 =	vsub.f32 $2.000000000e+02, v12;
	(erf) = vrcp.f32 v23;
	v41 =	vsub.f32 $2.000000000e+02, v28  }
0x243: {  	s23 =	sshll.u32 s17, $0x8;
	s24 =	sshll.u32 s17, $0x7;
	v8 =	vadd.f32 v19, v8;
	v43 =	vsub.f32 $2.000000000e+02, v54;
	s19 =	simm.s32 @!p0 $0x12400;
	v42 =	vmax.f32 v39, $1.000000000e+00  }
0x244: {  	v45 =	vsub.f32 $2.000000000e+02, v35;
	(erf) = vrcp.f32 v42;
	v44 =	vmax.f32 v41, $1.000000000e+00;
	[tilespmem:s19], [sflag:$0x5] =	stream.indirect_vreg.gather @!p0 [hbm4b:s2+s20], $0x80, v33, vm1, $0xb8;
	[tilespmem:$0x1AC00] =	vst v63  }
0x245: {  	s17 =	sand.u32 $0x380, s24;
	v46 =	vmax.f32 v43, $1.000000000e+00;
	v18 =	vmul.f32 v61, v18;
	(erf) = vrcp.f32 v44;
	s19 =	sand.u32 $0x7800, s23  }
0x246: {  	v47 =	vmax.f32 v45, $1.000000000e+00;
	v31 =	vmul.f32 v62, v31;
	v48 =	vpop (erf);
	(erf) = vrcp.f32 v46;
	s17 =	sor.u32 s17, s19  }
0x247: {  	v21 =	vmax.f32 v21, $1.000000000e+00;
	v32 =	vmul.f32 v63, v32;
	v49 =	vpop (erf);
	(erf) = vrcp.f32 v47;
	s19 =	sadd.s32 $0x12C00, s17;
	[tilespmem:s17+$0x12C00] =	vst v18  }
0x248: {  	v17 =	vmax.f32 v17, $1.000000000e+00;
	v16 =	vmul.f32 v49, v16;
	v50 =	vpop (erf);
	(erf) = vrcp.f32 v21;
	[tilespmem:s19+$0x10] =	vst v31  }
0x249: {  	v12 =	vmax.f32 v12, $1.000000000e+00;
	v51 =	vmul.f32 v50, v55;
	v52 =	vpop (erf);
	(erf) = vrcp.f32 v17;
	[tilespmem:s19+$0x20] =	vst v32  }
0x24a: {  	v53 =	vpop (erf);
	v14 =	vmul.f32 v52, v14;
	(erf) = vrcp.f32 v12;
	[tilespmem:s19+$0x40] =	vst v16  }
0x24b: {  	v54 =	vpop (erf);
	v8 =	vmul.f32 v53, v8;
	[tilespmem:s19+$0x50] =	vst v51  }
0x24c: {  	v13 =	vmul.f32 v54, v13;
	[tilespmem:s19+$0x60] =	vst v14  }
0x24d: {  	v4 =	vadd.f32 v15, v4;
	v18 =	vmul.f32 v48, v22;
	[tilespmem:s19+$0x70] =	vst v8;
	v55 =	vpop (erf)  }
0x24e: {  	[tilespmem:s19+$0x400] =	vst v13;
	v56 =	vpop (erf);
	v57 =	vmul.f32 v55, v11  }
0x24f: {  	[tilespmem:s19+$0x30] =	vst v18;
	v58 =	vpop (erf);
	v4 =	vmul.f32 v56, v4  }
0x250: {  	v59 =	vpop (erf);
	[tilespmem:s19+$0x410] =	vst v57;
	v60 =	vmul.f32 v58, v10  }
0x251: {  	p0 =	sne.s32 s18, $0x80;
	v61 =	vpop (erf);
	[tilespmem:s19+$0x420] =	vst v4;
	v4 =	vmul.f32 v59, v9  }
.Ltmp5:
0x252: {  	v62 =	vpop (erf);
	[tilespmem:s19+$0x430] =	vst v60;
	v6 =	vmul.f32 v61, v6;
	(pc) =	sbr.rel @p0 .LBB2_2-.Ltmp5, $4  }
0x253: {  	[tilespmem:s19+$0x440] =	vst v4;
	v4 =	vmul.f32 v62, v7;
	v63 =	vpop (erf)  }
0x254: {  	[tilespmem:s19+$0x450] =	vst v6;
	v5 =	vmul.f32 v63, v5  }
0x255: {  	[tilespmem:s19+$0x460] =	vst v4  }
0x256: {  	s17 =	smov.u32 s18;
	[tilespmem:s19+$0x470] =	vst v5  }
0x257: {  	s16 =	sadd.s32 $0x1, s16  }
0x258: {  	p0 =	sne.s32 s16, s6  }
.Ltmp6:
0x259: {  	_ = 	snop;
	(pc) =	sbr.rel @p0 .LBB2_1-.Ltmp6, $4  }
0x25a: {  	[hbm4b:s5+s3] =	stream.linear.scatter [tilespmem:s15], [sflag:$0x6], $0x8000, $0x38;
	[tilespmem:$0x1AC00] =	vst v63  }
0x25b: {  	_ =	swait.ge [sflag:s9], $0x8000  }
0x25c: {  	[sflag:s9] =	ssyncset.done $0x0  }
0x25d: {  	[sflag:s9] =	ssyncadd.s32 $0xFFFF8000  }
0x25e: {  	_ =	sfence.sel $0x180000  }
0x25f: {  	[bflag:$0x0] =	sbarrier.arrive $0xFFFF  }
0x260: {  	_ =	strace $0x90000047  }
0x261: {  	s0 =	stileid.u32;
	[bflag:$0x2] =	sbarrier.arrive $0xFFFF  }
0x262: {  	p0 =	sne.s32 s0, $0x0;
	s0 =	rddreg [dreg:$0x2]  }
0x263: {  	s0 =	sadd.s32 @!p0 $0x100000, s0  }
0x264: {  	[sflag:s0] =	ssyncadd.tile.s32 @!p0 $0x1;
	_ =	shalt  }
.Lfunc_end2:
_tile_overlayer_lowered:
.L_overlay_start_2:
0x265: {  	(tag) =	ssettag $0x2  }
0x266: {  	s0 =	rddreg [dreg:$0x0];
	s2 =	stileid.u32  }
0x267: {  	s1 =	rddreg [dreg:$0x1];
	p0 =	sne.s32 s2, $0x0  }
0x268: {  	s3 =	rddreg [dreg:$0x2];
	[bflag:$0x3] =	sbarrier.arrive $0xFFFF;
	s2 =	simm.s32 @!p0 $0x1C06  }
0x269: {  	[timem:s3], [sflag:s2] =	dma.local @!p0 [hbm:s0], s1  }
0x26a: {  	s0 =	simm.s32 @!p0 $0x6  }
0x26b: {  	_ =	swait.ge @!p0 [sflag:s0], s1  }
0x26c: {  	s1 =	ssub.s32 @!p0 $0x0, s1;
	[sflag:s0] =	ssyncset.done @!p0 $0x0  }
0x26d: {  	[sflag:s0] =	ssyncadd.s32 @!p0 s1  }
0x26e: {  	[bflag:$0x3] =	sbarrier.arrive $0xFFFF  }
0x26f: {  	_ =	shalt  }

</sc_bundles>
